<compile_context>
chip_gen: v7x
topology: tpu7x:2x2x1
jax: 0.10.2.dev20260603
libtpu: 0.0.44.dev20260713+nightly
codegen_flags: <defaults>
</compile_context>

<pallas_src>
import functools

import jax
import jax.numpy as jnp
from jax import lax
from jax.experimental import pallas as pl
from jax.experimental.pallas import tpu as pltpu
from jax.experimental.pallas import tpu_sc as plsc


def _topk_body(m1_ref, m2_ref, i3_ref, i4_ref):
    B, C = m1_ref.shape
    half = C // 2
    ii = lax.broadcasted_iota(jnp.int32, (B, C, C), 1)
    jj = lax.broadcasted_iota(jnp.int32, (B, C, C), 2)
    boff = lax.broadcasted_iota(jnp.int32, (B, half), 0) * C

    def perm_of(m):
        mi = m[:, :, None]
        mj = m[:, None, :]
        hit = (mj > mi) | ((mj == mi) & (jj < ii))
        rank = jnp.sum(hit.astype(jnp.int32), axis=2)
        er = rank[:, :, None] == jj
        perm = jnp.sum(jnp.where(er, ii, 0), axis=1)
        return perm[:, :half] + boff

    i3_ref[...] = perm_of(m1_ref[...])
    i4_ref[...] = perm_of(m2_ref[...])


def kernel(x1, x2):
    B, C, H, W = x1.shape
    half = C // 2

    m1 = jnp.mean(x1, axis=(2, 3))
    m2 = jnp.mean(x2, axis=(2, 3))

    i3, i4 = pl.pallas_call(
        _topk_body,
        out_shape=[
            jax.ShapeDtypeStruct((B, half), jnp.int32),
            jax.ShapeDtypeStruct((B, half), jnp.int32),
        ],
    )(m1, m2)

    i3f = i3.reshape(B * half)
    i4f = i4.reshape(B * half)
    x1v = x1.reshape(B * C, H, W)
    x2v = x2.reshape(B * C, H, W)

    nworkers = 32
    rpw = (B * C) // nworkers
    nw_half = nworkers // 2

    mesh = plsc.VectorSubcoreMesh(core_axis_name="c", subcore_axis_name="s")

    @functools.partial(
        pl.kernel,
        mesh=mesh,
        out_type=jax.ShapeDtypeStruct((B * C, H, W), jnp.float32),
        scratch_types=[
            pltpu.VMEM((rpw,), jnp.int32),
            pltpu.VMEM((1, H, W), jnp.float32),
            pltpu.VMEM((1, H, W), jnp.float32),
            pltpu.SemaphoreType.DMA,
            pltpu.SemaphoreType.DMA,
        ],
    )
    def sc_gather(x1_hbm, x2_hbm, i3_hbm, i4_hbm, out_hbm,
                  idx_vmem, buf0, buf1, sem0, sem1):
        cid = lax.axis_index("c")
        sid = lax.axis_index("s")
        wid = sid * 2 + cid

        def do_half(x_hbm, idx_hbm, base, j0):
            pltpu.sync_copy(idx_hbm.at[pl.ds(j0, rpw)], idx_vmem)
            bb = j0 // half
            r0 = bb * C + base + (j0 - bb * half)
            v0 = idx_vmem[pl.ds(0, 16)]
            v1 = idx_vmem[pl.ds(rpw - 16, 16)]

            def row_at(i):
                return v0[i] if i < 16 else v1[i - (rpw - 16)]

            bufs = (buf0, buf1)
            sems = (sem0, sem1)
            handles = [
                pltpu.async_copy(x_hbm.at[pl.ds(row_at(0), 1)], bufs[0], sems[0])
            ]
            for i in range(rpw):
                handles[i].wait()
                if i + 1 < rpw:
                    handles.append(
                        pltpu.async_copy(
                            x_hbm.at[pl.ds(row_at(i + 1), 1)],
                            bufs[(i + 1) % 2],
                            sems[(i + 1) % 2],
                        )
                    )
                pltpu.sync_copy(bufs[i % 2], out_hbm.at[pl.ds(r0 + i, 1)])

        @pl.when(wid < nw_half)
        def _h0():
            do_half(x1_hbm, i3_hbm, 0, wid * rpw)

        @pl.when(wid >= nw_half)
        def _h1():
            do_half(x2_hbm, i4_hbm, half, (wid - nw_half) * rpw)

    out = sc_gather(x1v, x2v, i3f, i4f)
    return out.reshape(B, C, H, W)

# --- scband reference (transcript-rebuilt; emitter-appended) ---
"""Pipeline reference for scband-fusion-feature-65962107732845 (READ-ONLY COPY).

The authoritative reference and input builder live on the scoring server;
editing this copy changes nothing except your own understanding.
"""

import jax, jax.numpy as jnp
import numpy as np


def setup_inputs(seed: int = 0) -> dict:
    key = jax.random.key(seed)
    k1, k2 = jax.random.split(key)
    B, C, H, W = 2, 384, 224, 224
    x1 = jax.random.normal(k1, (B, C, H, W), dtype=jnp.float32)
    x2 = jax.random.normal(k2, (B, C, H, W), dtype=jnp.float32)
    return {"x1": x1, "x2": x2}


def reference(x1, x2):
    # adaptive_avg_pool2d to (1,1) == global mean over H,W
    B, C, H, W = x1.shape
    half = C // 2
    x3 = jnp.mean(x1, axis=(2, 3))  # [B, C]
    x4 = jnp.mean(x2, axis=(2, 3))  # [B, C]
    # torch.sort(descending=True) -> argsort of negated values
    indices3 = jnp.argsort(-x3, axis=1)  # [B, C]
    indices4 = jnp.argsort(-x4, axis=1)
    top_indices3 = indices3[:, :half]  # [B, C//2]
    top_indices4 = indices4[:, :half]
    # gather along channel dim; index constant across spatial dims
    T3 = jnp.take_along_axis(x1, top_indices3[:, :, None, None], axis=1)  # [B, C//2, H, W]
    T4 = jnp.take_along_axis(x2, top_indices4[:, :, None, None], axis=1)
    out = jnp.concatenate((T3, T4), axis=1)  # [B, C, H, W]
    return out

if __name__ == "__main__":
    import jax
    _d = setup_inputs()
    print(jax.jit(kernel)(*tuple(_d.values())))

</pallas_src>

<mosaic_0001>
#map = affine_map<(d0, d1) -> (0, 0, 0)>
#map1 = affine_map<(d0, d1) -> (0)>
module attributes {stable_mosaic.version = 14 : i64} {
  func.func @sc_gather(%arg0: i32, %arg1: i32, %arg2: memref<768x224x224xf32, #tpu.memory_space<hbm>>, %arg3: memref<768x224x224xf32, #tpu.memory_space<hbm>>, %arg4: memref<384xi32, #tpu.memory_space<hbm>>, %arg5: memref<384xi32, #tpu.memory_space<hbm>>, %arg6: memref<768x224x224xf32, #tpu.memory_space<hbm>>, %arg7: memref<24xi32, #tpu.memory_space<vmem>>, %arg8: memref<1x224x224xf32, #tpu.memory_space<vmem>>, %arg9: memref<1x224x224xf32, #tpu.memory_space<vmem>>, %arg10: memref<!tpu.dma_semaphore, #tpu.memory_space<semaphore_mem>>, %arg11: memref<!tpu.dma_semaphore, #tpu.memory_space<semaphore_mem>>) attributes {dimension_semantics = [#tpu.dimension_semantics<core_parallel>, #tpu.dimension_semantics<subcore_parallel>], iteration_bounds = array<i64: 2, 16>, scalar_prefetch = 0 : i64, scratch_operands = 5 : i64, tpu.core_type = #tpu.core_type<sc_vector_subcore>, window_params = [{transform_indices = #map}, {transform_indices = #map}, {transform_indices = #map1}, {transform_indices = #map1}, {transform_indices = #map}]} {
    %mul3A = arith.constant 2 : i32
    %mul3A_0 = arith.muli %arg1, %mul3A : i32
    %add3A = arith.addi %mul3A_0, %arg0 : i32
    %lt3A = arith.constant 16 : i32
    %lt3A_1 = arith.cmpi slt, %add3A, %lt3A : i32
    %convert_element_type3A = arith.extui %lt3A_1 : i1 to i32
    %cond3A = arith.constant 0 : i32
    %cond3A_2 = arith.cmpi ne, %convert_element_type3A, %cond3A : i32
    scf.if %cond3A_2 {
      %mul3A_7 = arith.constant 24 : i32
      %mul3A_8 = arith.muli %add3A, %mul3A_7 : i32
      "tpu.region"() ({
        %run_scoped3A = tpu.sem_alloc : memref<!tpu.dma_semaphore, #tpu.memory_space<semaphore_mem>>
        %dma_start3A_418 = tpu.memref_slice %arg4[%mul3A_8] : memref<384xi32, #tpu.memory_space<hbm>> -> memref<24xi32, #tpu.memory_space<hbm>>
        %dma_start3A_419 = tpu.memref_slice %arg4[%mul3A_8] : memref<384xi32, #tpu.memory_space<hbm>> -> memref<24xi32, #tpu.memory_space<hbm>>
        tpu.enqueue_dma source(%dma_start3A_419 : memref<24xi32, #tpu.memory_space<hbm>>) target(%arg7 : memref<24xi32, #tpu.memory_space<vmem>>) target_semaphore(%run_scoped3A : memref<!tpu.dma_semaphore, #tpu.memory_space<semaphore_mem>>)
        %dma_wait3A_420 = tpu.memref_slice %arg4[%mul3A_8] : memref<384xi32, #tpu.memory_space<hbm>> -> memref<24xi32, #tpu.memory_space<hbm>>
        %dma_wait3A_421 = tpu.memref_slice %arg4[%mul3A_8] : memref<384xi32, #tpu.memory_space<hbm>> -> memref<24xi32, #tpu.memory_space<hbm>>
        tpu.wait_dma2 semaphore(%run_scoped3A : memref<!tpu.dma_semaphore, #tpu.memory_space<semaphore_mem>>) src(%dma_wait3A_421 : memref<24xi32, #tpu.memory_space<hbm>>) dst(%arg7 : memref<24xi32, #tpu.memory_space<vmem>>)
        tpu.yield
      }) : () -> ()
      %jit3A = arith.constant 192 : i32
      %div3A = arith.divsi %mul3A_8, %jit3A : i32
      %sign3A = arith.constant 0 : i32
      %sign3A_9 = arith.cmpi sgt, %mul3A_8, %sign3A : i32
      %sign3A_10 = arith.extui %sign3A_9 : i1 to i32
      %sign3A_11 = arith.constant 0 : i32
      %sign3A_12 = arith.cmpi slt, %mul3A_8, %sign3A_11 : i32
      %sign3A_13 = arith.extui %sign3A_12 : i1 to i32
      %sign3A_14 = arith.subi %sign3A_10, %sign3A_13 : i32
      %sign3A_15 = arith.constant 0 : i32
      %sign3A_16 = arith.cmpi sgt, %jit3A, %sign3A_15 : i32
      %sign3A_17 = arith.extui %sign3A_16 : i1 to i32
      %sign3A_18 = arith.constant 0 : i32
      %sign3A_19 = arith.cmpi slt, %jit3A, %sign3A_18 : i32
      %sign3A_20 = arith.extui %sign3A_19 : i1 to i32
      %sign3A_21 = arith.subi %sign3A_17, %sign3A_20 : i32
      %ne3A = arith.cmpi ne, %sign3A_14, %sign3A_21 : i32
      %rem3A = arith.remsi %mul3A_8, %jit3A : i32
      %ne3A_22 = arith.constant 0 : i32
      %ne3A_23 = arith.cmpi ne, %rem3A, %ne3A_22 : i32
      %and3A = arith.andi %ne3A, %ne3A_23 : i1
      %sub3A = arith.constant 1 : i32
      %sub3A_24 = arith.subi %div3A, %sub3A : i32
      %select_n3A = arith.select %and3A, %sub3A_24, %div3A : i32
      %mul3A_25 = arith.constant 384 : i32
      %mul3A_26 = arith.muli %select_n3A, %mul3A_25 : i32
      %add3A_27 = arith.constant 0 : i32
      %add3A_28 = arith.addi %mul3A_26, %add3A_27 : i32
      %mul3A_29 = arith.constant 192 : i32
      %mul3A_30 = arith.muli %select_n3A, %mul3A_29 : i32
      %sub3A_31 = arith.subi %mul3A_8, %mul3A_30 : i32
      %add3A_32 = arith.addi %add3A_28, %sub3A_31 : i32
      %get3A = arith.constant 0 : index
      %get3A_33 = tpu.vector_load %arg7[%get3A] {strides = array<i32>} : memref<24xi32, #tpu.memory_space<vmem>>, vector<16xi32>,
      %get3A_34 = vector.shape_cast %get3A_33 : vector<16xi32> to vector<16xi32>
      %get3A_35 = arith.constant 8 : index
      %get3A_36 = tpu.vector_load %arg7[%get3A_35] {strides = array<i32>} : memref<24xi32, #tpu.memory_space<vmem>>, vector<16xi32>,
      %get3A_37 = vector.shape_cast %get3A_36 : vector<16xi32> to vector<16xi32>
      %slice3A = vector.extract_strided_slice %get3A_34 {offsets = [0], sizes = [1], strides = [1]} : vector<16xi32> to vector<1xi32>
      %squeeze3A = vector.extract %slice3A[0] : i32 from vector<1xi32>
      %dma_start3A = arith.constant 0 : i32
      %dma_start3A_38 = arith.constant 0 : i32
      %dma_start3A_39 = tpu.memref_slice %arg2[%squeeze3A, %dma_start3A, %dma_start3A_38] : memref<768x224x224xf32, #tpu.memory_space<hbm>> -> memref<1x224x224xf32, #tpu.memory_space<hbm>>
      %dma_start3A_40 = arith.constant 0 : i32
      %dma_start3A_41 = arith.constant 0 : i32
      %dma_start3A_42 = tpu.memref_slice %arg2[%squeeze3A, %dma_start3A_40, %dma_start3A_41] : memref<768x224x224xf32, #tpu.memory_space<hbm>> -> memref<1x224x224xf32, #tpu.memory_space<hbm>>
      tpu.enqueue_dma source(%dma_start3A_42 : memref<1x224x224xf32, #tpu.memory_space<hbm>>) target(%arg8 : memref<1x224x224xf32, #tpu.memory_space<vmem>>) target_semaphore(%arg10 : memref<!tpu.dma_semaphore, #tpu.memory_space<semaphore_mem>>)
      %dma_wait3A = arith.constant 0 : i32
      %dma_wait3A_43 = arith.constant 0 : i32
      %dma_wait3A_44 = tpu.memref_slice %arg2[%squeeze3A, %dma_wait3A, %dma_wait3A_43] : memref<768x224x224xf32, #tpu.memory_space<hbm>> -> memref<1x224x224xf32, #tpu.memory_space<hbm>>
      %dma_wait3A_45 = arith.constant 0 : i32
      %dma_wait3A_46 = arith.constant 0 : i32
      %dma_wait3A_47 = tpu.memref_slice %arg2[%squeeze3A, %dma_wait3A_45, %dma_wait3A_46] : memref<768x224x224xf32, #tpu.memory_space<hbm>> -> memref<1x224x224xf32, #tpu.memory_space<hbm>>
      tpu.wait_dma2 semaphore(%arg10 : memref<!tpu.dma_semaphore, #tpu.memory_space<semaphore_mem>>) src(%dma_wait3A_47 : memref<1x224x224xf32, #tpu.memory_space<hbm>>) dst(%arg8 : memref<1x224x224xf32, #tpu.memory_space<vmem>>)
      %slice3A_48 = vector.extract_strided_slice %get3A_34 {offsets = [1], sizes = [1], strides = [1]} : vector<16xi32> to vector<1xi32>
      %squeeze3A_49 = vector.extract %slice3A_48[0] : i32 from vector<1xi32>
      %dma_start3A_50 = arith.constant 0 : i32
      %dma_start3A_51 = arith.constant 0 : i32
      %dma_start3A_52 = tpu.memref_slice %arg2[%squeeze3A_49, %dma_start3A_50, %dma_start3A_51] : memref<768x224x224xf32, #tpu.memory_space<hbm>> -> memref<1x224x224xf32, #tpu.memory_space<hbm>>
      %dma_start3A_53 = arith.constant 0 : i32
      %dma_start3A_54 = arith.constant 0 : i32
      %dma_start3A_55 = tpu.memref_slice %arg2[%squeeze3A_49, %dma_start3A_53, %dma_start3A_54] : memref<768x224x224xf32, #tpu.memory_space<hbm>> -> memref<1x224x224xf32, #tpu.memory_space<hbm>>
      tpu.enqueue_dma source(%dma_start3A_55 : memref<1x224x224xf32, #tpu.memory_space<hbm>>) target(%arg9 : memref<1x224x224xf32, #tpu.memory_space<vmem>>) target_semaphore(%arg11 : memref<!tpu.dma_semaphore, #tpu.memory_space<semaphore_mem>>)
      %add3A_56 = arith.constant 0 : i32
      %add3A_57 = arith.addi %add3A_32, %add3A_56 : i32
      "tpu.region"() ({
        %run_scoped3A = tpu.sem_alloc : memref<!tpu.dma_semaphore, #tpu.memory_space<semaphore_mem>>
        %dma_start3A_418 = arith.constant 0 : i32
        %dma_start3A_419 = arith.constant 0 : i32
        %dma_start3A_420 = tpu.memref_slice %arg6[%add3A_57, %dma_start3A_418, %dma_start3A_419] : memref<768x224x224xf32, #tpu.memory_space<hbm>> -> memref<1x224x224xf32, #tpu.memory_space<hbm>>
        %dma_start3A_421 = arith.constant 0 : i32
        %dma_start3A_422 = arith.constant 0 : i32
        %dma_start3A_423 = tpu.memref_slice %arg6[%add3A_57, %dma_start3A_421, %dma_start3A_422] : memref<768x224x224xf32, #tpu.memory_space<hbm>> -> memref<1x224x224xf32, #tpu.memory_space<hbm>>
        tpu.enqueue_dma source(%arg8 : memref<1x224x224xf32, #tpu.memory_space<vmem>>) target(%dma_start3A_423 : memref<1x224x224xf32, #tpu.memory_space<hbm>>) target_semaphore(%run_scoped3A : memref<!tpu.dma_semaphore, #tpu.memory_space<semaphore_mem>>)
        %dma_wait3A_424 = arith.constant 0 : i32
        %dma_wait3A_425 = arith.constant 0 : i32
        %dma_wait3A_426 = tpu.memref_slice %arg6[%add3A_57, %dma_wait3A_424, %dma_wait3A_425] : memref<768x224x224xf32, #tpu.memory_space<hbm>> -> memref<1x224x224xf32, #tpu.memory_space<hbm>>
        %dma_wait3A_427 = arith.constant 0 : i32
        %dma_wait3A_428 = arith.constant 0 : i32
        %dma_wait3A_429 = tpu.memref_slice %arg6[%add3A_57, %dma_wait3A_427, %dma_wait3A_428] : memref<768x224x224xf32, #tpu.memory_space<hbm>> -> memref<1x224x224xf32, #tpu.memory_space<hbm>>
        tpu.wait_dma2 semaphore(%run_scoped3A : memref<!tpu.dma_semaphore, #tpu.memory_space<semaphore_mem>>) src(%arg8 : memref<1x224x224xf32, #tpu.memory_space<vmem>>) dst(%dma_wait3A_429 : memref<1x224x224xf32, #tpu.memory_space<hbm>>)
        tpu.yield
      }) : () -> ()
      %dma_wait3A_58 = arith.constant 0 : i32
      %dma_wait3A_59 = arith.constant 0 : i32
      %dma_wait3A_60 = tpu.memref_slice %arg2[%squeeze3A_49, %dma_wait3A_58, %dma_wait3A_59] : memref<768x224x224xf32, #tpu.memory_space<hbm>> -> memref<1x224x224xf32, #tpu.memory_space<hbm>>
      %dma_wait3A_61 = arith.constant 0 : i32
      %dma_wait3A_62 = arith.constant 0 : i32
      %dma_wait3A_63 = tpu.memref_slice %arg2[%squeeze3A_49, %dma_wait3A_61, %dma_wait3A_62] : memref<768x224x224xf32, #tpu.memory_space<hbm>> -> memref<1x224x224xf32, #tpu.memory_space<hbm>>
      tpu.wait_dma2 semaphore(%arg11 : memref<!tpu.dma_semaphore, #tpu.memory_space<semaphore_mem>>) src(%dma_wait3A_63 : memref<1x224x224xf32, #tpu.memory_space<hbm>>) dst(%arg9 : memref<1x224x224xf32, #tpu.memory_space<vmem>>)
      %slice3A_64 = vector.extract_strided_slice %get3A_34 {offsets = [2], sizes = [1], strides = [1]} : vector<16xi32> to vector<1xi32>
      %squeeze3A_65 = vector.extract %slice3A_64[0] : i32 from vector<1xi32>
      %dma_start3A_66 = arith.constant 0 : i32
      %dma_start3A_67 = arith.constant 0 : i32
      %dma_start3A_68 = tpu.memref_slice %arg2[%squeeze3A_65, %dma_start3A_66, %dma_start3A_67] : memref<768x224x224xf32, #tpu.memory_space<hbm>> -> memref<1x224x224xf32, #tpu.memory_space<hbm>>
      %dma_start3A_69 = arith.constant 0 : i32
      %dma_start3A_70 = arith.constant 0 : i32
      %dma_start3A_71 = tpu.memref_slice %arg2[%squeeze3A_65, %dma_start3A_69, %dma_start3A_70] : memref<768x224x224xf32, #tpu.memory_space<hbm>> -> memref<1x224x224xf32, #tpu.memory_space<hbm>>
      tpu.enqueue_dma source(%dma_start3A_71 : memref<1x224x224xf32, #tpu.memory_space<hbm>>) target(%arg8 : memref<1x224x224xf32, #tpu.memory_space<vmem>>) target_semaphore(%arg10 : memref<!tpu.dma_semaphore, #tpu.memory_space<semaphore_mem>>)
      %add3A_72 = arith.constant 1 : i32
      %add3A_73 = arith.addi %add3A_32, %add3A_72 : i32
      "tpu.region"() ({
        %run_scoped3A = tpu.sem_alloc : memref<!tpu.dma_semaphore, #tpu.memory_space<semaphore_mem>>
        %dma_start3A_418 = arith.constant 0 : i32
        %dma_start3A_419 = arith.constant 0 : i32
        %dma_start3A_420 = tpu.memref_slice %arg6[%add3A_73, %dma_start3A_418, %dma_start3A_419] : memref<768x224x224xf32, #tpu.memory_space<hbm>> -> memref<1x224x224xf32, #tpu.memory_space<hbm>>
        %dma_start3A_421 = arith.constant 0 : i32
        %dma_start3A_422 = arith.constant 0 : i32
        %dma_start3A_423 = tpu.memref_slice %arg6[%add3A_73, %dma_start3A_421, %dma_start3A_422] : memref<768x224x224xf32, #tpu.memory_space<hbm>> -> memref<1x224x224xf32, #tpu.memory_space<hbm>>
        tpu.enqueue_dma source(%arg9 : memref<1x224x224xf32, #tpu.memory_space<vmem>>) target(%dma_start3A_423 : memref<1x224x224xf32, #tpu.memory_space<hbm>>) target_semaphore(%run_scoped3A : memref<!tpu.dma_semaphore, #tpu.memory_space<semaphore_mem>>)
        %dma_wait3A_424 = arith.constant 0 : i32
        %dma_wait3A_425 = arith.constant 0 : i32
        %dma_wait3A_426 = tpu.memref_slice %arg6[%add3A_73, %dma_wait3A_424, %dma_wait3A_425] : memref<768x224x224xf32, #tpu.memory_space<hbm>> -> memref<1x224x224xf32, #tpu.memory_space<hbm>>
        %dma_wait3A_427 = arith.constant 0 : i32
        %dma_wait3A_428 = arith.constant 0 : i32
        %dma_wait3A_429 = tpu.memref_slice %arg6[%add3A_73, %dma_wait3A_427, %dma_wait3A_428] : memref<768x224x224xf32, #tpu.memory_space<hbm>> -> memref<1x224x224xf32, #tpu.memory_space<hbm>>
        tpu.wait_dma2 semaphore(%run_scoped3A : memref<!tpu.dma_semaphore, #tpu.memory_space<semaphore_mem>>) src(%arg9 : memref<1x224x224xf32, #tpu.memory_space<vmem>>) dst(%dma_wait3A_429 : memref<1x224x224xf32, #tpu.memory_space<hbm>>)
        tpu.yield
      }) : () -> ()
      %dma_wait3A_74 = arith.constant 0 : i32
      %dma_wait3A_75 = arith.constant 0 : i32
      %dma_wait3A_76 = tpu.memref_slice %arg2[%squeeze3A_65, %dma_wait3A_74, %dma_wait3A_75] : memref<768x224x224xf32, #tpu.memory_space<hbm>> -> memref<1x224x224xf32, #tpu.memory_space<hbm>>
      %dma_wait3A_77 = arith.constant 0 : i32
      %dma_wait3A_78 = arith.constant 0 : i32
      %dma_wait3A_79 = tpu.memref_slice %arg2[%squeeze3A_65, %dma_wait3A_77, %dma_wait3A_78] : memref<768x224x224xf32, #tpu.memory_space<hbm>> -> memref<1x224x224xf32, #tpu.memory_space<hbm>>
      tpu.wait_dma2 semaphore(%arg10 : memref<!tpu.dma_semaphore, #tpu.memory_space<semaphore_mem>>) src(%dma_wait3A_79 : memref<1x224x224xf32, #tpu.memory_space<hbm>>) dst(%arg8 : memref<1x224x224xf32, #tpu.memory_space<vmem>>)
      %slice3A_80 = vector.extract_strided_slice %get3A_34 {offsets = [3], sizes = [1], strides = [1]} : vector<16xi32> to vector<1xi32>
      %squeeze3A_81 = vector.extract %slice3A_80[0] : i32 from vector<1xi32>
      %dma_start3A_82 = arith.constant 0 : i32
      %dma_start3A_83 = arith.constant 0 : i32
      %dma_start3A_84 = tpu.memref_slice %arg2[%squeeze3A_81, %dma_start3A_82, %dma_start3A_83] : memref<768x224x224xf32, #tpu.memory_space<hbm>> -> memref<1x224x224xf32, #tpu.memory_space<hbm>>
      %dma_start3A_85 = arith.constant 0 : i32
      %dma_start3A_86 = arith.constant 0 : i32
      %dma_start3A_87 = tpu.memref_slice %arg2[%squeeze3A_81, %dma_start3A_85, %dma_start3A_86] : memref<768x224x224xf32, #tpu.memory_space<hbm>> -> memref<1x224x224xf32, #tpu.memory_space<hbm>>
      tpu.enqueue_dma source(%dma_start3A_87 : memref<1x224x224xf32, #tpu.memory_space<hbm>>) target(%arg9 : memref<1x224x224xf32, #tpu.memory_space<vmem>>) target_semaphore(%arg11 : memref<!tpu.dma_semaphore, #tpu.memory_space<semaphore_mem>>)
      %add3A_88 = arith.constant 2 : i32
      %add3A_89 = arith.addi %add3A_32, %add3A_88 : i32
      "tpu.region"() ({
        %run_scoped3A = tpu.sem_alloc : memref<!tpu.dma_semaphore, #tpu.memory_space<semaphore_mem>>
        %dma_start3A_418 = arith.constant 0 : i32
        %dma_start3A_419 = arith.constant 0 : i32
        %dma_start3A_420 = tpu.memref_slice %arg6[%add3A_89, %dma_start3A_418, %dma_start3A_419] : memref<768x224x224xf32, #tpu.memory_space<hbm>> -> memref<1x224x224xf32, #tpu.memory_space<hbm>>
        %dma_start3A_421 = arith.constant 0 : i32
        %dma_start3A_422 = arith.constant 0 : i32
        %dma_start3A_423 = tpu.memref_slice %arg6[%add3A_89, %dma_start3A_421, %dma_start3A_422] : memref<768x224x224xf32, #tpu.memory_space<hbm>> -> memref<1x224x224xf32, #tpu.memory_space<hbm>>
        tpu.enqueue_dma source(%arg8 : memref<1x224x224xf32, #tpu.memory_space<vmem>>) target(%dma_start3A_423 : memref<1x224x224xf32, #tpu.memory_space<hbm>>) target_semaphore(%run_scoped3A : memref<!tpu.dma_semaphore, #tpu.memory_space<semaphore_mem>>)
        %dma_wait3A_424 = arith.constant 0 : i32
        %dma_wait3A_425 = arith.constant 0 : i32
        %dma_wait3A_426 = tpu.memref_slice %arg6[%add3A_89, %dma_wait3A_424, %dma_wait3A_425] : memref<768x224x224xf32, #tpu.memory_space<hbm>> -> memref<1x224x224xf32, #tpu.memory_space<hbm>>
        %dma_wait3A_427 = arith.constant 0 : i32
        %dma_wait3A_428 = arith.constant 0 : i32
        %dma_wait3A_429 = tpu.memref_slice %arg6[%add3A_89, %dma_wait3A_427, %dma_wait3A_428] : memref<768x224x224xf32, #tpu.memory_space<hbm>> -> memref<1x224x224xf32, #tpu.memory_space<hbm>>
        tpu.wait_dma2 semaphore(%run_scoped3A : memref<!tpu.dma_semaphore, #tpu.memory_space<semaphore_mem>>) src(%arg8 : memref<1x224x224xf32, #tpu.memory_space<vmem>>) dst(%dma_wait3A_429 : memref<1x224x224xf32, #tpu.memory_space<hbm>>)
        tpu.yield
      }) : () -> ()
      %dma_wait3A_90 = arith.constant 0 : i32
      %dma_wait3A_91 = arith.constant 0 : i32
      %dma_wait3A_92 = tpu.memref_slice %arg2[%squeeze3A_81, %dma_wait3A_90, %dma_wait3A_91] : memref<768x224x224xf32, #tpu.memory_space<hbm>> -> memref<1x224x224xf32, #tpu.memory_space<hbm>>
      %dma_wait3A_93 = arith.constant 0 : i32
      %dma_wait3A_94 = arith.constant 0 : i32
      %dma_wait3A_95 = tpu.memref_slice %arg2[%squeeze3A_81, %dma_wait3A_93, %dma_wait3A_94] : memref<768x224x224xf32, #tpu.memory_space<hbm>> -> memref<1x224x224xf32, #tpu.memory_space<hbm>>
      tpu.wait_dma2 semaphore(%arg11 : memref<!tpu.dma_semaphore, #tpu.memory_space<semaphore_mem>>) src(%dma_wait3A_95 : memref<1x224x224xf32, #tpu.memory_space<hbm>>) dst(%arg9 : memref<1x224x224xf32, #tpu.memory_space<vmem>>)
      %slice3A_96 = vector.extract_strided_slice %get3A_34 {offsets = [4], sizes = [1], strides = [1]} : vector<16xi32> to vector<1xi32>
      %squeeze3A_97 = vector.extract %slice3A_96[0] : i32 from vector<1xi32>
      %dma_start3A_98 = arith.constant 0 : i32
      %dma_start3A_99 = arith.constant 0 : i32
      %dma_start3A_100 = tpu.memref_slice %arg2[%squeeze3A_97, %dma_start3A_98, %dma_start3A_99] : memref<768x224x224xf32, #tpu.memory_space<hbm>> -> memref<1x224x224xf32, #tpu.memory_space<hbm>>
      %dma_start3A_101 = arith.constant 0 : i32
      %dma_start3A_102 = arith.constant 0 : i32
      %dma_start3A_103 = tpu.memref_slice %arg2[%squeeze3A_97, %dma_start3A_101, %dma_start3A_102] : memref<768x224x224xf32, #tpu.memory_space<hbm>> -> memref<1x224x224xf32, #tpu.memory_space<hbm>>
      tpu.enqueue_dma source(%dma_start3A_103 : memref<1x224x224xf32, #tpu.memory_space<hbm>>) target(%arg8 : memref<1x224x224xf32, #tpu.memory_space<vmem>>) target_semaphore(%arg10 : memref<!tpu.dma_semaphore, #tpu.memory_space<semaphore_mem>>)
      %add3A_104 = arith.constant 3 : i32
      %add3A_105 = arith.addi %add3A_32, %add3A_104 : i32
      "tpu.region"() ({
        %run_scoped3A = tpu.sem_alloc : memref<!tpu.dma_semaphore, #tpu.memory_space<semaphore_mem>>
        %dma_start3A_418 = arith.constant 0 : i32
        %dma_start3A_419 = arith.constant 0 : i32
        %dma_start3A_420 = tpu.memref_slice %arg6[%add3A_105, %dma_start3A_418, %dma_start3A_419] : memref<768x224x224xf32, #tpu.memory_space<hbm>> -> memref<1x224x224xf32, #tpu.memory_space<hbm>>
        %dma_start3A_421 = arith.constant 0 : i32
        %dma_start3A_422 = arith.constant 0 : i32
        %dma_start3A_423 = tpu.memref_slice %arg6[%add3A_105, %dma_start3A_421, %dma_start3A_422] : memref<768x224x224xf32, #tpu.memory_space<hbm>> -> memref<1x224x224xf32, #tpu.memory_space<hbm>>
        tpu.enqueue_dma source(%arg9 : memref<1x224x224xf32, #tpu.memory_space<vmem>>) target(%dma_start3A_423 : memref<1x224x224xf32, #tpu.memory_space<hbm>>) target_semaphore(%run_scoped3A : memref<!tpu.dma_semaphore, #tpu.memory_space<semaphore_mem>>)
        %dma_wait3A_424 = arith.constant 0 : i32
        %dma_wait3A_425 = arith.constant 0 : i32
        %dma_wait3A_426 = tpu.memref_slice %arg6[%add3A_105, %dma_wait3A_424, %dma_wait3A_425] : memref<768x224x224xf32, #tpu.memory_space<hbm>> -> memref<1x224x224xf32, #tpu.memory_space<hbm>>
        %dma_wait3A_427 = arith.constant 0 : i32
        %dma_wait3A_428 = arith.constant 0 : i32
        %dma_wait3A_429 = tpu.memref_slice %arg6[%add3A_105, %dma_wait3A_427, %dma_wait3A_428] : memref<768x224x224xf32, #tpu.memory_space<hbm>> -> memref<1x224x224xf32, #tpu.memory_space<hbm>>
        tpu.wait_dma2 semaphore(%run_scoped3A : memref<!tpu.dma_semaphore, #tpu.memory_space<semaphore_mem>>) src(%arg9 : memref<1x224x224xf32, #tpu.memory_space<vmem>>) dst(%dma_wait3A_429 : memref<1x224x224xf32, #tpu.memory_space<hbm>>)
        tpu.yield
      }) : () -> ()
      %dma_wait3A_106 = arith.constant 0 : i32
      %dma_wait3A_107 = arith.constant 0 : i32
      %dma_wait3A_108 = tpu.memref_slice %arg2[%squeeze3A_97, %dma_wait3A_106, %dma_wait3A_107] : memref<768x224x224xf32, #tpu.memory_space<hbm>> -> memref<1x224x224xf32, #tpu.memory_space<hbm>>
      %dma_wait3A_109 = arith.constant 0 : i32
      %dma_wait3A_110 = arith.constant 0 : i32
      %dma_wait3A_111 = tpu.memref_slice %arg2[%squeeze3A_97, %dma_wait3A_109, %dma_wait3A_110] : memref<768x224x224xf32, #tpu.memory_space<hbm>> -> memref<1x224x224xf32, #tpu.memory_space<hbm>>
      tpu.wait_dma2 semaphore(%arg10 : memref<!tpu.dma_semaphore, #tpu.memory_space<semaphore_mem>>) src(%dma_wait3A_111 : memref<1x224x224xf32, #tpu.memory_space<hbm>>) dst(%arg8 : memref<1x224x224xf32, #tpu.memory_space<vmem>>)
      %slice3A_112 = vector.extract_strided_slice %get3A_34 {offsets = [5], sizes = [1], strides = [1]} : vector<16xi32> to vector<1xi32>
      %squeeze3A_113 = vector.extract %slice3A_112[0] : i32 from vector<1xi32>
      %dma_start3A_114 = arith.constant 0 : i32
      %dma_start3A_115 = arith.constant 0 : i32
      %dma_start3A_116 = tpu.memref_slice %arg2[%squeeze3A_113, %dma_start3A_114, %dma_start3A_115] : memref<768x224x224xf32, #tpu.memory_space<hbm>> -> memref<1x224x224xf32, #tpu.memory_space<hbm>>
      %dma_start3A_117 = arith.constant 0 : i32
      %dma_start3A_118 = arith.constant 0 : i32
      %dma_start3A_119 = tpu.memref_slice %arg2[%squeeze3A_113, %dma_start3A_117, %dma_start3A_118] : memref<768x224x224xf32, #tpu.memory_space<hbm>> -> memref<1x224x224xf32, #tpu.memory_space<hbm>>
      tpu.enqueue_dma source(%dma_start3A_119 : memref<1x224x224xf32, #tpu.memory_space<hbm>>) target(%arg9 : memref<1x224x224xf32, #tpu.memory_space<vmem>>) target_semaphore(%arg11 : memref<!tpu.dma_semaphore, #tpu.memory_space<semaphore_mem>>)
      %add3A_120 = arith.constant 4 : i32
      %add3A_121 = arith.addi %add3A_32, %add3A_120 : i32
      "tpu.region"() ({
        %run_scoped3A = tpu.sem_alloc : memref<!tpu.dma_semaphore, #tpu.memory_space<semaphore_mem>>
        %dma_start3A_418 = arith.constant 0 : i32
        %dma_start3A_419 = arith.constant 0 : i32
        %dma_start3A_420 = tpu.memref_slice %arg6[%add3A_121, %dma_start3A_418, %dma_start3A_419] : memref<768x224x224xf32, #tpu.memory_space<hbm>> -> memref<1x224x224xf32, #tpu.memory_space<hbm>>
        %dma_start3A_421 = arith.constant 0 : i32
        %dma_start3A_422 = arith.constant 0 : i32
        %dma_start3A_423 = tpu.memref_slice %arg6[%add3A_121, %dma_start3A_421, %dma_start3A_422] : memref<768x224x224xf32, #tpu.memory_space<hbm>> -> memref<1x224x224xf32, #tpu.memory_space<hbm>>
        tpu.enqueue_dma source(%arg8 : memref<1x224x224xf32, #tpu.memory_space<vmem>>) target(%dma_start3A_423 : memref<1x224x224xf32, #tpu.memory_space<hbm>>) target_semaphore(%run_scoped3A : memref<!tpu.dma_semaphore, #tpu.memory_space<semaphore_mem>>)
        %dma_wait3A_424 = arith.constant 0 : i32
        %dma_wait3A_425 = arith.constant 0 : i32
        %dma_wait3A_426 = tpu.memref_slice %arg6[%add3A_121, %dma_wait3A_424, %dma_wait3A_425] : memref<768x224x224xf32, #tpu.memory_space<hbm>> -> memref<1x224x224xf32, #tpu.memory_space<hbm>>
        %dma_wait3A_427 = arith.constant 0 : i32
        %dma_wait3A_428 = arith.constant 0 : i32
        %dma_wait3A_429 = tpu.memref_slice %arg6[%add3A_121, %dma_wait3A_427, %dma_wait3A_428] : memref<768x224x224xf32, #tpu.memory_space<hbm>> -> memref<1x224x224xf32, #tpu.memory_space<hbm>>
        tpu.wait_dma2 semaphore(%run_scoped3A : memref<!tpu.dma_semaphore, #tpu.memory_space<semaphore_mem>>) src(%arg8 : memref<1x224x224xf32, #tpu.memory_space<vmem>>) dst(%dma_wait3A_429 : memref<1x224x224xf32, #tpu.memory_space<hbm>>)
        tpu.yield
      }) : () -> ()
      %dma_wait3A_122 = arith.constant 0 : i32
      %dma_wait3A_123 = arith.constant 0 : i32
      %dma_wait3A_124 = tpu.memref_slice %arg2[%squeeze3A_113, %dma_wait3A_122, %dma_wait3A_123] : memref<768x224x224xf32, #tpu.memory_space<hbm>> -> memref<1x224x224xf32, #tpu.memory_space<hbm>>
      %dma_wait3A_125 = arith.constant 0 : i32
      %dma_wait3A_126 = arith.constant 0 : i32
      %dma_wait3A_127 = tpu.memref_slice %arg2[%squeeze3A_113, %dma_wait3A_125, %dma_wait3A_126] : memref<768x224x224xf32, #tpu.memory_space<hbm>> -> memref<1x224x224xf32, #tpu.memory_space<hbm>>
      tpu.wait_dma2 semaphore(%arg11 : memref<!tpu.dma_semaphore, #tpu.memory_space<semaphore_mem>>) src(%dma_wait3A_127 : memref<1x224x224xf32, #tpu.memory_space<hbm>>) dst(%arg9 : memref<1x224x224xf32, #tpu.memory_space<vmem>>)
      %slice3A_128 = vector.extract_strided_slice %get3A_34 {offsets = [6], sizes = [1], strides = [1]} : vector<16xi32> to vector<1xi32>
      %squeeze3A_129 = vector.extract %slice3A_128[0] : i32 from vector<1xi32>
      %dma_start3A_130 = arith.constant 0 : i32
      %dma_start3A_131 = arith.constant 0 : i32
      %dma_start3A_132 = tpu.memref_slice %arg2[%squeeze3A_129, %dma_start3A_130, %dma_start3A_131] : memref<768x224x224xf32, #tpu.memory_space<hbm>> -> memref<1x224x224xf32, #tpu.memory_space<hbm>>
      %dma_start3A_133 = arith.constant 0 : i32
      %dma_start3A_134 = arith.constant 0 : i32
      %dma_start3A_135 = tpu.memref_slice %arg2[%squeeze3A_129, %dma_start3A_133, %dma_start3A_134] : memref<768x224x224xf32, #tpu.memory_space<hbm>> -> memref<1x224x224xf32, #tpu.memory_space<hbm>>
      tpu.enqueue_dma source(%dma_start3A_135 : memref<1x224x224xf32, #tpu.memory_space<hbm>>) target(%arg8 : memref<1x224x224xf32, #tpu.memory_space<vmem>>) target_semaphore(%arg10 : memref<!tpu.dma_semaphore, #tpu.memory_space<semaphore_mem>>)
      %add3A_136 = arith.constant 5 : i32
      %add3A_137 = arith.addi %add3A_32, %add3A_136 : i32
      "tpu.region"() ({
        %run_scoped3A = tpu.sem_alloc : memref<!tpu.dma_semaphore, #tpu.memory_space<semaphore_mem>>
        %dma_start3A_418 = arith.constant 0 : i32
        %dma_start3A_419 = arith.constant 0 : i32
        %dma_start3A_420 = tpu.memref_slice %arg6[%add3A_137, %dma_start3A_418, %dma_start3A_419] : memref<768x224x224xf32, #tpu.memory_space<hbm>> -> memref<1x224x224xf32, #tpu.memory_space<hbm>>
        %dma_start3A_421 = arith.constant 0 : i32
        %dma_start3A_422 = arith.constant 0 : i32
        %dma_start3A_423 = tpu.memref_slice %arg6[%add3A_137, %dma_start3A_421, %dma_start3A_422] : memref<768x224x224xf32, #tpu.memory_space<hbm>> -> memref<1x224x224xf32, #tpu.memory_space<hbm>>
        tpu.enqueue_dma source(%arg9 : memref<1x224x224xf32, #tpu.memory_space<vmem>>) target(%dma_start3A_423 : memref<1x224x224xf32, #tpu.memory_space<hbm>>) target_semaphore(%run_scoped3A : memref<!tpu.dma_semaphore, #tpu.memory_space<semaphore_mem>>)
        %dma_wait3A_424 = arith.constant 0 : i32
        %dma_wait3A_425 = arith.constant 0 : i32
        %dma_wait3A_426 = tpu.memref_slice %arg6[%add3A_137, %dma_wait3A_424, %dma_wait3A_425] : memref<768x224x224xf32, #tpu.memory_space<hbm>> -> memref<1x224x224xf32, #tpu.memory_space<hbm>>
        %dma_wait3A_427 = arith.constant 0 : i32
        %dma_wait3A_428 = arith.constant 0 : i32
        %dma_wait3A_429 = tpu.memref_slice %arg6[%add3A_137, %dma_wait3A_427, %dma_wait3A_428] : memref<768x224x224xf32, #tpu.memory_space<hbm>> -> memref<1x224x224xf32, #tpu.memory_space<hbm>>
        tpu.wait_dma2 semaphore(%run_scoped3A : memref<!tpu.dma_semaphore, #tpu.memory_space<semaphore_mem>>) src(%arg9 : memref<1x224x224xf32, #tpu.memory_space<vmem>>) dst(%dma_wait3A_429 : memref<1x224x224xf32, #tpu.memory_space<hbm>>)
        tpu.yield
      }) : () -> ()
      %dma_wait3A_138 = arith.constant 0 : i32
      %dma_wait3A_139 = arith.constant 0 : i32
      %dma_wait3A_140 = tpu.memref_slice %arg2[%squeeze3A_129, %dma_wait3A_138, %dma_wait3A_139] : memref<768x224x224xf32, #tpu.memory_space<hbm>> -> memref<1x224x224xf32, #tpu.memory_space<hbm>>
      %dma_wait3A_141 = arith.constant 0 : i32
      %dma_wait3A_142 = arith.constant 0 : i32
      %dma_wait3A_143 = tpu.memref_slice %arg2[%squeeze3A_129, %dma_wait3A_141, %dma_wait3A_142] : memref<768x224x224xf32, #tpu.memory_space<hbm>> -> memref<1x224x224xf32, #tpu.memory_space<hbm>>
      tpu.wait_dma2 semaphore(%arg10 : memref<!tpu.dma_semaphore, #tpu.memory_space<semaphore_mem>>) src(%dma_wait3A_143 : memref<1x224x224xf32, #tpu.memory_space<hbm>>) dst(%arg8 : memref<1x224x224xf32, #tpu.memory_space<vmem>>)
      %slice3A_144 = vector.extract_strided_slice %get3A_34 {offsets = [7], sizes = [1], strides = [1]} : vector<16xi32> to vector<1xi32>
      %squeeze3A_145 = vector.extract %slice3A_144[0] : i32 from vector<1xi32>
      %dma_start3A_146 = arith.constant 0 : i32
      %dma_start3A_147 = arith.constant 0 : i32
      %dma_start3A_148 = tpu.memref_slice %arg2[%squeeze3A_145, %dma_start3A_146, %dma_start3A_147] : memref<768x224x224xf32, #tpu.memory_space<hbm>> -> memref<1x224x224xf32, #tpu.memory_space<hbm>>
      %dma_start3A_149 = arith.constant 0 : i32
      %dma_start3A_150 = arith.constant 0 : i32
      %dma_start3A_151 = tpu.memref_slice %arg2[%squeeze3A_145, %dma_start3A_149, %dma_start3A_150] : memref<768x224x224xf32, #tpu.memory_space<hbm>> -> memref<1x224x224xf32, #tpu.memory_space<hbm>>
      tpu.enqueue_dma source(%dma_start3A_151 : memref<1x224x224xf32, #tpu.memory_space<hbm>>) target(%arg9 : memref<1x224x224xf32, #tpu.memory_space<vmem>>) target_semaphore(%arg11 : memref<!tpu.dma_semaphore, #tpu.memory_space<semaphore_mem>>)
      %add3A_152 = arith.constant 6 : i32
      %add3A_153 = arith.addi %add3A_32, %add3A_152 : i32
      "tpu.region"() ({
        %run_scoped3A = tpu.sem_alloc : memref<!tpu.dma_semaphore, #tpu.memory_space<semaphore_mem>>
        %dma_start3A_418 = arith.constant 0 : i32
        %dma_start3A_419 = arith.constant 0 : i32
        %dma_start3A_420 = tpu.memref_slice %arg6[%add3A_153, %dma_start3A_418, %dma_start3A_419] : memref<768x224x224xf32, #tpu.memory_space<hbm>> -> memref<1x224x224xf32, #tpu.memory_space<hbm>>
        %dma_start3A_421 = arith.constant 0 : i32
        %dma_start3A_422 = arith.constant 0 : i32
        %dma_start3A_423 = tpu.memref_slice %arg6[%add3A_153, %dma_start3A_421, %dma_start3A_422] : memref<768x224x224xf32, #tpu.memory_space<hbm>> -> memref<1x224x224xf32, #tpu.memory_space<hbm>>
        tpu.enqueue_dma source(%arg8 : memref<1x224x224xf32, #tpu.memory_space<vmem>>) target(%dma_start3A_423 : memref<1x224x224xf32, #tpu.memory_space<hbm>>) target_semaphore(%run_scoped3A : memref<!tpu.dma_semaphore, #tpu.memory_space<semaphore_mem>>)
        %dma_wait3A_424 = arith.constant 0 : i32
        %dma_wait3A_425 = arith.constant 0 : i32
        %dma_wait3A_426 = tpu.memref_slice %arg6[%add3A_153, %dma_wait3A_424, %dma_wait3A_425] : memref<768x224x224xf32, #tpu.memory_space<hbm>> -> memref<1x224x224xf32, #tpu.memory_space<hbm>>
        %dma_wait3A_427 = arith.constant 0 : i32
        %dma_wait3A_428 = arith.constant 0 : i32
        %dma_wait3A_429 = tpu.memref_slice %arg6[%add3A_153, %dma_wait3A_427, %dma_wait3A_428] : memref<768x224x224xf32, #tpu.memory_space<hbm>> -> memref<1x224x224xf32, #tpu.memory_space<hbm>>
        tpu.wait_dma2 semaphore(%run_scoped3A : memref<!tpu.dma_semaphore, #tpu.memory_space<semaphore_mem>>) src(%arg8 : memref<1x224x224xf32, #tpu.memory_space<vmem>>) dst(%dma_wait3A_429 : memref<1x224x224xf32, #tpu.memory_space<hbm>>)
        tpu.yield
      }) : () -> ()
      %dma_wait3A_154 = arith.constant 0 : i32
      %dma_wait3A_155 = arith.constant 0 : i32
      %dma_wait3A_156 = tpu.memref_slice %arg2[%squeeze3A_145, %dma_wait3A_154, %dma_wait3A_155] : memref<768x224x224xf32, #tpu.memory_space<hbm>> -> memref<1x224x224xf32, #tpu.memory_space<hbm>>
      %dma_wait3A_157 = arith.constant 0 : i32
      %dma_wait3A_158 = arith.constant 0 : i32
      %dma_wait3A_159 = tpu.memref_slice %arg2[%squeeze3A_145, %dma_wait3A_157, %dma_wait3A_158] : memref<768x224x224xf32, #tpu.memory_space<hbm>> -> memref<1x224x224xf32, #tpu.memory_space<hbm>>
      tpu.wait_dma2 semaphore(%arg11 : memref<!tpu.dma_semaphore, #tpu.memory_space<semaphore_mem>>) src(%dma_wait3A_159 : memref<1x224x224xf32, #tpu.memory_space<hbm>>) dst(%arg9 : memref<1x224x224xf32, #tpu.memory_space<vmem>>)
      %slice3A_160 = vector.extract_strided_slice %get3A_34 {offsets = [8], sizes = [1], strides = [1]} : vector<16xi32> to vector<1xi32>
      %squeeze3A_161 = vector.extract %slice3A_160[0] : i32 from vector<1xi32>
      %dma_start3A_162 = arith.constant 0 : i32
      %dma_start3A_163 = arith.constant 0 : i32
      %dma_start3A_164 = tpu.memref_slice %arg2[%squeeze3A_161, %dma_start3A_162, %dma_start3A_163] : memref<768x224x224xf32, #tpu.memory_space<hbm>> -> memref<1x224x224xf32, #tpu.memory_space<hbm>>
      %dma_start3A_165 = arith.constant 0 : i32
      %dma_start3A_166 = arith.constant 0 : i32
      %dma_start3A_167 = tpu.memref_slice %arg2[%squeeze3A_161, %dma_start3A_165, %dma_start3A_166] : memref<768x224x224xf32, #tpu.memory_space<hbm>> -> memref<1x224x224xf32, #tpu.memory_space<hbm>>
      tpu.enqueue_dma source(%dma_start3A_167 : memref<1x224x224xf32, #tpu.memory_space<hbm>>) target(%arg8 : memref<1x224x224xf32, #tpu.memory_space<vmem>>) target_semaphore(%arg10 : memref<!tpu.dma_semaphore, #tpu.memory_space<semaphore_mem>>)
      %add3A_168 = arith.constant 7 : i32
      %add3A_169 = arith.addi %add3A_32, %add3A_168 : i32
      "tpu.region"() ({
        %run_scoped3A = tpu.sem_alloc : memref<!tpu.dma_semaphore, #tpu.memory_space<semaphore_mem>>
        %dma_start3A_418 = arith.constant 0 : i32
        %dma_start3A_419 = arith.constant 0 : i32
        %dma_start3A_420 = tpu.memref_slice %arg6[%add3A_169, %dma_start3A_418, %dma_start3A_419] : memref<768x224x224xf32, #tpu.memory_space<hbm>> -> memref<1x224x224xf32, #tpu.memory_space<hbm>>
        %dma_start3A_421 = arith.constant 0 : i32
        %dma_start3A_422 = arith.constant 0 : i32
        %dma_start3A_423 = tpu.memref_slice %arg6[%add3A_169, %dma_start3A_421, %dma_start3A_422] : memref<768x224x224xf32, #tpu.memory_space<hbm>> -> memref<1x224x224xf32, #tpu.memory_space<hbm>>
        tpu.enqueue_dma source(%arg9 : memref<1x224x224xf32, #tpu.memory_space<vmem>>) target(%dma_start3A_423 : memref<1x224x224xf32, #tpu.memory_space<hbm>>) target_semaphore(%run_scoped3A : memref<!tpu.dma_semaphore, #tpu.memory_space<semaphore_mem>>)
        %dma_wait3A_424 = arith.constant 0 : i32
        %dma_wait3A_425 = arith.constant 0 : i32
        %dma_wait3A_426 = tpu.memref_slice %arg6[%add3A_169, %dma_wait3A_424, %dma_wait3A_425] : memref<768x224x224xf32, #tpu.memory_space<hbm>> -> memref<1x224x224xf32, #tpu.memory_space<hbm>>
        %dma_wait3A_427 = arith.constant 0 : i32
        %dma_wait3A_428 = arith.constant 0 : i32
        %dma_wait3A_429 = tpu.memref_slice %arg6[%add3A_169, %dma_wait3A_427, %dma_wait3A_428] : memref<768x224x224xf32, #tpu.memory_space<hbm>> -> memref<1x224x224xf32, #tpu.memory_space<hbm>>
        tpu.wait_dma2 semaphore(%run_scoped3A : memref<!tpu.dma_semaphore, #tpu.memory_space<semaphore_mem>>) src(%arg9 : memref<1x224x224xf32, #tpu.memory_space<vmem>>) dst(%dma_wait3A_429 : memref<1x224x224xf32, #tpu.memory_space<hbm>>)
        tpu.yield
      }) : () -> ()
      %dma_wait3A_170 = arith.constant 0 : i32
      %dma_wait3A_171 = arith.constant 0 : i32
      %dma_wait3A_172 = tpu.memref_slice %arg2[%squeeze3A_161, %dma_wait3A_170, %dma_wait3A_171] : memref<768x224x224xf32, #tpu.memory_space<hbm>> -> memref<1x224x224xf32, #tpu.memory_space<hbm>>
      %dma_wait3A_173 = arith.constant 0 : i32
      %dma_wait3A_174 = arith.constant 0 : i32
      %dma_wait3A_175 = tpu.memref_slice %arg2[%squeeze3A_161, %dma_wait3A_173, %dma_wait3A_174] : memref<768x224x224xf32, #tpu.memory_space<hbm>> -> memref<1x224x224xf32, #tpu.memory_space<hbm>>
      tpu.wait_dma2 semaphore(%arg10 : memref<!tpu.dma_semaphore, #tpu.memory_space<semaphore_mem>>) src(%dma_wait3A_175 : memref<1x224x224xf32, #tpu.memory_space<hbm>>) dst(%arg8 : memref<1x224x224xf32, #tpu.memory_space<vmem>>)
      %slice3A_176 = vector.extract_strided_slice %get3A_34 {offsets = [9], sizes = [1], strides = [1]} : vector<16xi32> to vector<1xi32>
      %squeeze3A_177 = vector.extract %slice3A_176[0] : i32 from vector<1xi32>
      %dma_start3A_178 = arith.constant 0 : i32
      %dma_start3A_179 = arith.constant 0 : i32
      %dma_start3A_180 = tpu.memref_slice %arg2[%squeeze3A_177, %dma_start3A_178, %dma_start3A_179] : memref<768x224x224xf32, #tpu.memory_space<hbm>> -> memref<1x224x224xf32, #tpu.memory_space<hbm>>
      %dma_start3A_181 = arith.constant 0 : i32
      %dma_start3A_182 = arith.constant 0 : i32
      %dma_start3A_183 = tpu.memref_slice %arg2[%squeeze3A_177, %dma_start3A_181, %dma_start3A_182] : memref<768x224x224xf32, #tpu.memory_space<hbm>> -> memref<1x224x224xf32, #tpu.memory_space<hbm>>
      tpu.enqueue_dma source(%dma_start3A_183 : memref<1x224x224xf32, #tpu.memory_space<hbm>>) target(%arg9 : memref<1x224x224xf32, #tpu.memory_space<vmem>>) target_semaphore(%arg11 : memref<!tpu.dma_semaphore, #tpu.memory_space<semaphore_mem>>)
      %add3A_184 = arith.constant 8 : i32
      %add3A_185 = arith.addi %add3A_32, %add3A_184 : i32
      "tpu.region"() ({
        %run_scoped3A = tpu.sem_alloc : memref<!tpu.dma_semaphore, #tpu.memory_space<semaphore_mem>>
        %dma_start3A_418 = arith.constant 0 : i32
        %dma_start3A_419 = arith.constant 0 : i32
        %dma_start3A_420 = tpu.memref_slice %arg6[%add3A_185, %dma_start3A_418, %dma_start3A_419] : memref<768x224x224xf32, #tpu.memory_space<hbm>> -> memref<1x224x224xf32, #tpu.memory_space<hbm>>
        %dma_start3A_421 = arith.constant 0 : i32
        %dma_start3A_422 = arith.constant 0 : i32
        %dma_start3A_423 = tpu.memref_slice %arg6[%add3A_185, %dma_start3A_421, %dma_start3A_422] : memref<768x224x224xf32, #tpu.memory_space<hbm>> -> memref<1x224x224xf32, #tpu.memory_space<hbm>>
        tpu.enqueue_dma source(%arg8 : memref<1x224x224xf32, #tpu.memory_space<vmem>>) target(%dma_start3A_423 : memref<1x224x224xf32, #tpu.memory_space<hbm>>) target_semaphore(%run_scoped3A : memref<!tpu.dma_semaphore, #tpu.memory_space<semaphore_mem>>)
        %dma_wait3A_424 = arith.constant 0 : i32
        %dma_wait3A_425 = arith.constant 0 : i32
        %dma_wait3A_426 = tpu.memref_slice %arg6[%add3A_185, %dma_wait3A_424, %dma_wait3A_425] : memref<768x224x224xf32, #tpu.memory_space<hbm>> -> memref<1x224x224xf32, #tpu.memory_space<hbm>>
        %dma_wait3A_427 = arith.constant 0 : i32
        %dma_wait3A_428 = arith.constant 0 : i32
        %dma_wait3A_429 = tpu.memref_slice %arg6[%add3A_185, %dma_wait3A_427, %dma_wait3A_428] : memref<768x224x224xf32, #tpu.memory_space<hbm>> -> memref<1x224x224xf32, #tpu.memory_space<hbm>>
        tpu.wait_dma2 semaphore(%run_scoped3A : memref<!tpu.dma_semaphore, #tpu.memory_space<semaphore_mem>>) src(%arg8 : memref<1x224x224xf32, #tpu.memory_space<vmem>>) dst(%dma_wait3A_429 : memref<1x224x224xf32, #tpu.memory_space<hbm>>)
        tpu.yield
      }) : () -> ()
      %dma_wait3A_186 = arith.constant 0 : i32
      %dma_wait3A_187 = arith.constant 0 : i32
      %dma_wait3A_188 = tpu.memref_slice %arg2[%squeeze3A_177, %dma_wait3A_186, %dma_wait3A_187] : memref<768x224x224xf32, #tpu.memory_space<hbm>> -> memref<1x224x224xf32, #tpu.memory_space<hbm>>
      %dma_wait3A_189 = arith.constant 0 : i32
      %dma_wait3A_190 = arith.constant 0 : i32
      %dma_wait3A_191 = tpu.memref_slice %arg2[%squeeze3A_177, %dma_wait3A_189, %dma_wait3A_190] : memref<768x224x224xf32, #tpu.memory_space<hbm>> -> memref<1x224x224xf32, #tpu.memory_space<hbm>>
      tpu.wait_dma2 semaphore(%arg11 : memref<!tpu.dma_semaphore, #tpu.memory_space<semaphore_mem>>) src(%dma_wait3A_191 : memref<1x224x224xf32, #tpu.memory_space<hbm>>) dst(%arg9 : memref<1x224x224xf32, #tpu.memory_space<vmem>>)
      %slice3A_192 = vector.extract_strided_slice %get3A_34 {offsets = [10], sizes = [1], strides = [1]} : vector<16xi32> to vector<1xi32>
      %squeeze3A_193 = vector.extract %slice3A_192[0] : i32 from vector<1xi32>
      %dma_start3A_194 = arith.constant 0 : i32
      %dma_start3A_195 = arith.constant 0 : i32
      %dma_start3A_196 = tpu.memref_slice %arg2[%squeeze3A_193, %dma_start3A_194, %dma_start3A_195] : memref<768x224x224xf32, #tpu.memory_space<hbm>> -> memref<1x224x224xf32, #tpu.memory_space<hbm>>
      %dma_start3A_197 = arith.constant 0 : i32
      %dma_start3A_198 = arith.constant 0 : i32
      %dma_start3A_199 = tpu.memref_slice %arg2[%squeeze3A_193, %dma_start3A_197, %dma_start3A_198] : memref<768x224x224xf32, #tpu.memory_space<hbm>> -> memref<1x224x224xf32, #tpu.memory_space<hbm>>
      tpu.enqueue_dma source(%dma_start3A_199 : memref<1x224x224xf32, #tpu.memory_space<hbm>>) target(%arg8 : memref<1x224x224xf32, #tpu.memory_space<vmem>>) target_semaphore(%arg10 : memref<!tpu.dma_semaphore, #tpu.memory_space<semaphore_mem>>)
      %add3A_200 = arith.constant 9 : i32
      %add3A_201 = arith.addi %add3A_32, %add3A_200 : i32
      "tpu.region"() ({
        %run_scoped3A = tpu.sem_alloc : memref<!tpu.dma_semaphore, #tpu.memory_space<semaphore_mem>>
        %dma_start3A_418 = arith.constant 0 : i32
        %dma_start3A_419 = arith.constant 0 : i32
        %dma_start3A_420 = tpu.memref_slice %arg6[%add3A_201, %dma_start3A_418, %dma_start3A_419] : memref<768x224x224xf32, #tpu.memory_space<hbm>> -> memref<1x224x224xf32, #tpu.memory_space<hbm>>
        %dma_start3A_421 = arith.constant 0 : i32
        %dma_start3A_422 = arith.constant 0 : i32
        %dma_start3A_423 = tpu.memref_slice %arg6[%add3A_201, %dma_start3A_421, %dma_start3A_422] : memref<768x224x224xf32, #tpu.memory_space<hbm>> -> memref<1x224x224xf32, #tpu.memory_space<hbm>>
        tpu.enqueue_dma source(%arg9 : memref<1x224x224xf32, #tpu.memory_space<vmem>>) target(%dma_start3A_423 : memref<1x224x224xf32, #tpu.memory_space<hbm>>) target_semaphore(%run_scoped3A : memref<!tpu.dma_semaphore, #tpu.memory_space<semaphore_mem>>)
        %dma_wait3A_424 = arith.constant 0 : i32
        %dma_wait3A_425 = arith.constant 0 : i32
        %dma_wait3A_426 = tpu.memref_slice %arg6[%add3A_201, %dma_wait3A_424, %dma_wait3A_425] : memref<768x224x224xf32, #tpu.memory_space<hbm>> -> memref<1x224x224xf32, #tpu.memory_space<hbm>>
        %dma_wait3A_427 = arith.constant 0 : i32
        %dma_wait3A_428 = arith.constant 0 : i32
        %dma_wait3A_429 = tpu.memref_slice %arg6[%add3A_201, %dma_wait3A_427, %dma_wait3A_428] : memref<768x224x224xf32, #tpu.memory_space<hbm>> -> memref<1x224x224xf32, #tpu.memory_space<hbm>>
        tpu.wait_dma2 semaphore(%run_scoped3A : memref<!tpu.dma_semaphore, #tpu.memory_space<semaphore_mem>>) src(%arg9 : memref<1x224x224xf32, #tpu.memory_space<vmem>>) dst(%dma_wait3A_429 : memref<1x224x224xf32, #tpu.memory_space<hbm>>)
        tpu.yield
      }) : () -> ()
      %dma_wait3A_202 = arith.constant 0 : i32
      %dma_wait3A_203 = arith.constant 0 : i32
      %dma_wait3A_204 = tpu.memref_slice %arg2[%squeeze3A_193, %dma_wait3A_202, %dma_wait3A_203] : memref<768x224x224xf32, #tpu.memory_space<hbm>> -> memref<1x224x224xf32, #tpu.memory_space<hbm>>
      %dma_wait3A_205 = arith.constant 0 : i32
      %dma_wait3A_206 = arith.constant 0 : i32
      %dma_wait3A_207 = tpu.memref_slice %arg2[%squeeze3A_193, %dma_wait3A_205, %dma_wait3A_206] : memref<768x224x224xf32, #tpu.memory_space<hbm>> -> memref<1x224x224xf32, #tpu.memory_space<hbm>>
      tpu.wait_dma2 semaphore(%arg10 : memref<!tpu.dma_semaphore, #tpu.memory_space<semaphore_mem>>) src(%dma_wait3A_207 : memref<1x224x224xf32, #tpu.memory_space<hbm>>) dst(%arg8 : memref<1x224x224xf32, #tpu.memory_space<vmem>>)
      %slice3A_208 = vector.extract_strided_slice %get3A_34 {offsets = [11], sizes = [1], strides = [1]} : vector<16xi32> to vector<1xi32>
      %squeeze3A_209 = vector.extract %slice3A_208[0] : i32 from vector<1xi32>
      %dma_start3A_210 = arith.constant 0 : i32
      %dma_start3A_211 = arith.constant 0 : i32
      %dma_start3A_212 = tpu.memref_slice %arg2[%squeeze3A_209, %dma_start3A_210, %dma_start3A_211] : memref<768x224x224xf32, #tpu.memory_space<hbm>> -> memref<1x224x224xf32, #tpu.memory_space<hbm>>
      %dma_start3A_213 = arith.constant 0 : i32
      %dma_start3A_214 = arith.constant 0 : i32
      %dma_start3A_215 = tpu.memref_slice %arg2[%squeeze3A_209, %dma_start3A_213, %dma_start3A_214] : memref<768x224x224xf32, #tpu.memory_space<hbm>> -> memref<1x224x224xf32, #tpu.memory_space<hbm>>
      tpu.enqueue_dma source(%dma_start3A_215 : memref<1x224x224xf32, #tpu.memory_space<hbm>>) target(%arg9 : memref<1x224x224xf32, #tpu.memory_space<vmem>>) target_semaphore(%arg11 : memref<!tpu.dma_semaphore, #tpu.memory_space<semaphore_mem>>)
      %add3A_216 = arith.constant 10 : i32
      %add3A_217 = arith.addi %add3A_32, %add3A_216 : i32
      "tpu.region"() ({
        %run_scoped3A = tpu.sem_alloc : memref<!tpu.dma_semaphore, #tpu.memory_space<semaphore_mem>>
        %dma_start3A_418 = arith.constant 0 : i32
        %dma_start3A_419 = arith.constant 0 : i32
        %dma_start3A_420 = tpu.memref_slice %arg6[%add3A_217, %dma_start3A_418, %dma_start3A_419] : memref<768x224x224xf32, #tpu.memory_space<hbm>> -> memref<1x224x224xf32, #tpu.memory_space<hbm>>
        %dma_start3A_421 = arith.constant 0 : i32
        %dma_start3A_422 = arith.constant 0 : i32
        %dma_start3A_423 = tpu.memref_slice %arg6[%add3A_217, %dma_start3A_421, %dma_start3A_422] : memref<768x224x224xf32, #tpu.memory_space<hbm>> -> memref<1x224x224xf32, #tpu.memory_space<hbm>>
        tpu.enqueue_dma source(%arg8 : memref<1x224x224xf32, #tpu.memory_space<vmem>>) target(%dma_start3A_423 : memref<1x224x224xf32, #tpu.memory_space<hbm>>) target_semaphore(%run_scoped3A : memref<!tpu.dma_semaphore, #tpu.memory_space<semaphore_mem>>)
        %dma_wait3A_424 = arith.constant 0 : i32
        %dma_wait3A_425 = arith.constant 0 : i32
        %dma_wait3A_426 = tpu.memref_slice %arg6[%add3A_217, %dma_wait3A_424, %dma_wait3A_425] : memref<768x224x224xf32, #tpu.memory_space<hbm>> -> memref<1x224x224xf32, #tpu.memory_space<hbm>>
        %dma_wait3A_427 = arith.constant 0 : i32
        %dma_wait3A_428 = arith.constant 0 : i32
        %dma_wait3A_429 = tpu.memref_slice %arg6[%add3A_217, %dma_wait3A_427, %dma_wait3A_428] : memref<768x224x224xf32, #tpu.memory_space<hbm>> -> memref<1x224x224xf32, #tpu.memory_space<hbm>>
        tpu.wait_dma2 semaphore(%run_scoped3A : memref<!tpu.dma_semaphore, #tpu.memory_space<semaphore_mem>>) src(%arg8 : memref<1x224x224xf32, #tpu.memory_space<vmem>>) dst(%dma_wait3A_429 : memref<1x224x224xf32, #tpu.memory_space<hbm>>)
        tpu.yield
      }) : () -> ()
      %dma_wait3A_218 = arith.constant 0 : i32
      %dma_wait3A_219 = arith.constant 0 : i32
      %dma_wait3A_220 = tpu.memref_slice %arg2[%squeeze3A_209, %dma_wait3A_218, %dma_wait3A_219] : memref<768x224x224xf32, #tpu.memory_space<hbm>> -> memref<1x224x224xf32, #tpu.memory_space<hbm>>
      %dma_wait3A_221 = arith.constant 0 : i32
      %dma_wait3A_222 = arith.constant 0 : i32
      %dma_wait3A_223 = tpu.memref_slice %arg2[%squeeze3A_209, %dma_wait3A_221, %dma_wait3A_222] : memref<768x224x224xf32, #tpu.memory_space<hbm>> -> memref<1x224x224xf32, #tpu.memory_space<hbm>>
      tpu.wait_dma2 semaphore(%arg11 : memref<!tpu.dma_semaphore, #tpu.memory_space<semaphore_mem>>) src(%dma_wait3A_223 : memref<1x224x224xf32, #tpu.memory_space<hbm>>) dst(%arg9 : memref<1x224x224xf32, #tpu.memory_space<vmem>>)
      %slice3A_224 = vector.extract_strided_slice %get3A_34 {offsets = [12], sizes = [1], strides = [1]} : vector<16xi32> to vector<1xi32>
      %squeeze3A_225 = vector.extract %slice3A_224[0] : i32 from vector<1xi32>
      %dma_start3A_226 = arith.constant 0 : i32
      %dma_start3A_227 = arith.constant 0 : i32
      %dma_start3A_228 = tpu.memref_slice %arg2[%squeeze3A_225, %dma_start3A_226, %dma_start3A_227] : memref<768x224x224xf32, #tpu.memory_space<hbm>> -> memref<1x224x224xf32, #tpu.memory_space<hbm>>
      %dma_start3A_229 = arith.constant 0 : i32
      %dma_start3A_230 = arith.constant 0 : i32
      %dma_start3A_231 = tpu.memref_slice %arg2[%squeeze3A_225, %dma_start3A_229, %dma_start3A_230] : memref<768x224x224xf32, #tpu.memory_space<hbm>> -> memref<1x224x224xf32, #tpu.memory_space<hbm>>
      tpu.enqueue_dma source(%dma_start3A_231 : memref<1x224x224xf32, #tpu.memory_space<hbm>>) target(%arg8 : memref<1x224x224xf32, #tpu.memory_space<vmem>>) target_semaphore(%arg10 : memref<!tpu.dma_semaphore, #tpu.memory_space<semaphore_mem>>)
      %add3A_232 = arith.constant 11 : i32
      %add3A_233 = arith.addi %add3A_32, %add3A_232 : i32
      "tpu.region"() ({
        %run_scoped3A = tpu.sem_alloc : memref<!tpu.dma_semaphore, #tpu.memory_space<semaphore_mem>>
        %dma_start3A_418 = arith.constant 0 : i32
        %dma_start3A_419 = arith.constant 0 : i32
        %dma_start3A_420 = tpu.memref_slice %arg6[%add3A_233, %dma_start3A_418, %dma_start3A_419] : memref<768x224x224xf32, #tpu.memory_space<hbm>> -> memref<1x224x224xf32, #tpu.memory_space<hbm>>
        %dma_start3A_421 = arith.constant 0 : i32
        %dma_start3A_422 = arith.constant 0 : i32
        %dma_start3A_423 = tpu.memref_slice %arg6[%add3A_233, %dma_start3A_421, %dma_start3A_422] : memref<768x224x224xf32, #tpu.memory_space<hbm>> -> memref<1x224x224xf32, #tpu.memory_space<hbm>>
        tpu.enqueue_dma source(%arg9 : memref<1x224x224xf32, #tpu.memory_space<vmem>>) target(%dma_start3A_423 : memref<1x224x224xf32, #tpu.memory_space<hbm>>) target_semaphore(%run_scoped3A : memref<!tpu.dma_semaphore, #tpu.memory_space<semaphore_mem>>)
        %dma_wait3A_424 = arith.constant 0 : i32
        %dma_wait3A_425 = arith.constant 0 : i32
        %dma_wait3A_426 = tpu.memref_slice %arg6[%add3A_233, %dma_wait3A_424, %dma_wait3A_425] : memref<768x224x224xf32, #tpu.memory_space<hbm>> -> memref<1x224x224xf32, #tpu.memory_space<hbm>>
        %dma_wait3A_427 = arith.constant 0 : i32
        %dma_wait3A_428 = arith.constant 0 : i32
        %dma_wait3A_429 = tpu.memref_slice %arg6[%add3A_233, %dma_wait3A_427, %dma_wait3A_428] : memref<768x224x224xf32, #tpu.memory_space<hbm>> -> memref<1x224x224xf32, #tpu.memory_space<hbm>>
        tpu.wait_dma2 semaphore(%run_scoped3A : memref<!tpu.dma_semaphore, #tpu.memory_space<semaphore_mem>>) src(%arg9 : memref<1x224x224xf32, #tpu.memory_space<vmem>>) dst(%dma_wait3A_429 : memref<1x224x224xf32, #tpu.memory_space<hbm>>)
        tpu.yield
      }) : () -> ()
      %dma_wait3A_234 = arith.constant 0 : i32
      %dma_wait3A_235 = arith.constant 0 : i32
      %dma_wait3A_236 = tpu.memref_slice %arg2[%squeeze3A_225, %dma_wait3A_234, %dma_wait3A_235] : memref<768x224x224xf32, #tpu.memory_space<hbm>> -> memref<1x224x224xf32, #tpu.memory_space<hbm>>
      %dma_wait3A_237 = arith.constant 0 : i32
      %dma_wait3A_238 = arith.constant 0 : i32
      %dma_wait3A_239 = tpu.memref_slice %arg2[%squeeze3A_225, %dma_wait3A_237, %dma_wait3A_238] : memref<768x224x224xf32, #tpu.memory_space<hbm>> -> memref<1x224x224xf32, #tpu.memory_space<hbm>>
      tpu.wait_dma2 semaphore(%arg10 : memref<!tpu.dma_semaphore, #tpu.memory_space<semaphore_mem>>) src(%dma_wait3A_239 : memref<1x224x224xf32, #tpu.memory_space<hbm>>) dst(%arg8 : memref<1x224x224xf32, #tpu.memory_space<vmem>>)
      %slice3A_240 = vector.extract_strided_slice %get3A_34 {offsets = [13], sizes = [1], strides = [1]} : vector<16xi32> to vector<1xi32>
      %squeeze3A_241 = vector.extract %slice3A_240[0] : i32 from vector<1xi32>
      %dma_start3A_242 = arith.constant 0 : i32
      %dma_start3A_243 = arith.constant 0 : i32
      %dma_start3A_244 = tpu.memref_slice %arg2[%squeeze3A_241, %dma_start3A_242, %dma_start3A_243] : memref<768x224x224xf32, #tpu.memory_space<hbm>> -> memref<1x224x224xf32, #tpu.memory_space<hbm>>
      %dma_start3A_245 = arith.constant 0 : i32
      %dma_start3A_246 = arith.constant 0 : i32
      %dma_start3A_247 = tpu.memref_slice %arg2[%squeeze3A_241, %dma_start3A_245, %dma_start3A_246] : memref<768x224x224xf32, #tpu.memory_space<hbm>> -> memref<1x224x224xf32, #tpu.memory_space<hbm>>
      tpu.enqueue_dma source(%dma_start3A_247 : memref<1x224x224xf32, #tpu.memory_space<hbm>>) target(%arg9 : memref<1x224x224xf32, #tpu.memory_space<vmem>>) target_semaphore(%arg11 : memref<!tpu.dma_semaphore, #tpu.memory_space<semaphore_mem>>)
      %add3A_248 = arith.constant 12 : i32
      %add3A_249 = arith.addi %add3A_32, %add3A_248 : i32
      "tpu.region"() ({
        %run_scoped3A = tpu.sem_alloc : memref<!tpu.dma_semaphore, #tpu.memory_space<semaphore_mem>>
        %dma_start3A_418 = arith.constant 0 : i32
        %dma_start3A_419 = arith.constant 0 : i32
        %dma_start3A_420 = tpu.memref_slice %arg6[%add3A_249, %dma_start3A_418, %dma_start3A_419] : memref<768x224x224xf32, #tpu.memory_space<hbm>> -> memref<1x224x224xf32, #tpu.memory_space<hbm>>
        %dma_start3A_421 = arith.constant 0 : i32
        %dma_start3A_422 = arith.constant 0 : i32
        %dma_start3A_423 = tpu.memref_slice %arg6[%add3A_249, %dma_start3A_421, %dma_start3A_422] : memref<768x224x224xf32, #tpu.memory_space<hbm>> -> memref<1x224x224xf32, #tpu.memory_space<hbm>>
        tpu.enqueue_dma source(%arg8 : memref<1x224x224xf32, #tpu.memory_space<vmem>>) target(%dma_start3A_423 : memref<1x224x224xf32, #tpu.memory_space<hbm>>) target_semaphore(%run_scoped3A : memref<!tpu.dma_semaphore, #tpu.memory_space<semaphore_mem>>)
        %dma_wait3A_424 = arith.constant 0 : i32
        %dma_wait3A_425 = arith.constant 0 : i32
        %dma_wait3A_426 = tpu.memref_slice %arg6[%add3A_249, %dma_wait3A_424, %dma_wait3A_425] : memref<768x224x224xf32, #tpu.memory_space<hbm>> -> memref<1x224x224xf32, #tpu.memory_space<hbm>>
        %dma_wait3A_427 = arith.constant 0 : i32
        %dma_wait3A_428 = arith.constant 0 : i32
        %dma_wait3A_429 = tpu.memref_slice %arg6[%add3A_249, %dma_wait3A_427, %dma_wait3A_428] : memref<768x224x224xf32, #tpu.memory_space<hbm>> -> memref<1x224x224xf32, #tpu.memory_space<hbm>>
        tpu.wait_dma2 semaphore(%run_scoped3A : memref<!tpu.dma_semaphore, #tpu.memory_space<semaphore_mem>>) src(%arg8 : memref<1x224x224xf32, #tpu.memory_space<vmem>>) dst(%dma_wait3A_429 : memref<1x224x224xf32, #tpu.memory_space<hbm>>)
        tpu.yield
      }) : () -> ()
      %dma_wait3A_250 = arith.constant 0 : i32
      %dma_wait3A_251 = arith.constant 0 : i32
      %dma_wait3A_252 = tpu.memref_slice %arg2[%squeeze3A_241, %dma_wait3A_250, %dma_wait3A_251] : memref<768x224x224xf32, #tpu.memory_space<hbm>> -> memref<1x224x224xf32, #tpu.memory_space<hbm>>
      %dma_wait3A_253 = arith.constant 0 : i32
      %dma_wait3A_254 = arith.constant 0 : i32
      %dma_wait3A_255 = tpu.memref_slice %arg2[%squeeze3A_241, %dma_wait3A_253, %dma_wait3A_254] : memref<768x224x224xf32, #tpu.memory_space<hbm>> -> memref<1x224x224xf32, #tpu.memory_space<hbm>>
      tpu.wait_dma2 semaphore(%arg11 : memref<!tpu.dma_semaphore, #tpu.memory_space<semaphore_mem>>) src(%dma_wait3A_255 : memref<1x224x224xf32, #tpu.memory_space<hbm>>) dst(%arg9 : memref<1x224x224xf32, #tpu.memory_space<vmem>>)
      %slice3A_256 = vector.extract_strided_slice %get3A_34 {offsets = [14], sizes = [1], strides = [1]} : vector<16xi32> to vector<1xi32>
      %squeeze3A_257 = vector.extract %slice3A_256[0] : i32 from vector<1xi32>
      %dma_start3A_258 = arith.constant 0 : i32
      %dma_start3A_259 = arith.constant 0 : i32
      %dma_start3A_260 = tpu.memref_slice %arg2[%squeeze3A_257, %dma_start3A_258, %dma_start3A_259] : memref<768x224x224xf32, #tpu.memory_space<hbm>> -> memref<1x224x224xf32, #tpu.memory_space<hbm>>
      %dma_start3A_261 = arith.constant 0 : i32
      %dma_start3A_262 = arith.constant 0 : i32
      %dma_start3A_263 = tpu.memref_slice %arg2[%squeeze3A_257, %dma_start3A_261, %dma_start3A_262] : memref<768x224x224xf32, #tpu.memory_space<hbm>> -> memref<1x224x224xf32, #tpu.memory_space<hbm>>
      tpu.enqueue_dma source(%dma_start3A_263 : memref<1x224x224xf32, #tpu.memory_space<hbm>>) target(%arg8 : memref<1x224x224xf32, #tpu.memory_space<vmem>>) target_semaphore(%arg10 : memref<!tpu.dma_semaphore, #tpu.memory_space<semaphore_mem>>)
      %add3A_264 = arith.constant 13 : i32
      %add3A_265 = arith.addi %add3A_32, %add3A_264 : i32
      "tpu.region"() ({
        %run_scoped3A = tpu.sem_alloc : memref<!tpu.dma_semaphore, #tpu.memory_space<semaphore_mem>>
        %dma_start3A_418 = arith.constant 0 : i32
        %dma_start3A_419 = arith.constant 0 : i32
        %dma_start3A_420 = tpu.memref_slice %arg6[%add3A_265, %dma_start3A_418, %dma_start3A_419] : memref<768x224x224xf32, #tpu.memory_space<hbm>> -> memref<1x224x224xf32, #tpu.memory_space<hbm>>
        %dma_start3A_421 = arith.constant 0 : i32
        %dma_start3A_422 = arith.constant 0 : i32
        %dma_start3A_423 = tpu.memref_slice %arg6[%add3A_265, %dma_start3A_421, %dma_start3A_422] : memref<768x224x224xf32, #tpu.memory_space<hbm>> -> memref<1x224x224xf32, #tpu.memory_space<hbm>>
        tpu.enqueue_dma source(%arg9 : memref<1x224x224xf32, #tpu.memory_space<vmem>>) target(%dma_start3A_423 : memref<1x224x224xf32, #tpu.memory_space<hbm>>) target_semaphore(%run_scoped3A : memref<!tpu.dma_semaphore, #tpu.memory_space<semaphore_mem>>)
        %dma_wait3A_424 = arith.constant 0 : i32
        %dma_wait3A_425 = arith.constant 0 : i32
        %dma_wait3A_426 = tpu.memref_slice %arg6[%add3A_265, %dma_wait3A_424, %dma_wait3A_425] : memref<768x224x224xf32, #tpu.memory_space<hbm>> -> memref<1x224x224xf32, #tpu.memory_space<hbm>>
        %dma_wait3A_427 = arith.constant 0 : i32
        %dma_wait3A_428 = arith.constant 0 : i32
        %dma_wait3A_429 = tpu.memref_slice %arg6[%add3A_265, %dma_wait3A_427, %dma_wait3A_428] : memref<768x224x224xf32, #tpu.memory_space<hbm>> -> memref<1x224x224xf32, #tpu.memory_space<hbm>>
        tpu.wait_dma2 semaphore(%run_scoped3A : memref<!tpu.dma_semaphore, #tpu.memory_space<semaphore_mem>>) src(%arg9 : memref<1x224x224xf32, #tpu.memory_space<vmem>>) dst(%dma_wait3A_429 : memref<1x224x224xf32, #tpu.memory_space<hbm>>)
        tpu.yield
      }) : () -> ()
      %dma_wait3A_266 = arith.constant 0 : i32
      %dma_wait3A_267 = arith.constant 0 : i32
      %dma_wait3A_268 = tpu.memref_slice %arg2[%squeeze3A_257, %dma_wait3A_266, %dma_wait3A_267] : memref<768x224x224xf32, #tpu.memory_space<hbm>> -> memref<1x224x224xf32, #tpu.memory_space<hbm>>
      %dma_wait3A_269 = arith.constant 0 : i32
      %dma_wait3A_270 = arith.constant 0 : i32
      %dma_wait3A_271 = tpu.memref_slice %arg2[%squeeze3A_257, %dma_wait3A_269, %dma_wait3A_270] : memref<768x224x224xf32, #tpu.memory_space<hbm>> -> memref<1x224x224xf32, #tpu.memory_space<hbm>>
      tpu.wait_dma2 semaphore(%arg10 : memref<!tpu.dma_semaphore, #tpu.memory_space<semaphore_mem>>) src(%dma_wait3A_271 : memref<1x224x224xf32, #tpu.memory_space<hbm>>) dst(%arg8 : memref<1x224x224xf32, #tpu.memory_space<vmem>>)
      %slice3A_272 = vector.extract_strided_slice %get3A_34 {offsets = [15], sizes = [1], strides = [1]} : vector<16xi32> to vector<1xi32>
      %squeeze3A_273 = vector.extract %slice3A_272[0] : i32 from vector<1xi32>
      %dma_start3A_274 = arith.constant 0 : i32
      %dma_start3A_275 = arith.constant 0 : i32
      %dma_start3A_276 = tpu.memref_slice %arg2[%squeeze3A_273, %dma_start3A_274, %dma_start3A_275] : memref<768x224x224xf32, #tpu.memory_space<hbm>> -> memref<1x224x224xf32, #tpu.memory_space<hbm>>
      %dma_start3A_277 = arith.constant 0 : i32
      %dma_start3A_278 = arith.constant 0 : i32
      %dma_start3A_279 = tpu.memref_slice %arg2[%squeeze3A_273, %dma_start3A_277, %dma_start3A_278] : memref<768x224x224xf32, #tpu.memory_space<hbm>> -> memref<1x224x224xf32, #tpu.memory_space<hbm>>
      tpu.enqueue_dma source(%dma_start3A_279 : memref<1x224x224xf32, #tpu.memory_space<hbm>>) target(%arg9 : memref<1x224x224xf32, #tpu.memory_space<vmem>>) target_semaphore(%arg11 : memref<!tpu.dma_semaphore, #tpu.memory_space<semaphore_mem>>)
      %add3A_280 = arith.constant 14 : i32
      %add3A_281 = arith.addi %add3A_32, %add3A_280 : i32
      "tpu.region"() ({
        %run_scoped3A = tpu.sem_alloc : memref<!tpu.dma_semaphore, #tpu.memory_space<semaphore_mem>>
        %dma_start3A_418 = arith.constant 0 : i32
        %dma_start3A_419 = arith.constant 0 : i32
        %dma_start3A_420 = tpu.memref_slice %arg6[%add3A_281, %dma_start3A_418, %dma_start3A_419] : memref<768x224x224xf32, #tpu.memory_space<hbm>> -> memref<1x224x224xf32, #tpu.memory_space<hbm>>
        %dma_start3A_421 = arith.constant 0 : i32
        %dma_start3A_422 = arith.constant 0 : i32
        %dma_start3A_423 = tpu.memref_slice %arg6[%add3A_281, %dma_start3A_421, %dma_start3A_422] : memref<768x224x224xf32, #tpu.memory_space<hbm>> -> memref<1x224x224xf32, #tpu.memory_space<hbm>>
        tpu.enqueue_dma source(%arg8 : memref<1x224x224xf32, #tpu.memory_space<vmem>>) target(%dma_start3A_423 : memref<1x224x224xf32, #tpu.memory_space<hbm>>) target_semaphore(%run_scoped3A : memref<!tpu.dma_semaphore, #tpu.memory_space<semaphore_mem>>)
        %dma_wait3A_424 = arith.constant 0 : i32
        %dma_wait3A_425 = arith.constant 0 : i32
        %dma_wait3A_426 = tpu.memref_slice %arg6[%add3A_281, %dma_wait3A_424, %dma_wait3A_425] : memref<768x224x224xf32, #tpu.memory_space<hbm>> -> memref<1x224x224xf32, #tpu.memory_space<hbm>>
        %dma_wait3A_427 = arith.constant 0 : i32
        %dma_wait3A_428 = arith.constant 0 : i32
        %dma_wait3A_429 = tpu.memref_slice %arg6[%add3A_281, %dma_wait3A_427, %dma_wait3A_428] : memref<768x224x224xf32, #tpu.memory_space<hbm>> -> memref<1x224x224xf32, #tpu.memory_space<hbm>>
        tpu.wait_dma2 semaphore(%run_scoped3A : memref<!tpu.dma_semaphore, #tpu.memory_space<semaphore_mem>>) src(%arg8 : memref<1x224x224xf32, #tpu.memory_space<vmem>>) dst(%dma_wait3A_429 : memref<1x224x224xf32, #tpu.memory_space<hbm>>)
        tpu.yield
      }) : () -> ()
      %dma_wait3A_282 = arith.constant 0 : i32
      %dma_wait3A_283 = arith.constant 0 : i32
      %dma_wait3A_284 = tpu.memref_slice %arg2[%squeeze3A_273, %dma_wait3A_282, %dma_wait3A_283] : memref<768x224x224xf32, #tpu.memory_space<hbm>> -> memref<1x224x224xf32, #tpu.memory_space<hbm>>
      %dma_wait3A_285 = arith.constant 0 : i32
      %dma_wait3A_286 = arith.constant 0 : i32
      %dma_wait3A_287 = tpu.memref_slice %arg2[%squeeze3A_273, %dma_wait3A_285, %dma_wait3A_286] : memref<768x224x224xf32, #tpu.memory_space<hbm>> -> memref<1x224x224xf32, #tpu.memory_space<hbm>>
      tpu.wait_dma2 semaphore(%arg11 : memref<!tpu.dma_semaphore, #tpu.memory_space<semaphore_mem>>) src(%dma_wait3A_287 : memref<1x224x224xf32, #tpu.memory_space<hbm>>) dst(%arg9 : memref<1x224x224xf32, #tpu.memory_space<vmem>>)
      %slice3A_288 = vector.extract_strided_slice %get3A_37 {offsets = [8], sizes = [1], strides = [1]} : vector<16xi32> to vector<1xi32>
      %squeeze3A_289 = vector.extract %slice3A_288[0] : i32 from vector<1xi32>
      %dma_start3A_290 = arith.constant 0 : i32
      %dma_start3A_291 = arith.constant 0 : i32
      %dma_start3A_292 = tpu.memref_slice %arg2[%squeeze3A_289, %dma_start3A_290, %dma_start3A_291] : memref<768x224x224xf32, #tpu.memory_space<hbm>> -> memref<1x224x224xf32, #tpu.memory_space<hbm>>
      %dma_start3A_293 = arith.constant 0 : i32
      %dma_start3A_294 = arith.constant 0 : i32
      %dma_start3A_295 = tpu.memref_slice %arg2[%squeeze3A_289, %dma_start3A_293, %dma_start3A_294] : memref<768x224x224xf32, #tpu.memory_space<hbm>> -> memref<1x224x224xf32, #tpu.memory_space<hbm>>
      tpu.enqueue_dma source(%dma_start3A_295 : memref<1x224x224xf32, #tpu.memory_space<hbm>>) target(%arg8 : memref<1x224x224xf32, #tpu.memory_space<vmem>>) target_semaphore(%arg10 : memref<!tpu.dma_semaphore, #tpu.memory_space<semaphore_mem>>)
      %add3A_296 = arith.constant 15 : i32
      %add3A_297 = arith.addi %add3A_32, %add3A_296 : i32
      "tpu.region"() ({
        %run_scoped3A = tpu.sem_alloc : memref<!tpu.dma_semaphore, #tpu.memory_space<semaphore_mem>>
        %dma_start3A_418 = arith.constant 0 : i32
        %dma_start3A_419 = arith.constant 0 : i32
        %dma_start3A_420 = tpu.memref_slice %arg6[%add3A_297, %dma_start3A_418, %dma_start3A_419] : memref<768x224x224xf32, #tpu.memory_space<hbm>> -> memref<1x224x224xf32, #tpu.memory_space<hbm>>
        %dma_start3A_421 = arith.constant 0 : i32
        %dma_start3A_422 = arith.constant 0 : i32
        %dma_start3A_423 = tpu.memref_slice %arg6[%add3A_297, %dma_start3A_421, %dma_start3A_422] : memref<768x224x224xf32, #tpu.memory_space<hbm>> -> memref<1x224x224xf32, #tpu.memory_space<hbm>>
        tpu.enqueue_dma source(%arg9 : memref<1x224x224xf32, #tpu.memory_space<vmem>>) target(%dma_start3A_423 : memref<1x224x224xf32, #tpu.memory_space<hbm>>) target_semaphore(%run_scoped3A : memref<!tpu.dma_semaphore, #tpu.memory_space<semaphore_mem>>)
        %dma_wait3A_424 = arith.constant 0 : i32
        %dma_wait3A_425 = arith.constant 0 : i32
        %dma_wait3A_426 = tpu.memref_slice %arg6[%add3A_297, %dma_wait3A_424, %dma_wait3A_425] : memref<768x224x224xf32, #tpu.memory_space<hbm>> -> memref<1x224x224xf32, #tpu.memory_space<hbm>>
        %dma_wait3A_427 = arith.constant 0 : i32
        %dma_wait3A_428 = arith.constant 0 : i32
        %dma_wait3A_429 = tpu.memref_slice %arg6[%add3A_297, %dma_wait3A_427, %dma_wait3A_428] : memref<768x224x224xf32, #tpu.memory_space<hbm>> -> memref<1x224x224xf32, #tpu.memory_space<hbm>>
        tpu.wait_dma2 semaphore(%run_scoped3A : memref<!tpu.dma_semaphore, #tpu.memory_space<semaphore_mem>>) src(%arg9 : memref<1x224x224xf32, #tpu.memory_space<vmem>>) dst(%dma_wait3A_429 : memref<1x224x224xf32, #tpu.memory_space<hbm>>)
        tpu.yield
      }) : () -> ()
      %dma_wait3A_298 = arith.constant 0 : i32
      %dma_wait3A_299 = arith.constant 0 : i32
      %dma_wait3A_300 = tpu.memref_slice %arg2[%squeeze3A_289, %dma_wait3A_298, %dma_wait3A_299] : memref<768x224x224xf32, #tpu.memory_space<hbm>> -> memref<1x224x224xf32, #tpu.memory_space<hbm>>
      %dma_wait3A_301 = arith.constant 0 : i32
      %dma_wait3A_302 = arith.constant 0 : i32
      %dma_wait3A_303 = tpu.memref_slice %arg2[%squeeze3A_289, %dma_wait3A_301, %dma_wait3A_302] : memref<768x224x224xf32, #tpu.memory_space<hbm>> -> memref<1x224x224xf32, #tpu.memory_space<hbm>>
      tpu.wait_dma2 semaphore(%arg10 : memref<!tpu.dma_semaphore, #tpu.memory_space<semaphore_mem>>) src(%dma_wait3A_303 : memref<1x224x224xf32, #tpu.memory_space<hbm>>) dst(%arg8 : memref<1x224x224xf32, #tpu.memory_space<vmem>>)
      %slice3A_304 = vector.extract_strided_slice %get3A_37 {offsets = [9], sizes = [1], strides = [1]} : vector<16xi32> to vector<1xi32>
      %squeeze3A_305 = vector.extract %slice3A_304[0] : i32 from vector<1xi32>
      %dma_start3A_306 = arith.constant 0 : i32
      %dma_start3A_307 = arith.constant 0 : i32
      %dma_start3A_308 = tpu.memref_slice %arg2[%squeeze3A_305, %dma_start3A_306, %dma_start3A_307] : memref<768x224x224xf32, #tpu.memory_space<hbm>> -> memref<1x224x224xf32, #tpu.memory_space<hbm>>
      %dma_start3A_309 = arith.constant 0 : i32
      %dma_start3A_310 = arith.constant 0 : i32
      %dma_start3A_311 = tpu.memref_slice %arg2[%squeeze3A_305, %dma_start3A_309, %dma_start3A_310] : memref<768x224x224xf32, #tpu.memory_space<hbm>> -> memref<1x224x224xf32, #tpu.memory_space<hbm>>
      tpu.enqueue_dma source(%dma_start3A_311 : memref<1x224x224xf32, #tpu.memory_space<hbm>>) target(%arg9 : memref<1x224x224xf32, #tpu.memory_space<vmem>>) target_semaphore(%arg11 : memref<!tpu.dma_semaphore, #tpu.memory_space<semaphore_mem>>)
      %add3A_312 = arith.constant 16 : i32
      %add3A_313 = arith.addi %add3A_32, %add3A_312 : i32
      "tpu.region"() ({
        %run_scoped3A = tpu.sem_alloc : memref<!tpu.dma_semaphore, #tpu.memory_space<semaphore_mem>>
        %dma_start3A_418 = arith.constant 0 : i32
        %dma_start3A_419 = arith.constant 0 : i32
        %dma_start3A_420 = tpu.memref_slice %arg6[%add3A_313, %dma_start3A_418, %dma_start3A_419] : memref<768x224x224xf32, #tpu.memory_space<hbm>> -> memref<1x224x224xf32, #tpu.memory_space<hbm>>
        %dma_start3A_421 = arith.constant 0 : i32
        %dma_start3A_422 = arith.constant 0 : i32
        %dma_start3A_423 = tpu.memref_slice %arg6[%add3A_313, %dma_start3A_421, %dma_start3A_422] : memref<768x224x224xf32, #tpu.memory_space<hbm>> -> memref<1x224x224xf32, #tpu.memory_space<hbm>>
        tpu.enqueue_dma source(%arg8 : memref<1x224x224xf32, #tpu.memory_space<vmem>>) target(%dma_start3A_423 : memref<1x224x224xf32, #tpu.memory_space<hbm>>) target_semaphore(%run_scoped3A : memref<!tpu.dma_semaphore, #tpu.memory_space<semaphore_mem>>)
        %dma_wait3A_424 = arith.constant 0 : i32
        %dma_wait3A_425 = arith.constant 0 : i32
        %dma_wait3A_426 = tpu.memref_slice %arg6[%add3A_313, %dma_wait3A_424, %dma_wait3A_425] : memref<768x224x224xf32, #tpu.memory_space<hbm>> -> memref<1x224x224xf32, #tpu.memory_space<hbm>>
        %dma_wait3A_427 = arith.constant 0 : i32
        %dma_wait3A_428 = arith.constant 0 : i32
        %dma_wait3A_429 = tpu.memref_slice %arg6[%add3A_313, %dma_wait3A_427, %dma_wait3A_428] : memref<768x224x224xf32, #tpu.memory_space<hbm>> -> memref<1x224x224xf32, #tpu.memory_space<hbm>>
        tpu.wait_dma2 semaphore(%run_scoped3A : memref<!tpu.dma_semaphore, #tpu.memory_space<semaphore_mem>>) src(%arg8 : memref<1x224x224xf32, #tpu.memory_space<vmem>>) dst(%dma_wait3A_429 : memref<1x224x224xf32, #tpu.memory_space<hbm>>)
        tpu.yield
      }) : () -> ()
      %dma_wait3A_314 = arith.constant 0 : i32
      %dma_wait3A_315 = arith.constant 0 : i32
      %dma_wait3A_316 = tpu.memref_slice %arg2[%squeeze3A_305, %dma_wait3A_314, %dma_wait3A_315] : memref<768x224x224xf32, #tpu.memory_space<hbm>> -> memref<1x224x224xf32, #tpu.memory_space<hbm>>
      %dma_wait3A_317 = arith.constant 0 : i32
      %dma_wait3A_318 = arith.constant 0 : i32
      %dma_wait3A_319 = tpu.memref_slice %arg2[%squeeze3A_305, %dma_wait3A_317, %dma_wait3A_318] : memref<768x224x224xf32, #tpu.memory_space<hbm>> -> memref<1x224x224xf32, #tpu.memory_space<hbm>>
      tpu.wait_dma2 semaphore(%arg11 : memref<!tpu.dma_semaphore, #tpu.memory_space<semaphore_mem>>) src(%dma_wait3A_319 : memref<1x224x224xf32, #tpu.memory_space<hbm>>) dst(%arg9 : memref<1x224x224xf32, #tpu.memory_space<vmem>>)
      %slice3A_320 = vector.extract_strided_slice %get3A_37 {offsets = [10], sizes = [1], strides = [1]} : vector<16xi32> to vector<1xi32>
      %squeeze3A_321 = vector.extract %slice3A_320[0] : i32 from vector<1xi32>
      %dma_start3A_322 = arith.constant 0 : i32
      %dma_start3A_323 = arith.constant 0 : i32
      %dma_start3A_324 = tpu.memref_slice %arg2[%squeeze3A_321, %dma_start3A_322, %dma_start3A_323] : memref<768x224x224xf32, #tpu.memory_space<hbm>> -> memref<1x224x224xf32, #tpu.memory_space<hbm>>
      %dma_start3A_325 = arith.constant 0 : i32
      %dma_start3A_326 = arith.constant 0 : i32
      %dma_start3A_327 = tpu.memref_slice %arg2[%squeeze3A_321, %dma_start3A_325, %dma_start3A_326] : memref<768x224x224xf32, #tpu.memory_space<hbm>> -> memref<1x224x224xf32, #tpu.memory_space<hbm>>
      tpu.enqueue_dma source(%dma_start3A_327 : memref<1x224x224xf32, #tpu.memory_space<hbm>>) target(%arg8 : memref<1x224x224xf32, #tpu.memory_space<vmem>>) target_semaphore(%arg10 : memref<!tpu.dma_semaphore, #tpu.memory_space<semaphore_mem>>)
      %add3A_328 = arith.constant 17 : i32
      %add3A_329 = arith.addi %add3A_32, %add3A_328 : i32
      "tpu.region"() ({
        %run_scoped3A = tpu.sem_alloc : memref<!tpu.dma_semaphore, #tpu.memory_space<semaphore_mem>>
        %dma_start3A_418 = arith.constant 0 : i32
        %dma_start3A_419 = arith.constant 0 : i32
        %dma_start3A_420 = tpu.memref_slice %arg6[%add3A_329, %dma_start3A_418, %dma_start3A_419] : memref<768x224x224xf32, #tpu.memory_space<hbm>> -> memref<1x224x224xf32, #tpu.memory_space<hbm>>
        %dma_start3A_421 = arith.constant 0 : i32
        %dma_start3A_422 = arith.constant 0 : i32
        %dma_start3A_423 = tpu.memref_slice %arg6[%add3A_329, %dma_start3A_421, %dma_start3A_422] : memref<768x224x224xf32, #tpu.memory_space<hbm>> -> memref<1x224x224xf32, #tpu.memory_space<hbm>>
        tpu.enqueue_dma source(%arg9 : memref<1x224x224xf32, #tpu.memory_space<vmem>>) target(%dma_start3A_423 : memref<1x224x224xf32, #tpu.memory_space<hbm>>) target_semaphore(%run_scoped3A : memref<!tpu.dma_semaphore, #tpu.memory_space<semaphore_mem>>)
        %dma_wait3A_424 = arith.constant 0 : i32
        %dma_wait3A_425 = arith.constant 0 : i32
        %dma_wait3A_426 = tpu.memref_slice %arg6[%add3A_329, %dma_wait3A_424, %dma_wait3A_425] : memref<768x224x224xf32, #tpu.memory_space<hbm>> -> memref<1x224x224xf32, #tpu.memory_space<hbm>>
        %dma_wait3A_427 = arith.constant 0 : i32
        %dma_wait3A_428 = arith.constant 0 : i32
        %dma_wait3A_429 = tpu.memref_slice %arg6[%add3A_329, %dma_wait3A_427, %dma_wait3A_428] : memref<768x224x224xf32, #tpu.memory_space<hbm>> -> memref<1x224x224xf32, #tpu.memory_space<hbm>>
        tpu.wait_dma2 semaphore(%run_scoped3A : memref<!tpu.dma_semaphore, #tpu.memory_space<semaphore_mem>>) src(%arg9 : memref<1x224x224xf32, #tpu.memory_space<vmem>>) dst(%dma_wait3A_429 : memref<1x224x224xf32, #tpu.memory_space<hbm>>)
        tpu.yield
      }) : () -> ()
      %dma_wait3A_330 = arith.constant 0 : i32
      %dma_wait3A_331 = arith.constant 0 : i32
      %dma_wait3A_332 = tpu.memref_slice %arg2[%squeeze3A_321, %dma_wait3A_330, %dma_wait3A_331] : memref<768x224x224xf32, #tpu.memory_space<hbm>> -> memref<1x224x224xf32, #tpu.memory_space<hbm>>
      %dma_wait3A_333 = arith.constant 0 : i32
      %dma_wait3A_334 = arith.constant 0 : i32
      %dma_wait3A_335 = tpu.memref_slice %arg2[%squeeze3A_321, %dma_wait3A_333, %dma_wait3A_334] : memref<768x224x224xf32, #tpu.memory_space<hbm>> -> memref<1x224x224xf32, #tpu.memory_space<hbm>>
      tpu.wait_dma2 semaphore(%arg10 : memref<!tpu.dma_semaphore, #tpu.memory_space<semaphore_mem>>) src(%dma_wait3A_335 : memref<1x224x224xf32, #tpu.memory_space<hbm>>) dst(%arg8 : memref<1x224x224xf32, #tpu.memory_space<vmem>>)
      %slice3A_336 = vector.extract_strided_slice %get3A_37 {offsets = [11], sizes = [1], strides = [1]} : vector<16xi32> to vector<1xi32>
      %squeeze3A_337 = vector.extract %slice3A_336[0] : i32 from vector<1xi32>
      %dma_start3A_338 = arith.constant 0 : i32
      %dma_start3A_339 = arith.constant 0 : i32
      %dma_start3A_340 = tpu.memref_slice %arg2[%squeeze3A_337, %dma_start3A_338, %dma_start3A_339] : memref<768x224x224xf32, #tpu.memory_space<hbm>> -> memref<1x224x224xf32, #tpu.memory_space<hbm>>
      %dma_start3A_341 = arith.constant 0 : i32
      %dma_start3A_342 = arith.constant 0 : i32
      %dma_start3A_343 = tpu.memref_slice %arg2[%squeeze3A_337, %dma_start3A_341, %dma_start3A_342] : memref<768x224x224xf32, #tpu.memory_space<hbm>> -> memref<1x224x224xf32, #tpu.memory_space<hbm>>
      tpu.enqueue_dma source(%dma_start3A_343 : memref<1x224x224xf32, #tpu.memory_space<hbm>>) target(%arg9 : memref<1x224x224xf32, #tpu.memory_space<vmem>>) target_semaphore(%arg11 : memref<!tpu.dma_semaphore, #tpu.memory_space<semaphore_mem>>)
      %add3A_344 = arith.constant 18 : i32
      %add3A_345 = arith.addi %add3A_32, %add3A_344 : i32
      "tpu.region"() ({
        %run_scoped3A = tpu.sem_alloc : memref<!tpu.dma_semaphore, #tpu.memory_space<semaphore_mem>>
        %dma_start3A_418 = arith.constant 0 : i32
        %dma_start3A_419 = arith.constant 0 : i32
        %dma_start3A_420 = tpu.memref_slice %arg6[%add3A_345, %dma_start3A_418, %dma_start3A_419] : memref<768x224x224xf32, #tpu.memory_space<hbm>> -> memref<1x224x224xf32, #tpu.memory_space<hbm>>
        %dma_start3A_421 = arith.constant 0 : i32
        %dma_start3A_422 = arith.constant 0 : i32
        %dma_start3A_423 = tpu.memref_slice %arg6[%add3A_345, %dma_start3A_421, %dma_start3A_422] : memref<768x224x224xf32, #tpu.memory_space<hbm>> -> memref<1x224x224xf32, #tpu.memory_space<hbm>>
        tpu.enqueue_dma source(%arg8 : memref<1x224x224xf32, #tpu.memory_space<vmem>>) target(%dma_start3A_423 : memref<1x224x224xf32, #tpu.memory_space<hbm>>) target_semaphore(%run_scoped3A : memref<!tpu.dma_semaphore, #tpu.memory_space<semaphore_mem>>)
        %dma_wait3A_424 = arith.constant 0 : i32
        %dma_wait3A_425 = arith.constant 0 : i32
        %dma_wait3A_426 = tpu.memref_slice %arg6[%add3A_345, %dma_wait3A_424, %dma_wait3A_425] : memref<768x224x224xf32, #tpu.memory_space<hbm>> -> memref<1x224x224xf32, #tpu.memory_space<hbm>>
        %dma_wait3A_427 = arith.constant 0 : i32
        %dma_wait3A_428 = arith.constant 0 : i32
        %dma_wait3A_429 = tpu.memref_slice %arg6[%add3A_345, %dma_wait3A_427, %dma_wait3A_428] : memref<768x224x224xf32, #tpu.memory_space<hbm>> -> memref<1x224x224xf32, #tpu.memory_space<hbm>>
        tpu.wait_dma2 semaphore(%run_scoped3A : memref<!tpu.dma_semaphore, #tpu.memory_space<semaphore_mem>>) src(%arg8 : memref<1x224x224xf32, #tpu.memory_space<vmem>>) dst(%dma_wait3A_429 : memref<1x224x224xf32, #tpu.memory_space<hbm>>)
        tpu.yield
      }) : () -> ()
      %dma_wait3A_346 = arith.constant 0 : i32
      %dma_wait3A_347 = arith.constant 0 : i32
      %dma_wait3A_348 = tpu.memref_slice %arg2[%squeeze3A_337, %dma_wait3A_346, %dma_wait3A_347] : memref<768x224x224xf32, #tpu.memory_space<hbm>> -> memref<1x224x224xf32, #tpu.memory_space<hbm>>
      %dma_wait3A_349 = arith.constant 0 : i32
      %dma_wait3A_350 = arith.constant 0 : i32
      %dma_wait3A_351 = tpu.memref_slice %arg2[%squeeze3A_337, %dma_wait3A_349, %dma_wait3A_350] : memref<768x224x224xf32, #tpu.memory_space<hbm>> -> memref<1x224x224xf32, #tpu.memory_space<hbm>>
      tpu.wait_dma2 semaphore(%arg11 : memref<!tpu.dma_semaphore, #tpu.memory_space<semaphore_mem>>) src(%dma_wait3A_351 : memref<1x224x224xf32, #tpu.memory_space<hbm>>) dst(%arg9 : memref<1x224x224xf32, #tpu.memory_space<vmem>>)
      %slice3A_352 = vector.extract_strided_slice %get3A_37 {offsets = [12], sizes = [1], strides = [1]} : vector<16xi32> to vector<1xi32>
      %squeeze3A_353 = vector.extract %slice3A_352[0] : i32 from vector<1xi32>
      %dma_start3A_354 = arith.constant 0 : i32
      %dma_start3A_355 = arith.constant 0 : i32
      %dma_start3A_356 = tpu.memref_slice %arg2[%squeeze3A_353, %dma_start3A_354, %dma_start3A_355] : memref<768x224x224xf32, #tpu.memory_space<hbm>> -> memref<1x224x224xf32, #tpu.memory_space<hbm>>
      %dma_start3A_357 = arith.constant 0 : i32
      %dma_start3A_358 = arith.constant 0 : i32
      %dma_start3A_359 = tpu.memref_slice %arg2[%squeeze3A_353, %dma_start3A_357, %dma_start3A_358] : memref<768x224x224xf32, #tpu.memory_space<hbm>> -> memref<1x224x224xf32, #tpu.memory_space<hbm>>
      tpu.enqueue_dma source(%dma_start3A_359 : memref<1x224x224xf32, #tpu.memory_space<hbm>>) target(%arg8 : memref<1x224x224xf32, #tpu.memory_space<vmem>>) target_semaphore(%arg10 : memref<!tpu.dma_semaphore, #tpu.memory_space<semaphore_mem>>)
      %add3A_360 = arith.constant 19 : i32
      %add3A_361 = arith.addi %add3A_32, %add3A_360 : i32
      "tpu.region"() ({
        %run_scoped3A = tpu.sem_alloc : memref<!tpu.dma_semaphore, #tpu.memory_space<semaphore_mem>>
        %dma_start3A_418 = arith.constant 0 : i32
        %dma_start3A_419 = arith.constant 0 : i32
        %dma_start3A_420 = tpu.memref_slice %arg6[%add3A_361, %dma_start3A_418, %dma_start3A_419] : memref<768x224x224xf32, #tpu.memory_space<hbm>> -> memref<1x224x224xf32, #tpu.memory_space<hbm>>
        %dma_start3A_421 = arith.constant 0 : i32
        %dma_start3A_422 = arith.constant 0 : i32
        %dma_start3A_423 = tpu.memref_slice %arg6[%add3A_361, %dma_start3A_421, %dma_start3A_422] : memref<768x224x224xf32, #tpu.memory_space<hbm>> -> memref<1x224x224xf32, #tpu.memory_space<hbm>>
        tpu.enqueue_dma source(%arg9 : memref<1x224x224xf32, #tpu.memory_space<vmem>>) target(%dma_start3A_423 : memref<1x224x224xf32, #tpu.memory_space<hbm>>) target_semaphore(%run_scoped3A : memref<!tpu.dma_semaphore, #tpu.memory_space<semaphore_mem>>)
        %dma_wait3A_424 = arith.constant 0 : i32
        %dma_wait3A_425 = arith.constant 0 : i32
        %dma_wait3A_426 = tpu.memref_slice %arg6[%add3A_361, %dma_wait3A_424, %dma_wait3A_425] : memref<768x224x224xf32, #tpu.memory_space<hbm>> -> memref<1x224x224xf32, #tpu.memory_space<hbm>>
        %dma_wait3A_427 = arith.constant 0 : i32
        %dma_wait3A_428 = arith.constant 0 : i32
        %dma_wait3A_429 = tpu.memref_slice %arg6[%add3A_361, %dma_wait3A_427, %dma_wait3A_428] : memref<768x224x224xf32, #tpu.memory_space<hbm>> -> memref<1x224x224xf32, #tpu.memory_space<hbm>>
        tpu.wait_dma2 semaphore(%run_scoped3A : memref<!tpu.dma_semaphore, #tpu.memory_space<semaphore_mem>>) src(%arg9 : memref<1x224x224xf32, #tpu.memory_space<vmem>>) dst(%dma_wait3A_429 : memref<1x224x224xf32, #tpu.memory_space<hbm>>)
        tpu.yield
      }) : () -> ()
      %dma_wait3A_362 = arith.constant 0 : i32
      %dma_wait3A_363 = arith.constant 0 : i32
      %dma_wait3A_364 = tpu.memref_slice %arg2[%squeeze3A_353, %dma_wait3A_362, %dma_wait3A_363] : memref<768x224x224xf32, #tpu.memory_space<hbm>> -> memref<1x224x224xf32, #tpu.memory_space<hbm>>
      %dma_wait3A_365 = arith.constant 0 : i32
      %dma_wait3A_366 = arith.constant 0 : i32
      %dma_wait3A_367 = tpu.memref_slice %arg2[%squeeze3A_353, %dma_wait3A_365, %dma_wait3A_366] : memref<768x224x224xf32, #tpu.memory_space<hbm>> -> memref<1x224x224xf32, #tpu.memory_space<hbm>>
      tpu.wait_dma2 semaphore(%arg10 : memref<!tpu.dma_semaphore, #tpu.memory_space<semaphore_mem>>) src(%dma_wait3A_367 : memref<1x224x224xf32, #tpu.memory_space<hbm>>) dst(%arg8 : memref<1x224x224xf32, #tpu.memory_space<vmem>>)
      %slice3A_368 = vector.extract_strided_slice %get3A_37 {offsets = [13], sizes = [1], strides = [1]} : vector<16xi32> to vector<1xi32>
      %squeeze3A_369 = vector.extract %slice3A_368[0] : i32 from vector<1xi32>
      %dma_start3A_370 = arith.constant 0 : i32
      %dma_start3A_371 = arith.constant 0 : i32
      %dma_start3A_372 = tpu.memref_slice %arg2[%squeeze3A_369, %dma_start3A_370, %dma_start3A_371] : memref<768x224x224xf32, #tpu.memory_space<hbm>> -> memref<1x224x224xf32, #tpu.memory_space<hbm>>
      %dma_start3A_373 = arith.constant 0 : i32
      %dma_start3A_374 = arith.constant 0 : i32
      %dma_start3A_375 = tpu.memref_slice %arg2[%squeeze3A_369, %dma_start3A_373, %dma_start3A_374] : memref<768x224x224xf32, #tpu.memory_space<hbm>> -> memref<1x224x224xf32, #tpu.memory_space<hbm>>
      tpu.enqueue_dma source(%dma_start3A_375 : memref<1x224x224xf32, #tpu.memory_space<hbm>>) target(%arg9 : memref<1x224x224xf32, #tpu.memory_space<vmem>>) target_semaphore(%arg11 : memref<!tpu.dma_semaphore, #tpu.memory_space<semaphore_mem>>)
      %add3A_376 = arith.constant 20 : i32
      %add3A_377 = arith.addi %add3A_32, %add3A_376 : i32
      "tpu.region"() ({
        %run_scoped3A = tpu.sem_alloc : memref<!tpu.dma_semaphore, #tpu.memory_space<semaphore_mem>>
        %dma_start3A_418 = arith.constant 0 : i32
        %dma_start3A_419 = arith.constant 0 : i32
        %dma_start3A_420 = tpu.memref_slice %arg6[%add3A_377, %dma_start3A_418, %dma_start3A_419] : memref<768x224x224xf32, #tpu.memory_space<hbm>> -> memref<1x224x224xf32, #tpu.memory_space<hbm>>
        %dma_start3A_421 = arith.constant 0 : i32
        %dma_start3A_422 = arith.constant 0 : i32
        %dma_start3A_423 = tpu.memref_slice %arg6[%add3A_377, %dma_start3A_421, %dma_start3A_422] : memref<768x224x224xf32, #tpu.memory_space<hbm>> -> memref<1x224x224xf32, #tpu.memory_space<hbm>>
        tpu.enqueue_dma source(%arg8 : memref<1x224x224xf32, #tpu.memory_space<vmem>>) target(%dma_start3A_423 : memref<1x224x224xf32, #tpu.memory_space<hbm>>) target_semaphore(%run_scoped3A : memref<!tpu.dma_semaphore, #tpu.memory_space<semaphore_mem>>)
        %dma_wait3A_424 = arith.constant 0 : i32
        %dma_wait3A_425 = arith.constant 0 : i32
        %dma_wait3A_426 = tpu.memref_slice %arg6[%add3A_377, %dma_wait3A_424, %dma_wait3A_425] : memref<768x224x224xf32, #tpu.memory_space<hbm>> -> memref<1x224x224xf32, #tpu.memory_space<hbm>>
        %dma_wait3A_427 = arith.constant 0 : i32
        %dma_wait3A_428 = arith.constant 0 : i32
        %dma_wait3A_429 = tpu.memref_slice %arg6[%add3A_377, %dma_wait3A_427, %dma_wait3A_428] : memref<768x224x224xf32, #tpu.memory_space<hbm>> -> memref<1x224x224xf32, #tpu.memory_space<hbm>>
        tpu.wait_dma2 semaphore(%run_scoped3A : memref<!tpu.dma_semaphore, #tpu.memory_space<semaphore_mem>>) src(%arg8 : memref<1x224x224xf32, #tpu.memory_space<vmem>>) dst(%dma_wait3A_429 : memref<1x224x224xf32, #tpu.memory_space<hbm>>)
        tpu.yield
      }) : () -> ()
      %dma_wait3A_378 = arith.constant 0 : i32
      %dma_wait3A_379 = arith.constant 0 : i32
      %dma_wait3A_380 = tpu.memref_slice %arg2[%squeeze3A_369, %dma_wait3A_378, %dma_wait3A_379] : memref<768x224x224xf32, #tpu.memory_space<hbm>> -> memref<1x224x224xf32, #tpu.memory_space<hbm>>
      %dma_wait3A_381 = arith.constant 0 : i32
      %dma_wait3A_382 = arith.constant 0 : i32
      %dma_wait3A_383 = tpu.memref_slice %arg2[%squeeze3A_369, %dma_wait3A_381, %dma_wait3A_382] : memref<768x224x224xf32, #tpu.memory_space<hbm>> -> memref<1x224x224xf32, #tpu.memory_space<hbm>>
      tpu.wait_dma2 semaphore(%arg11 : memref<!tpu.dma_semaphore, #tpu.memory_space<semaphore_mem>>) src(%dma_wait3A_383 : memref<1x224x224xf32, #tpu.memory_space<hbm>>) dst(%arg9 : memref<1x224x224xf32, #tpu.memory_space<vmem>>)
      %slice3A_384 = vector.extract_strided_slice %get3A_37 {offsets = [14], sizes = [1], strides = [1]} : vector<16xi32> to vector<1xi32>
      %squeeze3A_385 = vector.extract %slice3A_384[0] : i32 from vector<1xi32>
      %dma_start3A_386 = arith.constant 0 : i32
      %dma_start3A_387 = arith.constant 0 : i32
      %dma_start3A_388 = tpu.memref_slice %arg2[%squeeze3A_385, %dma_start3A_386, %dma_start3A_387] : memref<768x224x224xf32, #tpu.memory_space<hbm>> -> memref<1x224x224xf32, #tpu.memory_space<hbm>>
      %dma_start3A_389 = arith.constant 0 : i32
      %dma_start3A_390 = arith.constant 0 : i32
      %dma_start3A_391 = tpu.memref_slice %arg2[%squeeze3A_385, %dma_start3A_389, %dma_start3A_390] : memref<768x224x224xf32, #tpu.memory_space<hbm>> -> memref<1x224x224xf32, #tpu.memory_space<hbm>>
      tpu.enqueue_dma source(%dma_start3A_391 : memref<1x224x224xf32, #tpu.memory_space<hbm>>) target(%arg8 : memref<1x224x224xf32, #tpu.memory_space<vmem>>) target_semaphore(%arg10 : memref<!tpu.dma_semaphore, #tpu.memory_space<semaphore_mem>>)
      %add3A_392 = arith.constant 21 : i32
      %add3A_393 = arith.addi %add3A_32, %add3A_392 : i32
      "tpu.region"() ({
        %run_scoped3A = tpu.sem_alloc : memref<!tpu.dma_semaphore, #tpu.memory_space<semaphore_mem>>
        %dma_start3A_418 = arith.constant 0 : i32
        %dma_start3A_419 = arith.constant 0 : i32
        %dma_start3A_420 = tpu.memref_slice %arg6[%add3A_393, %dma_start3A_418, %dma_start3A_419] : memref<768x224x224xf32, #tpu.memory_space<hbm>> -> memref<1x224x224xf32, #tpu.memory_space<hbm>>
        %dma_start3A_421 = arith.constant 0 : i32
        %dma_start3A_422 = arith.constant 0 : i32
        %dma_start3A_423 = tpu.memref_slice %arg6[%add3A_393, %dma_start3A_421, %dma_start3A_422] : memref<768x224x224xf32, #tpu.memory_space<hbm>> -> memref<1x224x224xf32, #tpu.memory_space<hbm>>
        tpu.enqueue_dma source(%arg9 : memref<1x224x224xf32, #tpu.memory_space<vmem>>) target(%dma_start3A_423 : memref<1x224x224xf32, #tpu.memory_space<hbm>>) target_semaphore(%run_scoped3A : memref<!tpu.dma_semaphore, #tpu.memory_space<semaphore_mem>>)
        %dma_wait3A_424 = arith.constant 0 : i32
        %dma_wait3A_425 = arith.constant 0 : i32
        %dma_wait3A_426 = tpu.memref_slice %arg6[%add3A_393, %dma_wait3A_424, %dma_wait3A_425] : memref<768x224x224xf32, #tpu.memory_space<hbm>> -> memref<1x224x224xf32, #tpu.memory_space<hbm>>
        %dma_wait3A_427 = arith.constant 0 : i32
        %dma_wait3A_428 = arith.constant 0 : i32
        %dma_wait3A_429 = tpu.memref_slice %arg6[%add3A_393, %dma_wait3A_427, %dma_wait3A_428] : memref<768x224x224xf32, #tpu.memory_space<hbm>> -> memref<1x224x224xf32, #tpu.memory_space<hbm>>
        tpu.wait_dma2 semaphore(%run_scoped3A : memref<!tpu.dma_semaphore, #tpu.memory_space<semaphore_mem>>) src(%arg9 : memref<1x224x224xf32, #tpu.memory_space<vmem>>) dst(%dma_wait3A_429 : memref<1x224x224xf32, #tpu.memory_space<hbm>>)
        tpu.yield
      }) : () -> ()
      %dma_wait3A_394 = arith.constant 0 : i32
      %dma_wait3A_395 = arith.constant 0 : i32
      %dma_wait3A_396 = tpu.memref_slice %arg2[%squeeze3A_385, %dma_wait3A_394, %dma_wait3A_395] : memref<768x224x224xf32, #tpu.memory_space<hbm>> -> memref<1x224x224xf32, #tpu.memory_space<hbm>>
      %dma_wait3A_397 = arith.constant 0 : i32
      %dma_wait3A_398 = arith.constant 0 : i32
      %dma_wait3A_399 = tpu.memref_slice %arg2[%squeeze3A_385, %dma_wait3A_397, %dma_wait3A_398] : memref<768x224x224xf32, #tpu.memory_space<hbm>> -> memref<1x224x224xf32, #tpu.memory_space<hbm>>
      tpu.wait_dma2 semaphore(%arg10 : memref<!tpu.dma_semaphore, #tpu.memory_space<semaphore_mem>>) src(%dma_wait3A_399 : memref<1x224x224xf32, #tpu.memory_space<hbm>>) dst(%arg8 : memref<1x224x224xf32, #tpu.memory_space<vmem>>)
      %slice3A_400 = vector.extract_strided_slice %get3A_37 {offsets = [15], sizes = [1], strides = [1]} : vector<16xi32> to vector<1xi32>
      %squeeze3A_401 = vector.extract %slice3A_400[0] : i32 from vector<1xi32>
      %dma_start3A_402 = arith.constant 0 : i32
      %dma_start3A_403 = arith.constant 0 : i32
      %dma_start3A_404 = tpu.memref_slice %arg2[%squeeze3A_401, %dma_start3A_402, %dma_start3A_403] : memref<768x224x224xf32, #tpu.memory_space<hbm>> -> memref<1x224x224xf32, #tpu.memory_space<hbm>>
      %dma_start3A_405 = arith.constant 0 : i32
      %dma_start3A_406 = arith.constant 0 : i32
      %dma_start3A_407 = tpu.memref_slice %arg2[%squeeze3A_401, %dma_start3A_405, %dma_start3A_406] : memref<768x224x224xf32, #tpu.memory_space<hbm>> -> memref<1x224x224xf32, #tpu.memory_space<hbm>>
      tpu.enqueue_dma source(%dma_start3A_407 : memref<1x224x224xf32, #tpu.memory_space<hbm>>) target(%arg9 : memref<1x224x224xf32, #tpu.memory_space<vmem>>) target_semaphore(%arg11 : memref<!tpu.dma_semaphore, #tpu.memory_space<semaphore_mem>>)
      %add3A_408 = arith.constant 22 : i32
      %add3A_409 = arith.addi %add3A_32, %add3A_408 : i32
      "tpu.region"() ({
        %run_scoped3A = tpu.sem_alloc : memref<!tpu.dma_semaphore, #tpu.memory_space<semaphore_mem>>
        %dma_start3A_418 = arith.constant 0 : i32
        %dma_start3A_419 = arith.constant 0 : i32
        %dma_start3A_420 = tpu.memref_slice %arg6[%add3A_409, %dma_start3A_418, %dma_start3A_419] : memref<768x224x224xf32, #tpu.memory_space<hbm>> -> memref<1x224x224xf32, #tpu.memory_space<hbm>>
        %dma_start3A_421 = arith.constant 0 : i32
        %dma_start3A_422 = arith.constant 0 : i32
        %dma_start3A_423 = tpu.memref_slice %arg6[%add3A_409, %dma_start3A_421, %dma_start3A_422] : memref<768x224x224xf32, #tpu.memory_space<hbm>> -> memref<1x224x224xf32, #tpu.memory_space<hbm>>
        tpu.enqueue_dma source(%arg8 : memref<1x224x224xf32, #tpu.memory_space<vmem>>) target(%dma_start3A_423 : memref<1x224x224xf32, #tpu.memory_space<hbm>>) target_semaphore(%run_scoped3A : memref<!tpu.dma_semaphore, #tpu.memory_space<semaphore_mem>>)
        %dma_wait3A_424 = arith.constant 0 : i32
        %dma_wait3A_425 = arith.constant 0 : i32
        %dma_wait3A_426 = tpu.memref_slice %arg6[%add3A_409, %dma_wait3A_424, %dma_wait3A_425] : memref<768x224x224xf32, #tpu.memory_space<hbm>> -> memref<1x224x224xf32, #tpu.memory_space<hbm>>
        %dma_wait3A_427 = arith.constant 0 : i32
        %dma_wait3A_428 = arith.constant 0 : i32
        %dma_wait3A_429 = tpu.memref_slice %arg6[%add3A_409, %dma_wait3A_427, %dma_wait3A_428] : memref<768x224x224xf32, #tpu.memory_space<hbm>> -> memref<1x224x224xf32, #tpu.memory_space<hbm>>
        tpu.wait_dma2 semaphore(%run_scoped3A : memref<!tpu.dma_semaphore, #tpu.memory_space<semaphore_mem>>) src(%arg8 : memref<1x224x224xf32, #tpu.memory_space<vmem>>) dst(%dma_wait3A_429 : memref<1x224x224xf32, #tpu.memory_space<hbm>>)
        tpu.yield
      }) : () -> ()
      %dma_wait3A_410 = arith.constant 0 : i32
      %dma_wait3A_411 = arith.constant 0 : i32
      %dma_wait3A_412 = tpu.memref_slice %arg2[%squeeze3A_401, %dma_wait3A_410, %dma_wait3A_411] : memref<768x224x224xf32, #tpu.memory_space<hbm>> -> memref<1x224x224xf32, #tpu.memory_space<hbm>>
      %dma_wait3A_413 = arith.constant 0 : i32
      %dma_wait3A_414 = arith.constant 0 : i32
      %dma_wait3A_415 = tpu.memref_slice %arg2[%squeeze3A_401, %dma_wait3A_413, %dma_wait3A_414] : memref<768x224x224xf32, #tpu.memory_space<hbm>> -> memref<1x224x224xf32, #tpu.memory_space<hbm>>
      tpu.wait_dma2 semaphore(%arg11 : memref<!tpu.dma_semaphore, #tpu.memory_space<semaphore_mem>>) src(%dma_wait3A_415 : memref<1x224x224xf32, #tpu.memory_space<hbm>>) dst(%arg9 : memref<1x224x224xf32, #tpu.memory_space<vmem>>)
      %add3A_416 = arith.constant 23 : i32
      %add3A_417 = arith.addi %add3A_32, %add3A_416 : i32
      "tpu.region"() ({
        %run_scoped3A = tpu.sem_alloc : memref<!tpu.dma_semaphore, #tpu.memory_space<semaphore_mem>>
        %dma_start3A_418 = arith.constant 0 : i32
        %dma_start3A_419 = arith.constant 0 : i32
        %dma_start3A_420 = tpu.memref_slice %arg6[%add3A_417, %dma_start3A_418, %dma_start3A_419] : memref<768x224x224xf32, #tpu.memory_space<hbm>> -> memref<1x224x224xf32, #tpu.memory_space<hbm>>
        %dma_start3A_421 = arith.constant 0 : i32
        %dma_start3A_422 = arith.constant 0 : i32
        %dma_start3A_423 = tpu.memref_slice %arg6[%add3A_417, %dma_start3A_421, %dma_start3A_422] : memref<768x224x224xf32, #tpu.memory_space<hbm>> -> memref<1x224x224xf32, #tpu.memory_space<hbm>>
        tpu.enqueue_dma source(%arg9 : memref<1x224x224xf32, #tpu.memory_space<vmem>>) target(%dma_start3A_423 : memref<1x224x224xf32, #tpu.memory_space<hbm>>) target_semaphore(%run_scoped3A : memref<!tpu.dma_semaphore, #tpu.memory_space<semaphore_mem>>)
        %dma_wait3A_424 = arith.constant 0 : i32
        %dma_wait3A_425 = arith.constant 0 : i32
        %dma_wait3A_426 = tpu.memref_slice %arg6[%add3A_417, %dma_wait3A_424, %dma_wait3A_425] : memref<768x224x224xf32, #tpu.memory_space<hbm>> -> memref<1x224x224xf32, #tpu.memory_space<hbm>>
        %dma_wait3A_427 = arith.constant 0 : i32
        %dma_wait3A_428 = arith.constant 0 : i32
        %dma_wait3A_429 = tpu.memref_slice %arg6[%add3A_417, %dma_wait3A_427, %dma_wait3A_428] : memref<768x224x224xf32, #tpu.memory_space<hbm>> -> memref<1x224x224xf32, #tpu.memory_space<hbm>>
        tpu.wait_dma2 semaphore(%run_scoped3A : memref<!tpu.dma_semaphore, #tpu.memory_space<semaphore_mem>>) src(%arg9 : memref<1x224x224xf32, #tpu.memory_space<vmem>>) dst(%dma_wait3A_429 : memref<1x224x224xf32, #tpu.memory_space<hbm>>)
        tpu.yield
      }) : () -> ()
    } else {
    }
    %ge3A = arith.constant 16 : i32
    %ge3A_3 = arith.cmpi sge, %add3A, %ge3A : i32
    %convert_element_type3A_4 = arith.extui %ge3A_3 : i1 to i32
    %cond3A_5 = arith.constant 0 : i32
    %cond3A_6 = arith.cmpi ne, %convert_element_type3A_4, %cond3A_5 : i32
    scf.if %cond3A_6 {
      %sub3A = arith.constant 16 : i32
      %sub3A_7 = arith.subi %add3A, %sub3A : i32
      %mul3A_8 = arith.constant 24 : i32
      %mul3A_9 = arith.muli %sub3A_7, %mul3A_8 : i32
      "tpu.region"() ({
        %run_scoped3A = tpu.sem_alloc : memref<!tpu.dma_semaphore, #tpu.memory_space<semaphore_mem>>
        %dma_start3A_420 = tpu.memref_slice %arg5[%mul3A_9] : memref<384xi32, #tpu.memory_space<hbm>> -> memref<24xi32, #tpu.memory_space<hbm>>
        %dma_start3A_421 = tpu.memref_slice %arg5[%mul3A_9] : memref<384xi32, #tpu.memory_space<hbm>> -> memref<24xi32, #tpu.memory_space<hbm>>
        tpu.enqueue_dma source(%dma_start3A_421 : memref<24xi32, #tpu.memory_space<hbm>>) target(%arg7 : memref<24xi32, #tpu.memory_space<vmem>>) target_semaphore(%run_scoped3A : memref<!tpu.dma_semaphore, #tpu.memory_space<semaphore_mem>>)
        %dma_wait3A_422 = tpu.memref_slice %arg5[%mul3A_9] : memref<384xi32, #tpu.memory_space<hbm>> -> memref<24xi32, #tpu.memory_space<hbm>>
        %dma_wait3A_423 = tpu.memref_slice %arg5[%mul3A_9] : memref<384xi32, #tpu.memory_space<hbm>> -> memref<24xi32, #tpu.memory_space<hbm>>
        tpu.wait_dma2 semaphore(%run_scoped3A : memref<!tpu.dma_semaphore, #tpu.memory_space<semaphore_mem>>) src(%dma_wait3A_423 : memref<24xi32, #tpu.memory_space<hbm>>) dst(%arg7 : memref<24xi32, #tpu.memory_space<vmem>>)
        tpu.yield
      }) : () -> ()
      %jit3A = arith.constant 192 : i32
      %div3A = arith.divsi %mul3A_9, %jit3A : i32
      %sign3A = arith.constant 0 : i32
      %sign3A_10 = arith.cmpi sgt, %mul3A_9, %sign3A : i32
      %sign3A_11 = arith.extui %sign3A_10 : i1 to i32
      %sign3A_12 = arith.constant 0 : i32
      %sign3A_13 = arith.cmpi slt, %mul3A_9, %sign3A_12 : i32
      %sign3A_14 = arith.extui %sign3A_13 : i1 to i32
      %sign3A_15 = arith.subi %sign3A_11, %sign3A_14 : i32
      %sign3A_16 = arith.constant 0 : i32
      %sign3A_17 = arith.cmpi sgt, %jit3A, %sign3A_16 : i32
      %sign3A_18 = arith.extui %sign3A_17 : i1 to i32
      %sign3A_19 = arith.constant 0 : i32
      %sign3A_20 = arith.cmpi slt, %jit3A, %sign3A_19 : i32
      %sign3A_21 = arith.extui %sign3A_20 : i1 to i32
      %sign3A_22 = arith.subi %sign3A_18, %sign3A_21 : i32
      %ne3A = arith.cmpi ne, %sign3A_15, %sign3A_22 : i32
      %rem3A = arith.remsi %mul3A_9, %jit3A : i32
      %ne3A_23 = arith.constant 0 : i32
      %ne3A_24 = arith.cmpi ne, %rem3A, %ne3A_23 : i32
      %and3A = arith.andi %ne3A, %ne3A_24 : i1
      %sub3A_25 = arith.constant 1 : i32
      %sub3A_26 = arith.subi %div3A, %sub3A_25 : i32
      %select_n3A = arith.select %and3A, %sub3A_26, %div3A : i32
      %mul3A_27 = arith.constant 384 : i32
      %mul3A_28 = arith.muli %select_n3A, %mul3A_27 : i32
      %add3A_29 = arith.constant 192 : i32
      %add3A_30 = arith.addi %mul3A_28, %add3A_29 : i32
      %mul3A_31 = arith.constant 192 : i32
      %mul3A_32 = arith.muli %select_n3A, %mul3A_31 : i32
      %sub3A_33 = arith.subi %mul3A_9, %mul3A_32 : i32
      %add3A_34 = arith.addi %add3A_30, %sub3A_33 : i32
      %get3A = arith.constant 0 : index
      %get3A_35 = tpu.vector_load %arg7[%get3A] {strides = array<i32>} : memref<24xi32, #tpu.memory_space<vmem>>, vector<16xi32>,
      %get3A_36 = vector.shape_cast %get3A_35 : vector<16xi32> to vector<16xi32>
      %get3A_37 = arith.constant 8 : index
      %get3A_38 = tpu.vector_load %arg7[%get3A_37] {strides = array<i32>} : memref<24xi32, #tpu.memory_space<vmem>>, vector<16xi32>,
      %get3A_39 = vector.shape_cast %get3A_38 : vector<16xi32> to vector<16xi32>
      %slice3A = vector.extract_strided_slice %get3A_36 {offsets = [0], sizes = [1], strides = [1]} : vector<16xi32> to vector<1xi32>
      %squeeze3A = vector.extract %slice3A[0] : i32 from vector<1xi32>
      %dma_start3A = arith.constant 0 : i32
      %dma_start3A_40 = arith.constant 0 : i32
      %dma_start3A_41 = tpu.memref_slice %arg3[%squeeze3A, %dma_start3A, %dma_start3A_40] : memref<768x224x224xf32, #tpu.memory_space<hbm>> -> memref<1x224x224xf32, #tpu.memory_space<hbm>>
      %dma_start3A_42 = arith.constant 0 : i32
      %dma_start3A_43 = arith.constant 0 : i32
      %dma_start3A_44 = tpu.memref_slice %arg3[%squeeze3A, %dma_start3A_42, %dma_start3A_43] : memref<768x224x224xf32, #tpu.memory_space<hbm>> -> memref<1x224x224xf32, #tpu.memory_space<hbm>>
      tpu.enqueue_dma source(%dma_start3A_44 : memref<1x224x224xf32, #tpu.memory_space<hbm>>) target(%arg8 : memref<1x224x224xf32, #tpu.memory_space<vmem>>) target_semaphore(%arg10 : memref<!tpu.dma_semaphore, #tpu.memory_space<semaphore_mem>>)
      %dma_wait3A = arith.constant 0 : i32
      %dma_wait3A_45 = arith.constant 0 : i32
      %dma_wait3A_46 = tpu.memref_slice %arg3[%squeeze3A, %dma_wait3A, %dma_wait3A_45] : memref<768x224x224xf32, #tpu.memory_space<hbm>> -> memref<1x224x224xf32, #tpu.memory_space<hbm>>
      %dma_wait3A_47 = arith.constant 0 : i32
      %dma_wait3A_48 = arith.constant 0 : i32
      %dma_wait3A_49 = tpu.memref_slice %arg3[%squeeze3A, %dma_wait3A_47, %dma_wait3A_48] : memref<768x224x224xf32, #tpu.memory_space<hbm>> -> memref<1x224x224xf32, #tpu.memory_space<hbm>>
      tpu.wait_dma2 semaphore(%arg10 : memref<!tpu.dma_semaphore, #tpu.memory_space<semaphore_mem>>) src(%dma_wait3A_49 : memref<1x224x224xf32, #tpu.memory_space<hbm>>) dst(%arg8 : memref<1x224x224xf32, #tpu.memory_space<vmem>>)
      %slice3A_50 = vector.extract_strided_slice %get3A_36 {offsets = [1], sizes = [1], strides = [1]} : vector<16xi32> to vector<1xi32>
      %squeeze3A_51 = vector.extract %slice3A_50[0] : i32 from vector<1xi32>
      %dma_start3A_52 = arith.constant 0 : i32
      %dma_start3A_53 = arith.constant 0 : i32
      %dma_start3A_54 = tpu.memref_slice %arg3[%squeeze3A_51, %dma_start3A_52, %dma_start3A_53] : memref<768x224x224xf32, #tpu.memory_space<hbm>> -> memref<1x224x224xf32, #tpu.memory_space<hbm>>
      %dma_start3A_55 = arith.constant 0 : i32
      %dma_start3A_56 = arith.constant 0 : i32
      %dma_start3A_57 = tpu.memref_slice %arg3[%squeeze3A_51, %dma_start3A_55, %dma_start3A_56] : memref<768x224x224xf32, #tpu.memory_space<hbm>> -> memref<1x224x224xf32, #tpu.memory_space<hbm>>
      tpu.enqueue_dma source(%dma_start3A_57 : memref<1x224x224xf32, #tpu.memory_space<hbm>>) target(%arg9 : memref<1x224x224xf32, #tpu.memory_space<vmem>>) target_semaphore(%arg11 : memref<!tpu.dma_semaphore, #tpu.memory_space<semaphore_mem>>)
      %add3A_58 = arith.constant 0 : i32
      %add3A_59 = arith.addi %add3A_34, %add3A_58 : i32
      "tpu.region"() ({
        %run_scoped3A = tpu.sem_alloc : memref<!tpu.dma_semaphore, #tpu.memory_space<semaphore_mem>>
        %dma_start3A_420 = arith.constant 0 : i32
        %dma_start3A_421 = arith.constant 0 : i32
        %dma_start3A_422 = tpu.memref_slice %arg6[%add3A_59, %dma_start3A_420, %dma_start3A_421] : memref<768x224x224xf32, #tpu.memory_space<hbm>> -> memref<1x224x224xf32, #tpu.memory_space<hbm>>
        %dma_start3A_423 = arith.constant 0 : i32
        %dma_start3A_424 = arith.constant 0 : i32
        %dma_start3A_425 = tpu.memref_slice %arg6[%add3A_59, %dma_start3A_423, %dma_start3A_424] : memref<768x224x224xf32, #tpu.memory_space<hbm>> -> memref<1x224x224xf32, #tpu.memory_space<hbm>>
        tpu.enqueue_dma source(%arg8 : memref<1x224x224xf32, #tpu.memory_space<vmem>>) target(%dma_start3A_425 : memref<1x224x224xf32, #tpu.memory_space<hbm>>) target_semaphore(%run_scoped3A : memref<!tpu.dma_semaphore, #tpu.memory_space<semaphore_mem>>)
        %dma_wait3A_426 = arith.constant 0 : i32
        %dma_wait3A_427 = arith.constant 0 : i32
        %dma_wait3A_428 = tpu.memref_slice %arg6[%add3A_59, %dma_wait3A_426, %dma_wait3A_427] : memref<768x224x224xf32, #tpu.memory_space<hbm>> -> memref<1x224x224xf32, #tpu.memory_space<hbm>>
        %dma_wait3A_429 = arith.constant 0 : i32
        %dma_wait3A_430 = arith.constant 0 : i32
        %dma_wait3A_431 = tpu.memref_slice %arg6[%add3A_59, %dma_wait3A_429, %dma_wait3A_430] : memref<768x224x224xf32, #tpu.memory_space<hbm>> -> memref<1x224x224xf32, #tpu.memory_space<hbm>>
        tpu.wait_dma2 semaphore(%run_scoped3A : memref<!tpu.dma_semaphore, #tpu.memory_space<semaphore_mem>>) src(%arg8 : memref<1x224x224xf32, #tpu.memory_space<vmem>>) dst(%dma_wait3A_431 : memref<1x224x224xf32, #tpu.memory_space<hbm>>)
        tpu.yield
      }) : () -> ()
      %dma_wait3A_60 = arith.constant 0 : i32
      %dma_wait3A_61 = arith.constant 0 : i32
      %dma_wait3A_62 = tpu.memref_slice %arg3[%squeeze3A_51, %dma_wait3A_60, %dma_wait3A_61] : memref<768x224x224xf32, #tpu.memory_space<hbm>> -> memref<1x224x224xf32, #tpu.memory_space<hbm>>
      %dma_wait3A_63 = arith.constant 0 : i32
      %dma_wait3A_64 = arith.constant 0 : i32
      %dma_wait3A_65 = tpu.memref_slice %arg3[%squeeze3A_51, %dma_wait3A_63, %dma_wait3A_64] : memref<768x224x224xf32, #tpu.memory_space<hbm>> -> memref<1x224x224xf32, #tpu.memory_space<hbm>>
      tpu.wait_dma2 semaphore(%arg11 : memref<!tpu.dma_semaphore, #tpu.memory_space<semaphore_mem>>) src(%dma_wait3A_65 : memref<1x224x224xf32, #tpu.memory_space<hbm>>) dst(%arg9 : memref<1x224x224xf32, #tpu.memory_space<vmem>>)
      %slice3A_66 = vector.extract_strided_slice %get3A_36 {offsets = [2], sizes = [1], strides = [1]} : vector<16xi32> to vector<1xi32>
      %squeeze3A_67 = vector.extract %slice3A_66[0] : i32 from vector<1xi32>
      %dma_start3A_68 = arith.constant 0 : i32
      %dma_start3A_69 = arith.constant 0 : i32
      %dma_start3A_70 = tpu.memref_slice %arg3[%squeeze3A_67, %dma_start3A_68, %dma_start3A_69] : memref<768x224x224xf32, #tpu.memory_space<hbm>> -> memref<1x224x224xf32, #tpu.memory_space<hbm>>
      %dma_start3A_71 = arith.constant 0 : i32
      %dma_start3A_72 = arith.constant 0 : i32
      %dma_start3A_73 = tpu.memref_slice %arg3[%squeeze3A_67, %dma_start3A_71, %dma_start3A_72] : memref<768x224x224xf32, #tpu.memory_space<hbm>> -> memref<1x224x224xf32, #tpu.memory_space<hbm>>
      tpu.enqueue_dma source(%dma_start3A_73 : memref<1x224x224xf32, #tpu.memory_space<hbm>>) target(%arg8 : memref<1x224x224xf32, #tpu.memory_space<vmem>>) target_semaphore(%arg10 : memref<!tpu.dma_semaphore, #tpu.memory_space<semaphore_mem>>)
      %add3A_74 = arith.constant 1 : i32
      %add3A_75 = arith.addi %add3A_34, %add3A_74 : i32
      "tpu.region"() ({
        %run_scoped3A = tpu.sem_alloc : memref<!tpu.dma_semaphore, #tpu.memory_space<semaphore_mem>>
        %dma_start3A_420 = arith.constant 0 : i32
        %dma_start3A_421 = arith.constant 0 : i32
        %dma_start3A_422 = tpu.memref_slice %arg6[%add3A_75, %dma_start3A_420, %dma_start3A_421] : memref<768x224x224xf32, #tpu.memory_space<hbm>> -> memref<1x224x224xf32, #tpu.memory_space<hbm>>
        %dma_start3A_423 = arith.constant 0 : i32
        %dma_start3A_424 = arith.constant 0 : i32
        %dma_start3A_425 = tpu.memref_slice %arg6[%add3A_75, %dma_start3A_423, %dma_start3A_424] : memref<768x224x224xf32, #tpu.memory_space<hbm>> -> memref<1x224x224xf32, #tpu.memory_space<hbm>>
        tpu.enqueue_dma source(%arg9 : memref<1x224x224xf32, #tpu.memory_space<vmem>>) target(%dma_start3A_425 : memref<1x224x224xf32, #tpu.memory_space<hbm>>) target_semaphore(%run_scoped3A : memref<!tpu.dma_semaphore, #tpu.memory_space<semaphore_mem>>)
        %dma_wait3A_426 = arith.constant 0 : i32
        %dma_wait3A_427 = arith.constant 0 : i32
        %dma_wait3A_428 = tpu.memref_slice %arg6[%add3A_75, %dma_wait3A_426, %dma_wait3A_427] : memref<768x224x224xf32, #tpu.memory_space<hbm>> -> memref<1x224x224xf32, #tpu.memory_space<hbm>>
        %dma_wait3A_429 = arith.constant 0 : i32
        %dma_wait3A_430 = arith.constant 0 : i32
        %dma_wait3A_431 = tpu.memref_slice %arg6[%add3A_75, %dma_wait3A_429, %dma_wait3A_430] : memref<768x224x224xf32, #tpu.memory_space<hbm>> -> memref<1x224x224xf32, #tpu.memory_space<hbm>>
        tpu.wait_dma2 semaphore(%run_scoped3A : memref<!tpu.dma_semaphore, #tpu.memory_space<semaphore_mem>>) src(%arg9 : memref<1x224x224xf32, #tpu.memory_space<vmem>>) dst(%dma_wait3A_431 : memref<1x224x224xf32, #tpu.memory_space<hbm>>)
        tpu.yield
      }) : () -> ()
      %dma_wait3A_76 = arith.constant 0 : i32
      %dma_wait3A_77 = arith.constant 0 : i32
      %dma_wait3A_78 = tpu.memref_slice %arg3[%squeeze3A_67, %dma_wait3A_76, %dma_wait3A_77] : memref<768x224x224xf32, #tpu.memory_space<hbm>> -> memref<1x224x224xf32, #tpu.memory_space<hbm>>
      %dma_wait3A_79 = arith.constant 0 : i32
      %dma_wait3A_80 = arith.constant 0 : i32
      %dma_wait3A_81 = tpu.memref_slice %arg3[%squeeze3A_67, %dma_wait3A_79, %dma_wait3A_80] : memref<768x224x224xf32, #tpu.memory_space<hbm>> -> memref<1x224x224xf32, #tpu.memory_space<hbm>>
      tpu.wait_dma2 semaphore(%arg10 : memref<!tpu.dma_semaphore, #tpu.memory_space<semaphore_mem>>) src(%dma_wait3A_81 : memref<1x224x224xf32, #tpu.memory_space<hbm>>) dst(%arg8 : memref<1x224x224xf32, #tpu.memory_space<vmem>>)
      %slice3A_82 = vector.extract_strided_slice %get3A_36 {offsets = [3], sizes = [1], strides = [1]} : vector<16xi32> to vector<1xi32>
      %squeeze3A_83 = vector.extract %slice3A_82[0] : i32 from vector<1xi32>
      %dma_start3A_84 = arith.constant 0 : i32
      %dma_start3A_85 = arith.constant 0 : i32
      %dma_start3A_86 = tpu.memref_slice %arg3[%squeeze3A_83, %dma_start3A_84, %dma_start3A_85] : memref<768x224x224xf32, #tpu.memory_space<hbm>> -> memref<1x224x224xf32, #tpu.memory_space<hbm>>
      %dma_start3A_87 = arith.constant 0 : i32
      %dma_start3A_88 = arith.constant 0 : i32
      %dma_start3A_89 = tpu.memref_slice %arg3[%squeeze3A_83, %dma_start3A_87, %dma_start3A_88] : memref<768x224x224xf32, #tpu.memory_space<hbm>> -> memref<1x224x224xf32, #tpu.memory_space<hbm>>
      tpu.enqueue_dma source(%dma_start3A_89 : memref<1x224x224xf32, #tpu.memory_space<hbm>>) target(%arg9 : memref<1x224x224xf32, #tpu.memory_space<vmem>>) target_semaphore(%arg11 : memref<!tpu.dma_semaphore, #tpu.memory_space<semaphore_mem>>)
      %add3A_90 = arith.constant 2 : i32
      %add3A_91 = arith.addi %add3A_34, %add3A_90 : i32
      "tpu.region"() ({
        %run_scoped3A = tpu.sem_alloc : memref<!tpu.dma_semaphore, #tpu.memory_space<semaphore_mem>>
        %dma_start3A_420 = arith.constant 0 : i32
        %dma_start3A_421 = arith.constant 0 : i32
        %dma_start3A_422 = tpu.memref_slice %arg6[%add3A_91, %dma_start3A_420, %dma_start3A_421] : memref<768x224x224xf32, #tpu.memory_space<hbm>> -> memref<1x224x224xf32, #tpu.memory_space<hbm>>
        %dma_start3A_423 = arith.constant 0 : i32
        %dma_start3A_424 = arith.constant 0 : i32
        %dma_start3A_425 = tpu.memref_slice %arg6[%add3A_91, %dma_start3A_423, %dma_start3A_424] : memref<768x224x224xf32, #tpu.memory_space<hbm>> -> memref<1x224x224xf32, #tpu.memory_space<hbm>>
        tpu.enqueue_dma source(%arg8 : memref<1x224x224xf32, #tpu.memory_space<vmem>>) target(%dma_start3A_425 : memref<1x224x224xf32, #tpu.memory_space<hbm>>) target_semaphore(%run_scoped3A : memref<!tpu.dma_semaphore, #tpu.memory_space<semaphore_mem>>)
        %dma_wait3A_426 = arith.constant 0 : i32
        %dma_wait3A_427 = arith.constant 0 : i32
        %dma_wait3A_428 = tpu.memref_slice %arg6[%add3A_91, %dma_wait3A_426, %dma_wait3A_427] : memref<768x224x224xf32, #tpu.memory_space<hbm>> -> memref<1x224x224xf32, #tpu.memory_space<hbm>>
        %dma_wait3A_429 = arith.constant 0 : i32
        %dma_wait3A_430 = arith.constant 0 : i32
        %dma_wait3A_431 = tpu.memref_slice %arg6[%add3A_91, %dma_wait3A_429, %dma_wait3A_430] : memref<768x224x224xf32, #tpu.memory_space<hbm>> -> memref<1x224x224xf32, #tpu.memory_space<hbm>>
        tpu.wait_dma2 semaphore(%run_scoped3A : memref<!tpu.dma_semaphore, #tpu.memory_space<semaphore_mem>>) src(%arg8 : memref<1x224x224xf32, #tpu.memory_space<vmem>>) dst(%dma_wait3A_431 : memref<1x224x224xf32, #tpu.memory_space<hbm>>)
        tpu.yield
      }) : () -> ()
      %dma_wait3A_92 = arith.constant 0 : i32
      %dma_wait3A_93 = arith.constant 0 : i32
      %dma_wait3A_94 = tpu.memref_slice %arg3[%squeeze3A_83, %dma_wait3A_92, %dma_wait3A_93] : memref<768x224x224xf32, #tpu.memory_space<hbm>> -> memref<1x224x224xf32, #tpu.memory_space<hbm>>
      %dma_wait3A_95 = arith.constant 0 : i32
      %dma_wait3A_96 = arith.constant 0 : i32
      %dma_wait3A_97 = tpu.memref_slice %arg3[%squeeze3A_83, %dma_wait3A_95, %dma_wait3A_96] : memref<768x224x224xf32, #tpu.memory_space<hbm>> -> memref<1x224x224xf32, #tpu.memory_space<hbm>>
      tpu.wait_dma2 semaphore(%arg11 : memref<!tpu.dma_semaphore, #tpu.memory_space<semaphore_mem>>) src(%dma_wait3A_97 : memref<1x224x224xf32, #tpu.memory_space<hbm>>) dst(%arg9 : memref<1x224x224xf32, #tpu.memory_space<vmem>>)
      %slice3A_98 = vector.extract_strided_slice %get3A_36 {offsets = [4], sizes = [1], strides = [1]} : vector<16xi32> to vector<1xi32>
      %squeeze3A_99 = vector.extract %slice3A_98[0] : i32 from vector<1xi32>
      %dma_start3A_100 = arith.constant 0 : i32
      %dma_start3A_101 = arith.constant 0 : i32
      %dma_start3A_102 = tpu.memref_slice %arg3[%squeeze3A_99, %dma_start3A_100, %dma_start3A_101] : memref<768x224x224xf32, #tpu.memory_space<hbm>> -> memref<1x224x224xf32, #tpu.memory_space<hbm>>
      %dma_start3A_103 = arith.constant 0 : i32
      %dma_start3A_104 = arith.constant 0 : i32
      %dma_start3A_105 = tpu.memref_slice %arg3[%squeeze3A_99, %dma_start3A_103, %dma_start3A_104] : memref<768x224x224xf32, #tpu.memory_space<hbm>> -> memref<1x224x224xf32, #tpu.memory_space<hbm>>
      tpu.enqueue_dma source(%dma_start3A_105 : memref<1x224x224xf32, #tpu.memory_space<hbm>>) target(%arg8 : memref<1x224x224xf32, #tpu.memory_space<vmem>>) target_semaphore(%arg10 : memref<!tpu.dma_semaphore, #tpu.memory_space<semaphore_mem>>)
      %add3A_106 = arith.constant 3 : i32
      %add3A_107 = arith.addi %add3A_34, %add3A_106 : i32
      "tpu.region"() ({
        %run_scoped3A = tpu.sem_alloc : memref<!tpu.dma_semaphore, #tpu.memory_space<semaphore_mem>>
        %dma_start3A_420 = arith.constant 0 : i32
        %dma_start3A_421 = arith.constant 0 : i32
        %dma_start3A_422 = tpu.memref_slice %arg6[%add3A_107, %dma_start3A_420, %dma_start3A_421] : memref<768x224x224xf32, #tpu.memory_space<hbm>> -> memref<1x224x224xf32, #tpu.memory_space<hbm>>
        %dma_start3A_423 = arith.constant 0 : i32
        %dma_start3A_424 = arith.constant 0 : i32
        %dma_start3A_425 = tpu.memref_slice %arg6[%add3A_107, %dma_start3A_423, %dma_start3A_424] : memref<768x224x224xf32, #tpu.memory_space<hbm>> -> memref<1x224x224xf32, #tpu.memory_space<hbm>>
        tpu.enqueue_dma source(%arg9 : memref<1x224x224xf32, #tpu.memory_space<vmem>>) target(%dma_start3A_425 : memref<1x224x224xf32, #tpu.memory_space<hbm>>) target_semaphore(%run_scoped3A : memref<!tpu.dma_semaphore, #tpu.memory_space<semaphore_mem>>)
        %dma_wait3A_426 = arith.constant 0 : i32
        %dma_wait3A_427 = arith.constant 0 : i32
        %dma_wait3A_428 = tpu.memref_slice %arg6[%add3A_107, %dma_wait3A_426, %dma_wait3A_427] : memref<768x224x224xf32, #tpu.memory_space<hbm>> -> memref<1x224x224xf32, #tpu.memory_space<hbm>>
        %dma_wait3A_429 = arith.constant 0 : i32
        %dma_wait3A_430 = arith.constant 0 : i32
        %dma_wait3A_431 = tpu.memref_slice %arg6[%add3A_107, %dma_wait3A_429, %dma_wait3A_430] : memref<768x224x224xf32, #tpu.memory_space<hbm>> -> memref<1x224x224xf32, #tpu.memory_space<hbm>>
        tpu.wait_dma2 semaphore(%run_scoped3A : memref<!tpu.dma_semaphore, #tpu.memory_space<semaphore_mem>>) src(%arg9 : memref<1x224x224xf32, #tpu.memory_space<vmem>>) dst(%dma_wait3A_431 : memref<1x224x224xf32, #tpu.memory_space<hbm>>)
        tpu.yield
      }) : () -> ()
      %dma_wait3A_108 = arith.constant 0 : i32
      %dma_wait3A_109 = arith.constant 0 : i32
      %dma_wait3A_110 = tpu.memref_slice %arg3[%squeeze3A_99, %dma_wait3A_108, %dma_wait3A_109] : memref<768x224x224xf32, #tpu.memory_space<hbm>> -> memref<1x224x224xf32, #tpu.memory_space<hbm>>
      %dma_wait3A_111 = arith.constant 0 : i32
      %dma_wait3A_112 = arith.constant 0 : i32
      %dma_wait3A_113 = tpu.memref_slice %arg3[%squeeze3A_99, %dma_wait3A_111, %dma_wait3A_112] : memref<768x224x224xf32, #tpu.memory_space<hbm>> -> memref<1x224x224xf32, #tpu.memory_space<hbm>>
      tpu.wait_dma2 semaphore(%arg10 : memref<!tpu.dma_semaphore, #tpu.memory_space<semaphore_mem>>) src(%dma_wait3A_113 : memref<1x224x224xf32, #tpu.memory_space<hbm>>) dst(%arg8 : memref<1x224x224xf32, #tpu.memory_space<vmem>>)
      %slice3A_114 = vector.extract_strided_slice %get3A_36 {offsets = [5], sizes = [1], strides = [1]} : vector<16xi32> to vector<1xi32>
      %squeeze3A_115 = vector.extract %slice3A_114[0] : i32 from vector<1xi32>
      %dma_start3A_116 = arith.constant 0 : i32
      %dma_start3A_117 = arith.constant 0 : i32
      %dma_start3A_118 = tpu.memref_slice %arg3[%squeeze3A_115, %dma_start3A_116, %dma_start3A_117] : memref<768x224x224xf32, #tpu.memory_space<hbm>> -> memref<1x224x224xf32, #tpu.memory_space<hbm>>
      %dma_start3A_119 = arith.constant 0 : i32
      %dma_start3A_120 = arith.constant 0 : i32
      %dma_start3A_121 = tpu.memref_slice %arg3[%squeeze3A_115, %dma_start3A_119, %dma_start3A_120] : memref<768x224x224xf32, #tpu.memory_space<hbm>> -> memref<1x224x224xf32, #tpu.memory_space<hbm>>
      tpu.enqueue_dma source(%dma_start3A_121 : memref<1x224x224xf32, #tpu.memory_space<hbm>>) target(%arg9 : memref<1x224x224xf32, #tpu.memory_space<vmem>>) target_semaphore(%arg11 : memref<!tpu.dma_semaphore, #tpu.memory_space<semaphore_mem>>)
      %add3A_122 = arith.constant 4 : i32
      %add3A_123 = arith.addi %add3A_34, %add3A_122 : i32
      "tpu.region"() ({
        %run_scoped3A = tpu.sem_alloc : memref<!tpu.dma_semaphore, #tpu.memory_space<semaphore_mem>>
        %dma_start3A_420 = arith.constant 0 : i32
        %dma_start3A_421 = arith.constant 0 : i32
        %dma_start3A_422 = tpu.memref_slice %arg6[%add3A_123, %dma_start3A_420, %dma_start3A_421] : memref<768x224x224xf32, #tpu.memory_space<hbm>> -> memref<1x224x224xf32, #tpu.memory_space<hbm>>
        %dma_start3A_423 = arith.constant 0 : i32
        %dma_start3A_424 = arith.constant 0 : i32
        %dma_start3A_425 = tpu.memref_slice %arg6[%add3A_123, %dma_start3A_423, %dma_start3A_424] : memref<768x224x224xf32, #tpu.memory_space<hbm>> -> memref<1x224x224xf32, #tpu.memory_space<hbm>>
        tpu.enqueue_dma source(%arg8 : memref<1x224x224xf32, #tpu.memory_space<vmem>>) target(%dma_start3A_425 : memref<1x224x224xf32, #tpu.memory_space<hbm>>) target_semaphore(%run_scoped3A : memref<!tpu.dma_semaphore, #tpu.memory_space<semaphore_mem>>)
        %dma_wait3A_426 = arith.constant 0 : i32
        %dma_wait3A_427 = arith.constant 0 : i32
        %dma_wait3A_428 = tpu.memref_slice %arg6[%add3A_123, %dma_wait3A_426, %dma_wait3A_427] : memref<768x224x224xf32, #tpu.memory_space<hbm>> -> memref<1x224x224xf32, #tpu.memory_space<hbm>>
        %dma_wait3A_429 = arith.constant 0 : i32
        %dma_wait3A_430 = arith.constant 0 : i32
        %dma_wait3A_431 = tpu.memref_slice %arg6[%add3A_123, %dma_wait3A_429, %dma_wait3A_430] : memref<768x224x224xf32, #tpu.memory_space<hbm>> -> memref<1x224x224xf32, #tpu.memory_space<hbm>>
        tpu.wait_dma2 semaphore(%run_scoped3A : memref<!tpu.dma_semaphore, #tpu.memory_space<semaphore_mem>>) src(%arg8 : memref<1x224x224xf32, #tpu.memory_space<vmem>>) dst(%dma_wait3A_431 : memref<1x224x224xf32, #tpu.memory_space<hbm>>)
        tpu.yield
      }) : () -> ()
      %dma_wait3A_124 = arith.constant 0 : i32
      %dma_wait3A_125 = arith.constant 0 : i32
      %dma_wait3A_126 = tpu.memref_slice %arg3[%squeeze3A_115, %dma_wait3A_124, %dma_wait3A_125] : memref<768x224x224xf32, #tpu.memory_space<hbm>> -> memref<1x224x224xf32, #tpu.memory_space<hbm>>
      %dma_wait3A_127 = arith.constant 0 : i32
      %dma_wait3A_128 = arith.constant 0 : i32
      %dma_wait3A_129 = tpu.memref_slice %arg3[%squeeze3A_115, %dma_wait3A_127, %dma_wait3A_128] : memref<768x224x224xf32, #tpu.memory_space<hbm>> -> memref<1x224x224xf32, #tpu.memory_space<hbm>>
      tpu.wait_dma2 semaphore(%arg11 : memref<!tpu.dma_semaphore, #tpu.memory_space<semaphore_mem>>) src(%dma_wait3A_129 : memref<1x224x224xf32, #tpu.memory_space<hbm>>) dst(%arg9 : memref<1x224x224xf32, #tpu.memory_space<vmem>>)
      %slice3A_130 = vector.extract_strided_slice %get3A_36 {offsets = [6], sizes = [1], strides = [1]} : vector<16xi32> to vector<1xi32>
      %squeeze3A_131 = vector.extract %slice3A_130[0] : i32 from vector<1xi32>
      %dma_start3A_132 = arith.constant 0 : i32
      %dma_start3A_133 = arith.constant 0 : i32
      %dma_start3A_134 = tpu.memref_slice %arg3[%squeeze3A_131, %dma_start3A_132, %dma_start3A_133] : memref<768x224x224xf32, #tpu.memory_space<hbm>> -> memref<1x224x224xf32, #tpu.memory_space<hbm>>
      %dma_start3A_135 = arith.constant 0 : i32
      %dma_start3A_136 = arith.constant 0 : i32
      %dma_start3A_137 = tpu.memref_slice %arg3[%squeeze3A_131, %dma_start3A_135, %dma_start3A_136] : memref<768x224x224xf32, #tpu.memory_space<hbm>> -> memref<1x224x224xf32, #tpu.memory_space<hbm>>
      tpu.enqueue_dma source(%dma_start3A_137 : memref<1x224x224xf32, #tpu.memory_space<hbm>>) target(%arg8 : memref<1x224x224xf32, #tpu.memory_space<vmem>>) target_semaphore(%arg10 : memref<!tpu.dma_semaphore, #tpu.memory_space<semaphore_mem>>)
      %add3A_138 = arith.constant 5 : i32
      %add3A_139 = arith.addi %add3A_34, %add3A_138 : i32
      "tpu.region"() ({
        %run_scoped3A = tpu.sem_alloc : memref<!tpu.dma_semaphore, #tpu.memory_space<semaphore_mem>>
        %dma_start3A_420 = arith.constant 0 : i32
        %dma_start3A_421 = arith.constant 0 : i32
        %dma_start3A_422 = tpu.memref_slice %arg6[%add3A_139, %dma_start3A_420, %dma_start3A_421] : memref<768x224x224xf32, #tpu.memory_space<hbm>> -> memref<1x224x224xf32, #tpu.memory_space<hbm>>
        %dma_start3A_423 = arith.constant 0 : i32
        %dma_start3A_424 = arith.constant 0 : i32
        %dma_start3A_425 = tpu.memref_slice %arg6[%add3A_139, %dma_start3A_423, %dma_start3A_424] : memref<768x224x224xf32, #tpu.memory_space<hbm>> -> memref<1x224x224xf32, #tpu.memory_space<hbm>>
        tpu.enqueue_dma source(%arg9 : memref<1x224x224xf32, #tpu.memory_space<vmem>>) target(%dma_start3A_425 : memref<1x224x224xf32, #tpu.memory_space<hbm>>) target_semaphore(%run_scoped3A : memref<!tpu.dma_semaphore, #tpu.memory_space<semaphore_mem>>)
        %dma_wait3A_426 = arith.constant 0 : i32
        %dma_wait3A_427 = arith.constant 0 : i32
        %dma_wait3A_428 = tpu.memref_slice %arg6[%add3A_139, %dma_wait3A_426, %dma_wait3A_427] : memref<768x224x224xf32, #tpu.memory_space<hbm>> -> memref<1x224x224xf32, #tpu.memory_space<hbm>>
        %dma_wait3A_429 = arith.constant 0 : i32
        %dma_wait3A_430 = arith.constant 0 : i32
        %dma_wait3A_431 = tpu.memref_slice %arg6[%add3A_139, %dma_wait3A_429, %dma_wait3A_430] : memref<768x224x224xf32, #tpu.memory_space<hbm>> -> memref<1x224x224xf32, #tpu.memory_space<hbm>>
        tpu.wait_dma2 semaphore(%run_scoped3A : memref<!tpu.dma_semaphore, #tpu.memory_space<semaphore_mem>>) src(%arg9 : memref<1x224x224xf32, #tpu.memory_space<vmem>>) dst(%dma_wait3A_431 : memref<1x224x224xf32, #tpu.memory_space<hbm>>)
        tpu.yield
      }) : () -> ()
      %dma_wait3A_140 = arith.constant 0 : i32
      %dma_wait3A_141 = arith.constant 0 : i32
      %dma_wait3A_142 = tpu.memref_slice %arg3[%squeeze3A_131, %dma_wait3A_140, %dma_wait3A_141] : memref<768x224x224xf32, #tpu.memory_space<hbm>> -> memref<1x224x224xf32, #tpu.memory_space<hbm>>
      %dma_wait3A_143 = arith.constant 0 : i32
      %dma_wait3A_144 = arith.constant 0 : i32
      %dma_wait3A_145 = tpu.memref_slice %arg3[%squeeze3A_131, %dma_wait3A_143, %dma_wait3A_144] : memref<768x224x224xf32, #tpu.memory_space<hbm>> -> memref<1x224x224xf32, #tpu.memory_space<hbm>>
      tpu.wait_dma2 semaphore(%arg10 : memref<!tpu.dma_semaphore, #tpu.memory_space<semaphore_mem>>) src(%dma_wait3A_145 : memref<1x224x224xf32, #tpu.memory_space<hbm>>) dst(%arg8 : memref<1x224x224xf32, #tpu.memory_space<vmem>>)
      %slice3A_146 = vector.extract_strided_slice %get3A_36 {offsets = [7], sizes = [1], strides = [1]} : vector<16xi32> to vector<1xi32>
      %squeeze3A_147 = vector.extract %slice3A_146[0] : i32 from vector<1xi32>
      %dma_start3A_148 = arith.constant 0 : i32
      %dma_start3A_149 = arith.constant 0 : i32
      %dma_start3A_150 = tpu.memref_slice %arg3[%squeeze3A_147, %dma_start3A_148, %dma_start3A_149] : memref<768x224x224xf32, #tpu.memory_space<hbm>> -> memref<1x224x224xf32, #tpu.memory_space<hbm>>
      %dma_start3A_151 = arith.constant 0 : i32
      %dma_start3A_152 = arith.constant 0 : i32
      %dma_start3A_153 = tpu.memref_slice %arg3[%squeeze3A_147, %dma_start3A_151, %dma_start3A_152] : memref<768x224x224xf32, #tpu.memory_space<hbm>> -> memref<1x224x224xf32, #tpu.memory_space<hbm>>
      tpu.enqueue_dma source(%dma_start3A_153 : memref<1x224x224xf32, #tpu.memory_space<hbm>>) target(%arg9 : memref<1x224x224xf32, #tpu.memory_space<vmem>>) target_semaphore(%arg11 : memref<!tpu.dma_semaphore, #tpu.memory_space<semaphore_mem>>)
      %add3A_154 = arith.constant 6 : i32
      %add3A_155 = arith.addi %add3A_34, %add3A_154 : i32
      "tpu.region"() ({
        %run_scoped3A = tpu.sem_alloc : memref<!tpu.dma_semaphore, #tpu.memory_space<semaphore_mem>>
        %dma_start3A_420 = arith.constant 0 : i32
        %dma_start3A_421 = arith.constant 0 : i32
        %dma_start3A_422 = tpu.memref_slice %arg6[%add3A_155, %dma_start3A_420, %dma_start3A_421] : memref<768x224x224xf32, #tpu.memory_space<hbm>> -> memref<1x224x224xf32, #tpu.memory_space<hbm>>
        %dma_start3A_423 = arith.constant 0 : i32
        %dma_start3A_424 = arith.constant 0 : i32
        %dma_start3A_425 = tpu.memref_slice %arg6[%add3A_155, %dma_start3A_423, %dma_start3A_424] : memref<768x224x224xf32, #tpu.memory_space<hbm>> -> memref<1x224x224xf32, #tpu.memory_space<hbm>>
        tpu.enqueue_dma source(%arg8 : memref<1x224x224xf32, #tpu.memory_space<vmem>>) target(%dma_start3A_425 : memref<1x224x224xf32, #tpu.memory_space<hbm>>) target_semaphore(%run_scoped3A : memref<!tpu.dma_semaphore, #tpu.memory_space<semaphore_mem>>)
        %dma_wait3A_426 = arith.constant 0 : i32
        %dma_wait3A_427 = arith.constant 0 : i32
        %dma_wait3A_428 = tpu.memref_slice %arg6[%add3A_155, %dma_wait3A_426, %dma_wait3A_427] : memref<768x224x224xf32, #tpu.memory_space<hbm>> -> memref<1x224x224xf32, #tpu.memory_space<hbm>>
        %dma_wait3A_429 = arith.constant 0 : i32
        %dma_wait3A_430 = arith.constant 0 : i32
        %dma_wait3A_431 = tpu.memref_slice %arg6[%add3A_155, %dma_wait3A_429, %dma_wait3A_430] : memref<768x224x224xf32, #tpu.memory_space<hbm>> -> memref<1x224x224xf32, #tpu.memory_space<hbm>>
        tpu.wait_dma2 semaphore(%run_scoped3A : memref<!tpu.dma_semaphore, #tpu.memory_space<semaphore_mem>>) src(%arg8 : memref<1x224x224xf32, #tpu.memory_space<vmem>>) dst(%dma_wait3A_431 : memref<1x224x224xf32, #tpu.memory_space<hbm>>)
        tpu.yield
      }) : () -> ()
      %dma_wait3A_156 = arith.constant 0 : i32
      %dma_wait3A_157 = arith.constant 0 : i32
      %dma_wait3A_158 = tpu.memref_slice %arg3[%squeeze3A_147, %dma_wait3A_156, %dma_wait3A_157] : memref<768x224x224xf32, #tpu.memory_space<hbm>> -> memref<1x224x224xf32, #tpu.memory_space<hbm>>
      %dma_wait3A_159 = arith.constant 0 : i32
      %dma_wait3A_160 = arith.constant 0 : i32
      %dma_wait3A_161 = tpu.memref_slice %arg3[%squeeze3A_147, %dma_wait3A_159, %dma_wait3A_160] : memref<768x224x224xf32, #tpu.memory_space<hbm>> -> memref<1x224x224xf32, #tpu.memory_space<hbm>>
      tpu.wait_dma2 semaphore(%arg11 : memref<!tpu.dma_semaphore, #tpu.memory_space<semaphore_mem>>) src(%dma_wait3A_161 : memref<1x224x224xf32, #tpu.memory_space<hbm>>) dst(%arg9 : memref<1x224x224xf32, #tpu.memory_space<vmem>>)
      %slice3A_162 = vector.extract_strided_slice %get3A_36 {offsets = [8], sizes = [1], strides = [1]} : vector<16xi32> to vector<1xi32>
      %squeeze3A_163 = vector.extract %slice3A_162[0] : i32 from vector<1xi32>
      %dma_start3A_164 = arith.constant 0 : i32
      %dma_start3A_165 = arith.constant 0 : i32
      %dma_start3A_166 = tpu.memref_slice %arg3[%squeeze3A_163, %dma_start3A_164, %dma_start3A_165] : memref<768x224x224xf32, #tpu.memory_space<hbm>> -> memref<1x224x224xf32, #tpu.memory_space<hbm>>
      %dma_start3A_167 = arith.constant 0 : i32
      %dma_start3A_168 = arith.constant 0 : i32
      %dma_start3A_169 = tpu.memref_slice %arg3[%squeeze3A_163, %dma_start3A_167, %dma_start3A_168] : memref<768x224x224xf32, #tpu.memory_space<hbm>> -> memref<1x224x224xf32, #tpu.memory_space<hbm>>
      tpu.enqueue_dma source(%dma_start3A_169 : memref<1x224x224xf32, #tpu.memory_space<hbm>>) target(%arg8 : memref<1x224x224xf32, #tpu.memory_space<vmem>>) target_semaphore(%arg10 : memref<!tpu.dma_semaphore, #tpu.memory_space<semaphore_mem>>)
      %add3A_170 = arith.constant 7 : i32
      %add3A_171 = arith.addi %add3A_34, %add3A_170 : i32
      "tpu.region"() ({
        %run_scoped3A = tpu.sem_alloc : memref<!tpu.dma_semaphore, #tpu.memory_space<semaphore_mem>>
        %dma_start3A_420 = arith.constant 0 : i32
        %dma_start3A_421 = arith.constant 0 : i32
        %dma_start3A_422 = tpu.memref_slice %arg6[%add3A_171, %dma_start3A_420, %dma_start3A_421] : memref<768x224x224xf32, #tpu.memory_space<hbm>> -> memref<1x224x224xf32, #tpu.memory_space<hbm>>
        %dma_start3A_423 = arith.constant 0 : i32
        %dma_start3A_424 = arith.constant 0 : i32
        %dma_start3A_425 = tpu.memref_slice %arg6[%add3A_171, %dma_start3A_423, %dma_start3A_424] : memref<768x224x224xf32, #tpu.memory_space<hbm>> -> memref<1x224x224xf32, #tpu.memory_space<hbm>>
        tpu.enqueue_dma source(%arg9 : memref<1x224x224xf32, #tpu.memory_space<vmem>>) target(%dma_start3A_425 : memref<1x224x224xf32, #tpu.memory_space<hbm>>) target_semaphore(%run_scoped3A : memref<!tpu.dma_semaphore, #tpu.memory_space<semaphore_mem>>)
        %dma_wait3A_426 = arith.constant 0 : i32
        %dma_wait3A_427 = arith.constant 0 : i32
        %dma_wait3A_428 = tpu.memref_slice %arg6[%add3A_171, %dma_wait3A_426, %dma_wait3A_427] : memref<768x224x224xf32, #tpu.memory_space<hbm>> -> memref<1x224x224xf32, #tpu.memory_space<hbm>>
        %dma_wait3A_429 = arith.constant 0 : i32
        %dma_wait3A_430 = arith.constant 0 : i32
        %dma_wait3A_431 = tpu.memref_slice %arg6[%add3A_171, %dma_wait3A_429, %dma_wait3A_430] : memref<768x224x224xf32, #tpu.memory_space<hbm>> -> memref<1x224x224xf32, #tpu.memory_space<hbm>>
        tpu.wait_dma2 semaphore(%run_scoped3A : memref<!tpu.dma_semaphore, #tpu.memory_space<semaphore_mem>>) src(%arg9 : memref<1x224x224xf32, #tpu.memory_space<vmem>>) dst(%dma_wait3A_431 : memref<1x224x224xf32, #tpu.memory_space<hbm>>)
        tpu.yield
      }) : () -> ()
      %dma_wait3A_172 = arith.constant 0 : i32
      %dma_wait3A_173 = arith.constant 0 : i32
      %dma_wait3A_174 = tpu.memref_slice %arg3[%squeeze3A_163, %dma_wait3A_172, %dma_wait3A_173] : memref<768x224x224xf32, #tpu.memory_space<hbm>> -> memref<1x224x224xf32, #tpu.memory_space<hbm>>
      %dma_wait3A_175 = arith.constant 0 : i32
      %dma_wait3A_176 = arith.constant 0 : i32
      %dma_wait3A_177 = tpu.memref_slice %arg3[%squeeze3A_163, %dma_wait3A_175, %dma_wait3A_176] : memref<768x224x224xf32, #tpu.memory_space<hbm>> -> memref<1x224x224xf32, #tpu.memory_space<hbm>>
      tpu.wait_dma2 semaphore(%arg10 : memref<!tpu.dma_semaphore, #tpu.memory_space<semaphore_mem>>) src(%dma_wait3A_177 : memref<1x224x224xf32, #tpu.memory_space<hbm>>) dst(%arg8 : memref<1x224x224xf32, #tpu.memory_space<vmem>>)
      %slice3A_178 = vector.extract_strided_slice %get3A_36 {offsets = [9], sizes = [1], strides = [1]} : vector<16xi32> to vector<1xi32>
      %squeeze3A_179 = vector.extract %slice3A_178[0] : i32 from vector<1xi32>
      %dma_start3A_180 = arith.constant 0 : i32
      %dma_start3A_181 = arith.constant 0 : i32
      %dma_start3A_182 = tpu.memref_slice %arg3[%squeeze3A_179, %dma_start3A_180, %dma_start3A_181] : memref<768x224x224xf32, #tpu.memory_space<hbm>> -> memref<1x224x224xf32, #tpu.memory_space<hbm>>
      %dma_start3A_183 = arith.constant 0 : i32
      %dma_start3A_184 = arith.constant 0 : i32
      %dma_start3A_185 = tpu.memref_slice %arg3[%squeeze3A_179, %dma_start3A_183, %dma_start3A_184] : memref<768x224x224xf32, #tpu.memory_space<hbm>> -> memref<1x224x224xf32, #tpu.memory_space<hbm>>
      tpu.enqueue_dma source(%dma_start3A_185 : memref<1x224x224xf32, #tpu.memory_space<hbm>>) target(%arg9 : memref<1x224x224xf32, #tpu.memory_space<vmem>>) target_semaphore(%arg11 : memref<!tpu.dma_semaphore, #tpu.memory_space<semaphore_mem>>)
      %add3A_186 = arith.constant 8 : i32
      %add3A_187 = arith.addi %add3A_34, %add3A_186 : i32
      "tpu.region"() ({
        %run_scoped3A = tpu.sem_alloc : memref<!tpu.dma_semaphore, #tpu.memory_space<semaphore_mem>>
        %dma_start3A_420 = arith.constant 0 : i32
        %dma_start3A_421 = arith.constant 0 : i32
        %dma_start3A_422 = tpu.memref_slice %arg6[%add3A_187, %dma_start3A_420, %dma_start3A_421] : memref<768x224x224xf32, #tpu.memory_space<hbm>> -> memref<1x224x224xf32, #tpu.memory_space<hbm>>
        %dma_start3A_423 = arith.constant 0 : i32
        %dma_start3A_424 = arith.constant 0 : i32
        %dma_start3A_425 = tpu.memref_slice %arg6[%add3A_187, %dma_start3A_423, %dma_start3A_424] : memref<768x224x224xf32, #tpu.memory_space<hbm>> -> memref<1x224x224xf32, #tpu.memory_space<hbm>>
        tpu.enqueue_dma source(%arg8 : memref<1x224x224xf32, #tpu.memory_space<vmem>>) target(%dma_start3A_425 : memref<1x224x224xf32, #tpu.memory_space<hbm>>) target_semaphore(%run_scoped3A : memref<!tpu.dma_semaphore, #tpu.memory_space<semaphore_mem>>)
        %dma_wait3A_426 = arith.constant 0 : i32
        %dma_wait3A_427 = arith.constant 0 : i32
        %dma_wait3A_428 = tpu.memref_slice %arg6[%add3A_187, %dma_wait3A_426, %dma_wait3A_427] : memref<768x224x224xf32, #tpu.memory_space<hbm>> -> memref<1x224x224xf32, #tpu.memory_space<hbm>>
        %dma_wait3A_429 = arith.constant 0 : i32
        %dma_wait3A_430 = arith.constant 0 : i32
        %dma_wait3A_431 = tpu.memref_slice %arg6[%add3A_187, %dma_wait3A_429, %dma_wait3A_430] : memref<768x224x224xf32, #tpu.memory_space<hbm>> -> memref<1x224x224xf32, #tpu.memory_space<hbm>>
        tpu.wait_dma2 semaphore(%run_scoped3A : memref<!tpu.dma_semaphore, #tpu.memory_space<semaphore_mem>>) src(%arg8 : memref<1x224x224xf32, #tpu.memory_space<vmem>>) dst(%dma_wait3A_431 : memref<1x224x224xf32, #tpu.memory_space<hbm>>)
        tpu.yield
      }) : () -> ()
      %dma_wait3A_188 = arith.constant 0 : i32
      %dma_wait3A_189 = arith.constant 0 : i32
      %dma_wait3A_190 = tpu.memref_slice %arg3[%squeeze3A_179, %dma_wait3A_188, %dma_wait3A_189] : memref<768x224x224xf32, #tpu.memory_space<hbm>> -> memref<1x224x224xf32, #tpu.memory_space<hbm>>
      %dma_wait3A_191 = arith.constant 0 : i32
      %dma_wait3A_192 = arith.constant 0 : i32
      %dma_wait3A_193 = tpu.memref_slice %arg3[%squeeze3A_179, %dma_wait3A_191, %dma_wait3A_192] : memref<768x224x224xf32, #tpu.memory_space<hbm>> -> memref<1x224x224xf32, #tpu.memory_space<hbm>>
      tpu.wait_dma2 semaphore(%arg11 : memref<!tpu.dma_semaphore, #tpu.memory_space<semaphore_mem>>) src(%dma_wait3A_193 : memref<1x224x224xf32, #tpu.memory_space<hbm>>) dst(%arg9 : memref<1x224x224xf32, #tpu.memory_space<vmem>>)
      %slice3A_194 = vector.extract_strided_slice %get3A_36 {offsets = [10], sizes = [1], strides = [1]} : vector<16xi32> to vector<1xi32>
      %squeeze3A_195 = vector.extract %slice3A_194[0] : i32 from vector<1xi32>
      %dma_start3A_196 = arith.constant 0 : i32
      %dma_start3A_197 = arith.constant 0 : i32
      %dma_start3A_198 = tpu.memref_slice %arg3[%squeeze3A_195, %dma_start3A_196, %dma_start3A_197] : memref<768x224x224xf32, #tpu.memory_space<hbm>> -> memref<1x224x224xf32, #tpu.memory_space<hbm>>
      %dma_start3A_199 = arith.constant 0 : i32
      %dma_start3A_200 = arith.constant 0 : i32
      %dma_start3A_201 = tpu.memref_slice %arg3[%squeeze3A_195, %dma_start3A_199, %dma_start3A_200] : memref<768x224x224xf32, #tpu.memory_space<hbm>> -> memref<1x224x224xf32, #tpu.memory_space<hbm>>
      tpu.enqueue_dma source(%dma_start3A_201 : memref<1x224x224xf32, #tpu.memory_space<hbm>>) target(%arg8 : memref<1x224x224xf32, #tpu.memory_space<vmem>>) target_semaphore(%arg10 : memref<!tpu.dma_semaphore, #tpu.memory_space<semaphore_mem>>)
      %add3A_202 = arith.constant 9 : i32
      %add3A_203 = arith.addi %add3A_34, %add3A_202 : i32
      "tpu.region"() ({
        %run_scoped3A = tpu.sem_alloc : memref<!tpu.dma_semaphore, #tpu.memory_space<semaphore_mem>>
        %dma_start3A_420 = arith.constant 0 : i32
        %dma_start3A_421 = arith.constant 0 : i32
        %dma_start3A_422 = tpu.memref_slice %arg6[%add3A_203, %dma_start3A_420, %dma_start3A_421] : memref<768x224x224xf32, #tpu.memory_space<hbm>> -> memref<1x224x224xf32, #tpu.memory_space<hbm>>
        %dma_start3A_423 = arith.constant 0 : i32
        %dma_start3A_424 = arith.constant 0 : i32
        %dma_start3A_425 = tpu.memref_slice %arg6[%add3A_203, %dma_start3A_423, %dma_start3A_424] : memref<768x224x224xf32, #tpu.memory_space<hbm>> -> memref<1x224x224xf32, #tpu.memory_space<hbm>>
        tpu.enqueue_dma source(%arg9 : memref<1x224x224xf32, #tpu.memory_space<vmem>>) target(%dma_start3A_425 : memref<1x224x224xf32, #tpu.memory_space<hbm>>) target_semaphore(%run_scoped3A : memref<!tpu.dma_semaphore, #tpu.memory_space<semaphore_mem>>)
        %dma_wait3A_426 = arith.constant 0 : i32
        %dma_wait3A_427 = arith.constant 0 : i32
        %dma_wait3A_428 = tpu.memref_slice %arg6[%add3A_203, %dma_wait3A_426, %dma_wait3A_427] : memref<768x224x224xf32, #tpu.memory_space<hbm>> -> memref<1x224x224xf32, #tpu.memory_space<hbm>>
        %dma_wait3A_429 = arith.constant 0 : i32
        %dma_wait3A_430 = arith.constant 0 : i32
        %dma_wait3A_431 = tpu.memref_slice %arg6[%add3A_203, %dma_wait3A_429, %dma_wait3A_430] : memref<768x224x224xf32, #tpu.memory_space<hbm>> -> memref<1x224x224xf32, #tpu.memory_space<hbm>>
        tpu.wait_dma2 semaphore(%run_scoped3A : memref<!tpu.dma_semaphore, #tpu.memory_space<semaphore_mem>>) src(%arg9 : memref<1x224x224xf32, #tpu.memory_space<vmem>>) dst(%dma_wait3A_431 : memref<1x224x224xf32, #tpu.memory_space<hbm>>)
        tpu.yield
      }) : () -> ()
      %dma_wait3A_204 = arith.constant 0 : i32
      %dma_wait3A_205 = arith.constant 0 : i32
      %dma_wait3A_206 = tpu.memref_slice %arg3[%squeeze3A_195, %dma_wait3A_204, %dma_wait3A_205] : memref<768x224x224xf32, #tpu.memory_space<hbm>> -> memref<1x224x224xf32, #tpu.memory_space<hbm>>
      %dma_wait3A_207 = arith.constant 0 : i32
      %dma_wait3A_208 = arith.constant 0 : i32
      %dma_wait3A_209 = tpu.memref_slice %arg3[%squeeze3A_195, %dma_wait3A_207, %dma_wait3A_208] : memref<768x224x224xf32, #tpu.memory_space<hbm>> -> memref<1x224x224xf32, #tpu.memory_space<hbm>>
      tpu.wait_dma2 semaphore(%arg10 : memref<!tpu.dma_semaphore, #tpu.memory_space<semaphore_mem>>) src(%dma_wait3A_209 : memref<1x224x224xf32, #tpu.memory_space<hbm>>) dst(%arg8 : memref<1x224x224xf32, #tpu.memory_space<vmem>>)
      %slice3A_210 = vector.extract_strided_slice %get3A_36 {offsets = [11], sizes = [1], strides = [1]} : vector<16xi32> to vector<1xi32>
      %squeeze3A_211 = vector.extract %slice3A_210[0] : i32 from vector<1xi32>
      %dma_start3A_212 = arith.constant 0 : i32
      %dma_start3A_213 = arith.constant 0 : i32
      %dma_start3A_214 = tpu.memref_slice %arg3[%squeeze3A_211, %dma_start3A_212, %dma_start3A_213] : memref<768x224x224xf32, #tpu.memory_space<hbm>> -> memref<1x224x224xf32, #tpu.memory_space<hbm>>
      %dma_start3A_215 = arith.constant 0 : i32
      %dma_start3A_216 = arith.constant 0 : i32
      %dma_start3A_217 = tpu.memref_slice %arg3[%squeeze3A_211, %dma_start3A_215, %dma_start3A_216] : memref<768x224x224xf32, #tpu.memory_space<hbm>> -> memref<1x224x224xf32, #tpu.memory_space<hbm>>
      tpu.enqueue_dma source(%dma_start3A_217 : memref<1x224x224xf32, #tpu.memory_space<hbm>>) target(%arg9 : memref<1x224x224xf32, #tpu.memory_space<vmem>>) target_semaphore(%arg11 : memref<!tpu.dma_semaphore, #tpu.memory_space<semaphore_mem>>)
      %add3A_218 = arith.constant 10 : i32
      %add3A_219 = arith.addi %add3A_34, %add3A_218 : i32
      "tpu.region"() ({
        %run_scoped3A = tpu.sem_alloc : memref<!tpu.dma_semaphore, #tpu.memory_space<semaphore_mem>>
        %dma_start3A_420 = arith.constant 0 : i32
        %dma_start3A_421 = arith.constant 0 : i32
        %dma_start3A_422 = tpu.memref_slice %arg6[%add3A_219, %dma_start3A_420, %dma_start3A_421] : memref<768x224x224xf32, #tpu.memory_space<hbm>> -> memref<1x224x224xf32, #tpu.memory_space<hbm>>
        %dma_start3A_423 = arith.constant 0 : i32
        %dma_start3A_424 = arith.constant 0 : i32
        %dma_start3A_425 = tpu.memref_slice %arg6[%add3A_219, %dma_start3A_423, %dma_start3A_424] : memref<768x224x224xf32, #tpu.memory_space<hbm>> -> memref<1x224x224xf32, #tpu.memory_space<hbm>>
        tpu.enqueue_dma source(%arg8 : memref<1x224x224xf32, #tpu.memory_space<vmem>>) target(%dma_start3A_425 : memref<1x224x224xf32, #tpu.memory_space<hbm>>) target_semaphore(%run_scoped3A : memref<!tpu.dma_semaphore, #tpu.memory_space<semaphore_mem>>)
        %dma_wait3A_426 = arith.constant 0 : i32
        %dma_wait3A_427 = arith.constant 0 : i32
        %dma_wait3A_428 = tpu.memref_slice %arg6[%add3A_219, %dma_wait3A_426, %dma_wait3A_427] : memref<768x224x224xf32, #tpu.memory_space<hbm>> -> memref<1x224x224xf32, #tpu.memory_space<hbm>>
        %dma_wait3A_429 = arith.constant 0 : i32
        %dma_wait3A_430 = arith.constant 0 : i32
        %dma_wait3A_431 = tpu.memref_slice %arg6[%add3A_219, %dma_wait3A_429, %dma_wait3A_430] : memref<768x224x224xf32, #tpu.memory_space<hbm>> -> memref<1x224x224xf32, #tpu.memory_space<hbm>>
        tpu.wait_dma2 semaphore(%run_scoped3A : memref<!tpu.dma_semaphore, #tpu.memory_space<semaphore_mem>>) src(%arg8 : memref<1x224x224xf32, #tpu.memory_space<vmem>>) dst(%dma_wait3A_431 : memref<1x224x224xf32, #tpu.memory_space<hbm>>)
        tpu.yield
      }) : () -> ()
      %dma_wait3A_220 = arith.constant 0 : i32
      %dma_wait3A_221 = arith.constant 0 : i32
      %dma_wait3A_222 = tpu.memref_slice %arg3[%squeeze3A_211, %dma_wait3A_220, %dma_wait3A_221] : memref<768x224x224xf32, #tpu.memory_space<hbm>> -> memref<1x224x224xf32, #tpu.memory_space<hbm>>
      %dma_wait3A_223 = arith.constant 0 : i32
      %dma_wait3A_224 = arith.constant 0 : i32
      %dma_wait3A_225 = tpu.memref_slice %arg3[%squeeze3A_211, %dma_wait3A_223, %dma_wait3A_224] : memref<768x224x224xf32, #tpu.memory_space<hbm>> -> memref<1x224x224xf32, #tpu.memory_space<hbm>>
      tpu.wait_dma2 semaphore(%arg11 : memref<!tpu.dma_semaphore, #tpu.memory_space<semaphore_mem>>) src(%dma_wait3A_225 : memref<1x224x224xf32, #tpu.memory_space<hbm>>) dst(%arg9 : memref<1x224x224xf32, #tpu.memory_space<vmem>>)
      %slice3A_226 = vector.extract_strided_slice %get3A_36 {offsets = [12], sizes = [1], strides = [1]} : vector<16xi32> to vector<1xi32>
      %squeeze3A_227 = vector.extract %slice3A_226[0] : i32 from vector<1xi32>
      %dma_start3A_228 = arith.constant 0 : i32
      %dma_start3A_229 = arith.constant 0 : i32
      %dma_start3A_230 = tpu.memref_slice %arg3[%squeeze3A_227, %dma_start3A_228, %dma_start3A_229] : memref<768x224x224xf32, #tpu.memory_space<hbm>> -> memref<1x224x224xf32, #tpu.memory_space<hbm>>
      %dma_start3A_231 = arith.constant 0 : i32
      %dma_start3A_232 = arith.constant 0 : i32
      %dma_start3A_233 = tpu.memref_slice %arg3[%squeeze3A_227, %dma_start3A_231, %dma_start3A_232] : memref<768x224x224xf32, #tpu.memory_space<hbm>> -> memref<1x224x224xf32, #tpu.memory_space<hbm>>
      tpu.enqueue_dma source(%dma_start3A_233 : memref<1x224x224xf32, #tpu.memory_space<hbm>>) target(%arg8 : memref<1x224x224xf32, #tpu.memory_space<vmem>>) target_semaphore(%arg10 : memref<!tpu.dma_semaphore, #tpu.memory_space<semaphore_mem>>)
      %add3A_234 = arith.constant 11 : i32
      %add3A_235 = arith.addi %add3A_34, %add3A_234 : i32
      "tpu.region"() ({
        %run_scoped3A = tpu.sem_alloc : memref<!tpu.dma_semaphore, #tpu.memory_space<semaphore_mem>>
        %dma_start3A_420 = arith.constant 0 : i32
        %dma_start3A_421 = arith.constant 0 : i32
        %dma_start3A_422 = tpu.memref_slice %arg6[%add3A_235, %dma_start3A_420, %dma_start3A_421] : memref<768x224x224xf32, #tpu.memory_space<hbm>> -> memref<1x224x224xf32, #tpu.memory_space<hbm>>
        %dma_start3A_423 = arith.constant 0 : i32
        %dma_start3A_424 = arith.constant 0 : i32
        %dma_start3A_425 = tpu.memref_slice %arg6[%add3A_235, %dma_start3A_423, %dma_start3A_424] : memref<768x224x224xf32, #tpu.memory_space<hbm>> -> memref<1x224x224xf32, #tpu.memory_space<hbm>>
        tpu.enqueue_dma source(%arg9 : memref<1x224x224xf32, #tpu.memory_space<vmem>>) target(%dma_start3A_425 : memref<1x224x224xf32, #tpu.memory_space<hbm>>) target_semaphore(%run_scoped3A : memref<!tpu.dma_semaphore, #tpu.memory_space<semaphore_mem>>)
        %dma_wait3A_426 = arith.constant 0 : i32
        %dma_wait3A_427 = arith.constant 0 : i32
        %dma_wait3A_428 = tpu.memref_slice %arg6[%add3A_235, %dma_wait3A_426, %dma_wait3A_427] : memref<768x224x224xf32, #tpu.memory_space<hbm>> -> memref<1x224x224xf32, #tpu.memory_space<hbm>>
        %dma_wait3A_429 = arith.constant 0 : i32
        %dma_wait3A_430 = arith.constant 0 : i32
        %dma_wait3A_431 = tpu.memref_slice %arg6[%add3A_235, %dma_wait3A_429, %dma_wait3A_430] : memref<768x224x224xf32, #tpu.memory_space<hbm>> -> memref<1x224x224xf32, #tpu.memory_space<hbm>>
        tpu.wait_dma2 semaphore(%run_scoped3A : memref<!tpu.dma_semaphore, #tpu.memory_space<semaphore_mem>>) src(%arg9 : memref<1x224x224xf32, #tpu.memory_space<vmem>>) dst(%dma_wait3A_431 : memref<1x224x224xf32, #tpu.memory_space<hbm>>)
        tpu.yield
      }) : () -> ()
      %dma_wait3A_236 = arith.constant 0 : i32
      %dma_wait3A_237 = arith.constant 0 : i32
      %dma_wait3A_238 = tpu.memref_slice %arg3[%squeeze3A_227, %dma_wait3A_236, %dma_wait3A_237] : memref<768x224x224xf32, #tpu.memory_space<hbm>> -> memref<1x224x224xf32, #tpu.memory_space<hbm>>
      %dma_wait3A_239 = arith.constant 0 : i32
      %dma_wait3A_240 = arith.constant 0 : i32
      %dma_wait3A_241 = tpu.memref_slice %arg3[%squeeze3A_227, %dma_wait3A_239, %dma_wait3A_240] : memref<768x224x224xf32, #tpu.memory_space<hbm>> -> memref<1x224x224xf32, #tpu.memory_space<hbm>>
      tpu.wait_dma2 semaphore(%arg10 : memref<!tpu.dma_semaphore, #tpu.memory_space<semaphore_mem>>) src(%dma_wait3A_241 : memref<1x224x224xf32, #tpu.memory_space<hbm>>) dst(%arg8 : memref<1x224x224xf32, #tpu.memory_space<vmem>>)
      %slice3A_242 = vector.extract_strided_slice %get3A_36 {offsets = [13], sizes = [1], strides = [1]} : vector<16xi32> to vector<1xi32>
      %squeeze3A_243 = vector.extract %slice3A_242[0] : i32 from vector<1xi32>
      %dma_start3A_244 = arith.constant 0 : i32
      %dma_start3A_245 = arith.constant 0 : i32
      %dma_start3A_246 = tpu.memref_slice %arg3[%squeeze3A_243, %dma_start3A_244, %dma_start3A_245] : memref<768x224x224xf32, #tpu.memory_space<hbm>> -> memref<1x224x224xf32, #tpu.memory_space<hbm>>
      %dma_start3A_247 = arith.constant 0 : i32
      %dma_start3A_248 = arith.constant 0 : i32
      %dma_start3A_249 = tpu.memref_slice %arg3[%squeeze3A_243, %dma_start3A_247, %dma_start3A_248] : memref<768x224x224xf32, #tpu.memory_space<hbm>> -> memref<1x224x224xf32, #tpu.memory_space<hbm>>
      tpu.enqueue_dma source(%dma_start3A_249 : memref<1x224x224xf32, #tpu.memory_space<hbm>>) target(%arg9 : memref<1x224x224xf32, #tpu.memory_space<vmem>>) target_semaphore(%arg11 : memref<!tpu.dma_semaphore, #tpu.memory_space<semaphore_mem>>)
      %add3A_250 = arith.constant 12 : i32
      %add3A_251 = arith.addi %add3A_34, %add3A_250 : i32
      "tpu.region"() ({
        %run_scoped3A = tpu.sem_alloc : memref<!tpu.dma_semaphore, #tpu.memory_space<semaphore_mem>>
        %dma_start3A_420 = arith.constant 0 : i32
        %dma_start3A_421 = arith.constant 0 : i32
        %dma_start3A_422 = tpu.memref_slice %arg6[%add3A_251, %dma_start3A_420, %dma_start3A_421] : memref<768x224x224xf32, #tpu.memory_space<hbm>> -> memref<1x224x224xf32, #tpu.memory_space<hbm>>
        %dma_start3A_423 = arith.constant 0 : i32
        %dma_start3A_424 = arith.constant 0 : i32
        %dma_start3A_425 = tpu.memref_slice %arg6[%add3A_251, %dma_start3A_423, %dma_start3A_424] : memref<768x224x224xf32, #tpu.memory_space<hbm>> -> memref<1x224x224xf32, #tpu.memory_space<hbm>>
        tpu.enqueue_dma source(%arg8 : memref<1x224x224xf32, #tpu.memory_space<vmem>>) target(%dma_start3A_425 : memref<1x224x224xf32, #tpu.memory_space<hbm>>) target_semaphore(%run_scoped3A : memref<!tpu.dma_semaphore, #tpu.memory_space<semaphore_mem>>)
        %dma_wait3A_426 = arith.constant 0 : i32
        %dma_wait3A_427 = arith.constant 0 : i32
        %dma_wait3A_428 = tpu.memref_slice %arg6[%add3A_251, %dma_wait3A_426, %dma_wait3A_427] : memref<768x224x224xf32, #tpu.memory_space<hbm>> -> memref<1x224x224xf32, #tpu.memory_space<hbm>>
        %dma_wait3A_429 = arith.constant 0 : i32
        %dma_wait3A_430 = arith.constant 0 : i32
        %dma_wait3A_431 = tpu.memref_slice %arg6[%add3A_251, %dma_wait3A_429, %dma_wait3A_430] : memref<768x224x224xf32, #tpu.memory_space<hbm>> -> memref<1x224x224xf32, #tpu.memory_space<hbm>>
        tpu.wait_dma2 semaphore(%run_scoped3A : memref<!tpu.dma_semaphore, #tpu.memory_space<semaphore_mem>>) src(%arg8 : memref<1x224x224xf32, #tpu.memory_space<vmem>>) dst(%dma_wait3A_431 : memref<1x224x224xf32, #tpu.memory_space<hbm>>)
        tpu.yield
      }) : () -> ()
      %dma_wait3A_252 = arith.constant 0 : i32
      %dma_wait3A_253 = arith.constant 0 : i32
      %dma_wait3A_254 = tpu.memref_slice %arg3[%squeeze3A_243, %dma_wait3A_252, %dma_wait3A_253] : memref<768x224x224xf32, #tpu.memory_space<hbm>> -> memref<1x224x224xf32, #tpu.memory_space<hbm>>
      %dma_wait3A_255 = arith.constant 0 : i32
      %dma_wait3A_256 = arith.constant 0 : i32
      %dma_wait3A_257 = tpu.memref_slice %arg3[%squeeze3A_243, %dma_wait3A_255, %dma_wait3A_256] : memref<768x224x224xf32, #tpu.memory_space<hbm>> -> memref<1x224x224xf32, #tpu.memory_space<hbm>>
      tpu.wait_dma2 semaphore(%arg11 : memref<!tpu.dma_semaphore, #tpu.memory_space<semaphore_mem>>) src(%dma_wait3A_257 : memref<1x224x224xf32, #tpu.memory_space<hbm>>) dst(%arg9 : memref<1x224x224xf32, #tpu.memory_space<vmem>>)
      %slice3A_258 = vector.extract_strided_slice %get3A_36 {offsets = [14], sizes = [1], strides = [1]} : vector<16xi32> to vector<1xi32>
      %squeeze3A_259 = vector.extract %slice3A_258[0] : i32 from vector<1xi32>
      %dma_start3A_260 = arith.constant 0 : i32
      %dma_start3A_261 = arith.constant 0 : i32
      %dma_start3A_262 = tpu.memref_slice %arg3[%squeeze3A_259, %dma_start3A_260, %dma_start3A_261] : memref<768x224x224xf32, #tpu.memory_space<hbm>> -> memref<1x224x224xf32, #tpu.memory_space<hbm>>
      %dma_start3A_263 = arith.constant 0 : i32
      %dma_start3A_264 = arith.constant 0 : i32
      %dma_start3A_265 = tpu.memref_slice %arg3[%squeeze3A_259, %dma_start3A_263, %dma_start3A_264] : memref<768x224x224xf32, #tpu.memory_space<hbm>> -> memref<1x224x224xf32, #tpu.memory_space<hbm>>
      tpu.enqueue_dma source(%dma_start3A_265 : memref<1x224x224xf32, #tpu.memory_space<hbm>>) target(%arg8 : memref<1x224x224xf32, #tpu.memory_space<vmem>>) target_semaphore(%arg10 : memref<!tpu.dma_semaphore, #tpu.memory_space<semaphore_mem>>)
      %add3A_266 = arith.constant 13 : i32
      %add3A_267 = arith.addi %add3A_34, %add3A_266 : i32
      "tpu.region"() ({
        %run_scoped3A = tpu.sem_alloc : memref<!tpu.dma_semaphore, #tpu.memory_space<semaphore_mem>>
        %dma_start3A_420 = arith.constant 0 : i32
        %dma_start3A_421 = arith.constant 0 : i32
        %dma_start3A_422 = tpu.memref_slice %arg6[%add3A_267, %dma_start3A_420, %dma_start3A_421] : memref<768x224x224xf32, #tpu.memory_space<hbm>> -> memref<1x224x224xf32, #tpu.memory_space<hbm>>
        %dma_start3A_423 = arith.constant 0 : i32
        %dma_start3A_424 = arith.constant 0 : i32
        %dma_start3A_425 = tpu.memref_slice %arg6[%add3A_267, %dma_start3A_423, %dma_start3A_424] : memref<768x224x224xf32, #tpu.memory_space<hbm>> -> memref<1x224x224xf32, #tpu.memory_space<hbm>>
        tpu.enqueue_dma source(%arg9 : memref<1x224x224xf32, #tpu.memory_space<vmem>>) target(%dma_start3A_425 : memref<1x224x224xf32, #tpu.memory_space<hbm>>) target_semaphore(%run_scoped3A : memref<!tpu.dma_semaphore, #tpu.memory_space<semaphore_mem>>)
        %dma_wait3A_426 = arith.constant 0 : i32
        %dma_wait3A_427 = arith.constant 0 : i32
        %dma_wait3A_428 = tpu.memref_slice %arg6[%add3A_267, %dma_wait3A_426, %dma_wait3A_427] : memref<768x224x224xf32, #tpu.memory_space<hbm>> -> memref<1x224x224xf32, #tpu.memory_space<hbm>>
        %dma_wait3A_429 = arith.constant 0 : i32
        %dma_wait3A_430 = arith.constant 0 : i32
        %dma_wait3A_431 = tpu.memref_slice %arg6[%add3A_267, %dma_wait3A_429, %dma_wait3A_430] : memref<768x224x224xf32, #tpu.memory_space<hbm>> -> memref<1x224x224xf32, #tpu.memory_space<hbm>>
        tpu.wait_dma2 semaphore(%run_scoped3A : memref<!tpu.dma_semaphore, #tpu.memory_space<semaphore_mem>>) src(%arg9 : memref<1x224x224xf32, #tpu.memory_space<vmem>>) dst(%dma_wait3A_431 : memref<1x224x224xf32, #tpu.memory_space<hbm>>)
        tpu.yield
      }) : () -> ()
      %dma_wait3A_268 = arith.constant 0 : i32
      %dma_wait3A_269 = arith.constant 0 : i32
      %dma_wait3A_270 = tpu.memref_slice %arg3[%squeeze3A_259, %dma_wait3A_268, %dma_wait3A_269] : memref<768x224x224xf32, #tpu.memory_space<hbm>> -> memref<1x224x224xf32, #tpu.memory_space<hbm>>
      %dma_wait3A_271 = arith.constant 0 : i32
      %dma_wait3A_272 = arith.constant 0 : i32
      %dma_wait3A_273 = tpu.memref_slice %arg3[%squeeze3A_259, %dma_wait3A_271, %dma_wait3A_272] : memref<768x224x224xf32, #tpu.memory_space<hbm>> -> memref<1x224x224xf32, #tpu.memory_space<hbm>>
      tpu.wait_dma2 semaphore(%arg10 : memref<!tpu.dma_semaphore, #tpu.memory_space<semaphore_mem>>) src(%dma_wait3A_273 : memref<1x224x224xf32, #tpu.memory_space<hbm>>) dst(%arg8 : memref<1x224x224xf32, #tpu.memory_space<vmem>>)
      %slice3A_274 = vector.extract_strided_slice %get3A_36 {offsets = [15], sizes = [1], strides = [1]} : vector<16xi32> to vector<1xi32>
      %squeeze3A_275 = vector.extract %slice3A_274[0] : i32 from vector<1xi32>
      %dma_start3A_276 = arith.constant 0 : i32
      %dma_start3A_277 = arith.constant 0 : i32
      %dma_start3A_278 = tpu.memref_slice %arg3[%squeeze3A_275, %dma_start3A_276, %dma_start3A_277] : memref<768x224x224xf32, #tpu.memory_space<hbm>> -> memref<1x224x224xf32, #tpu.memory_space<hbm>>
      %dma_start3A_279 = arith.constant 0 : i32
      %dma_start3A_280 = arith.constant 0 : i32
      %dma_start3A_281 = tpu.memref_slice %arg3[%squeeze3A_275, %dma_start3A_279, %dma_start3A_280] : memref<768x224x224xf32, #tpu.memory_space<hbm>> -> memref<1x224x224xf32, #tpu.memory_space<hbm>>
      tpu.enqueue_dma source(%dma_start3A_281 : memref<1x224x224xf32, #tpu.memory_space<hbm>>) target(%arg9 : memref<1x224x224xf32, #tpu.memory_space<vmem>>) target_semaphore(%arg11 : memref<!tpu.dma_semaphore, #tpu.memory_space<semaphore_mem>>)
      %add3A_282 = arith.constant 14 : i32
      %add3A_283 = arith.addi %add3A_34, %add3A_282 : i32
      "tpu.region"() ({
        %run_scoped3A = tpu.sem_alloc : memref<!tpu.dma_semaphore, #tpu.memory_space<semaphore_mem>>
        %dma_start3A_420 = arith.constant 0 : i32
        %dma_start3A_421 = arith.constant 0 : i32
        %dma_start3A_422 = tpu.memref_slice %arg6[%add3A_283, %dma_start3A_420, %dma_start3A_421] : memref<768x224x224xf32, #tpu.memory_space<hbm>> -> memref<1x224x224xf32, #tpu.memory_space<hbm>>
        %dma_start3A_423 = arith.constant 0 : i32
        %dma_start3A_424 = arith.constant 0 : i32
        %dma_start3A_425 = tpu.memref_slice %arg6[%add3A_283, %dma_start3A_423, %dma_start3A_424] : memref<768x224x224xf32, #tpu.memory_space<hbm>> -> memref<1x224x224xf32, #tpu.memory_space<hbm>>
        tpu.enqueue_dma source(%arg8 : memref<1x224x224xf32, #tpu.memory_space<vmem>>) target(%dma_start3A_425 : memref<1x224x224xf32, #tpu.memory_space<hbm>>) target_semaphore(%run_scoped3A : memref<!tpu.dma_semaphore, #tpu.memory_space<semaphore_mem>>)
        %dma_wait3A_426 = arith.constant 0 : i32
        %dma_wait3A_427 = arith.constant 0 : i32
        %dma_wait3A_428 = tpu.memref_slice %arg6[%add3A_283, %dma_wait3A_426, %dma_wait3A_427] : memref<768x224x224xf32, #tpu.memory_space<hbm>> -> memref<1x224x224xf32, #tpu.memory_space<hbm>>
        %dma_wait3A_429 = arith.constant 0 : i32
        %dma_wait3A_430 = arith.constant 0 : i32
        %dma_wait3A_431 = tpu.memref_slice %arg6[%add3A_283, %dma_wait3A_429, %dma_wait3A_430] : memref<768x224x224xf32, #tpu.memory_space<hbm>> -> memref<1x224x224xf32, #tpu.memory_space<hbm>>
        tpu.wait_dma2 semaphore(%run_scoped3A : memref<!tpu.dma_semaphore, #tpu.memory_space<semaphore_mem>>) src(%arg8 : memref<1x224x224xf32, #tpu.memory_space<vmem>>) dst(%dma_wait3A_431 : memref<1x224x224xf32, #tpu.memory_space<hbm>>)
        tpu.yield
      }) : () -> ()
      %dma_wait3A_284 = arith.constant 0 : i32
      %dma_wait3A_285 = arith.constant 0 : i32
      %dma_wait3A_286 = tpu.memref_slice %arg3[%squeeze3A_275, %dma_wait3A_284, %dma_wait3A_285] : memref<768x224x224xf32, #tpu.memory_space<hbm>> -> memref<1x224x224xf32, #tpu.memory_space<hbm>>
      %dma_wait3A_287 = arith.constant 0 : i32
      %dma_wait3A_288 = arith.constant 0 : i32
      %dma_wait3A_289 = tpu.memref_slice %arg3[%squeeze3A_275, %dma_wait3A_287, %dma_wait3A_288] : memref<768x224x224xf32, #tpu.memory_space<hbm>> -> memref<1x224x224xf32, #tpu.memory_space<hbm>>
      tpu.wait_dma2 semaphore(%arg11 : memref<!tpu.dma_semaphore, #tpu.memory_space<semaphore_mem>>) src(%dma_wait3A_289 : memref<1x224x224xf32, #tpu.memory_space<hbm>>) dst(%arg9 : memref<1x224x224xf32, #tpu.memory_space<vmem>>)
      %slice3A_290 = vector.extract_strided_slice %get3A_39 {offsets = [8], sizes = [1], strides = [1]} : vector<16xi32> to vector<1xi32>
      %squeeze3A_291 = vector.extract %slice3A_290[0] : i32 from vector<1xi32>
      %dma_start3A_292 = arith.constant 0 : i32
      %dma_start3A_293 = arith.constant 0 : i32
      %dma_start3A_294 = tpu.memref_slice %arg3[%squeeze3A_291, %dma_start3A_292, %dma_start3A_293] : memref<768x224x224xf32, #tpu.memory_space<hbm>> -> memref<1x224x224xf32, #tpu.memory_space<hbm>>
      %dma_start3A_295 = arith.constant 0 : i32
      %dma_start3A_296 = arith.constant 0 : i32
      %dma_start3A_297 = tpu.memref_slice %arg3[%squeeze3A_291, %dma_start3A_295, %dma_start3A_296] : memref<768x224x224xf32, #tpu.memory_space<hbm>> -> memref<1x224x224xf32, #tpu.memory_space<hbm>>
      tpu.enqueue_dma source(%dma_start3A_297 : memref<1x224x224xf32, #tpu.memory_space<hbm>>) target(%arg8 : memref<1x224x224xf32, #tpu.memory_space<vmem>>) target_semaphore(%arg10 : memref<!tpu.dma_semaphore, #tpu.memory_space<semaphore_mem>>)
      %add3A_298 = arith.constant 15 : i32
      %add3A_299 = arith.addi %add3A_34, %add3A_298 : i32
      "tpu.region"() ({
        %run_scoped3A = tpu.sem_alloc : memref<!tpu.dma_semaphore, #tpu.memory_space<semaphore_mem>>
        %dma_start3A_420 = arith.constant 0 : i32
        %dma_start3A_421 = arith.constant 0 : i32
        %dma_start3A_422 = tpu.memref_slice %arg6[%add3A_299, %dma_start3A_420, %dma_start3A_421] : memref<768x224x224xf32, #tpu.memory_space<hbm>> -> memref<1x224x224xf32, #tpu.memory_space<hbm>>
        %dma_start3A_423 = arith.constant 0 : i32
        %dma_start3A_424 = arith.constant 0 : i32
        %dma_start3A_425 = tpu.memref_slice %arg6[%add3A_299, %dma_start3A_423, %dma_start3A_424] : memref<768x224x224xf32, #tpu.memory_space<hbm>> -> memref<1x224x224xf32, #tpu.memory_space<hbm>>
        tpu.enqueue_dma source(%arg9 : memref<1x224x224xf32, #tpu.memory_space<vmem>>) target(%dma_start3A_425 : memref<1x224x224xf32, #tpu.memory_space<hbm>>) target_semaphore(%run_scoped3A : memref<!tpu.dma_semaphore, #tpu.memory_space<semaphore_mem>>)
        %dma_wait3A_426 = arith.constant 0 : i32
        %dma_wait3A_427 = arith.constant 0 : i32
        %dma_wait3A_428 = tpu.memref_slice %arg6[%add3A_299, %dma_wait3A_426, %dma_wait3A_427] : memref<768x224x224xf32, #tpu.memory_space<hbm>> -> memref<1x224x224xf32, #tpu.memory_space<hbm>>
        %dma_wait3A_429 = arith.constant 0 : i32
        %dma_wait3A_430 = arith.constant 0 : i32
        %dma_wait3A_431 = tpu.memref_slice %arg6[%add3A_299, %dma_wait3A_429, %dma_wait3A_430] : memref<768x224x224xf32, #tpu.memory_space<hbm>> -> memref<1x224x224xf32, #tpu.memory_space<hbm>>
        tpu.wait_dma2 semaphore(%run_scoped3A : memref<!tpu.dma_semaphore, #tpu.memory_space<semaphore_mem>>) src(%arg9 : memref<1x224x224xf32, #tpu.memory_space<vmem>>) dst(%dma_wait3A_431 : memref<1x224x224xf32, #tpu.memory_space<hbm>>)
        tpu.yield
      }) : () -> ()
      %dma_wait3A_300 = arith.constant 0 : i32
      %dma_wait3A_301 = arith.constant 0 : i32
      %dma_wait3A_302 = tpu.memref_slice %arg3[%squeeze3A_291, %dma_wait3A_300, %dma_wait3A_301] : memref<768x224x224xf32, #tpu.memory_space<hbm>> -> memref<1x224x224xf32, #tpu.memory_space<hbm>>
      %dma_wait3A_303 = arith.constant 0 : i32
      %dma_wait3A_304 = arith.constant 0 : i32
      %dma_wait3A_305 = tpu.memref_slice %arg3[%squeeze3A_291, %dma_wait3A_303, %dma_wait3A_304] : memref<768x224x224xf32, #tpu.memory_space<hbm>> -> memref<1x224x224xf32, #tpu.memory_space<hbm>>
      tpu.wait_dma2 semaphore(%arg10 : memref<!tpu.dma_semaphore, #tpu.memory_space<semaphore_mem>>) src(%dma_wait3A_305 : memref<1x224x224xf32, #tpu.memory_space<hbm>>) dst(%arg8 : memref<1x224x224xf32, #tpu.memory_space<vmem>>)
      %slice3A_306 = vector.extract_strided_slice %get3A_39 {offsets = [9], sizes = [1], strides = [1]} : vector<16xi32> to vector<1xi32>
      %squeeze3A_307 = vector.extract %slice3A_306[0] : i32 from vector<1xi32>
      %dma_start3A_308 = arith.constant 0 : i32
      %dma_start3A_309 = arith.constant 0 : i32
      %dma_start3A_310 = tpu.memref_slice %arg3[%squeeze3A_307, %dma_start3A_308, %dma_start3A_309] : memref<768x224x224xf32, #tpu.memory_space<hbm>> -> memref<1x224x224xf32, #tpu.memory_space<hbm>>
      %dma_start3A_311 = arith.constant 0 : i32
      %dma_start3A_312 = arith.constant 0 : i32
      %dma_start3A_313 = tpu.memref_slice %arg3[%squeeze3A_307, %dma_start3A_311, %dma_start3A_312] : memref<768x224x224xf32, #tpu.memory_space<hbm>> -> memref<1x224x224xf32, #tpu.memory_space<hbm>>
      tpu.enqueue_dma source(%dma_start3A_313 : memref<1x224x224xf32, #tpu.memory_space<hbm>>) target(%arg9 : memref<1x224x224xf32, #tpu.memory_space<vmem>>) target_semaphore(%arg11 : memref<!tpu.dma_semaphore, #tpu.memory_space<semaphore_mem>>)
      %add3A_314 = arith.constant 16 : i32
      %add3A_315 = arith.addi %add3A_34, %add3A_314 : i32
      "tpu.region"() ({
        %run_scoped3A = tpu.sem_alloc : memref<!tpu.dma_semaphore, #tpu.memory_space<semaphore_mem>>
        %dma_start3A_420 = arith.constant 0 : i32
        %dma_start3A_421 = arith.constant 0 : i32
        %dma_start3A_422 = tpu.memref_slice %arg6[%add3A_315, %dma_start3A_420, %dma_start3A_421] : memref<768x224x224xf32, #tpu.memory_space<hbm>> -> memref<1x224x224xf32, #tpu.memory_space<hbm>>
        %dma_start3A_423 = arith.constant 0 : i32
        %dma_start3A_424 = arith.constant 0 : i32
        %dma_start3A_425 = tpu.memref_slice %arg6[%add3A_315, %dma_start3A_423, %dma_start3A_424] : memref<768x224x224xf32, #tpu.memory_space<hbm>> -> memref<1x224x224xf32, #tpu.memory_space<hbm>>
        tpu.enqueue_dma source(%arg8 : memref<1x224x224xf32, #tpu.memory_space<vmem>>) target(%dma_start3A_425 : memref<1x224x224xf32, #tpu.memory_space<hbm>>) target_semaphore(%run_scoped3A : memref<!tpu.dma_semaphore, #tpu.memory_space<semaphore_mem>>)
        %dma_wait3A_426 = arith.constant 0 : i32
        %dma_wait3A_427 = arith.constant 0 : i32
        %dma_wait3A_428 = tpu.memref_slice %arg6[%add3A_315, %dma_wait3A_426, %dma_wait3A_427] : memref<768x224x224xf32, #tpu.memory_space<hbm>> -> memref<1x224x224xf32, #tpu.memory_space<hbm>>
        %dma_wait3A_429 = arith.constant 0 : i32
        %dma_wait3A_430 = arith.constant 0 : i32
        %dma_wait3A_431 = tpu.memref_slice %arg6[%add3A_315, %dma_wait3A_429, %dma_wait3A_430] : memref<768x224x224xf32, #tpu.memory_space<hbm>> -> memref<1x224x224xf32, #tpu.memory_space<hbm>>
        tpu.wait_dma2 semaphore(%run_scoped3A : memref<!tpu.dma_semaphore, #tpu.memory_space<semaphore_mem>>) src(%arg8 : memref<1x224x224xf32, #tpu.memory_space<vmem>>) dst(%dma_wait3A_431 : memref<1x224x224xf32, #tpu.memory_space<hbm>>)
        tpu.yield
      }) : () -> ()
      %dma_wait3A_316 = arith.constant 0 : i32
      %dma_wait3A_317 = arith.constant 0 : i32
      %dma_wait3A_318 = tpu.memref_slice %arg3[%squeeze3A_307, %dma_wait3A_316, %dma_wait3A_317] : memref<768x224x224xf32, #tpu.memory_space<hbm>> -> memref<1x224x224xf32, #tpu.memory_space<hbm>>
      %dma_wait3A_319 = arith.constant 0 : i32
      %dma_wait3A_320 = arith.constant 0 : i32
      %dma_wait3A_321 = tpu.memref_slice %arg3[%squeeze3A_307, %dma_wait3A_319, %dma_wait3A_320] : memref<768x224x224xf32, #tpu.memory_space<hbm>> -> memref<1x224x224xf32, #tpu.memory_space<hbm>>
      tpu.wait_dma2 semaphore(%arg11 : memref<!tpu.dma_semaphore, #tpu.memory_space<semaphore_mem>>) src(%dma_wait3A_321 : memref<1x224x224xf32, #tpu.memory_space<hbm>>) dst(%arg9 : memref<1x224x224xf32, #tpu.memory_space<vmem>>)
      %slice3A_322 = vector.extract_strided_slice %get3A_39 {offsets = [10], sizes = [1], strides = [1]} : vector<16xi32> to vector<1xi32>
      %squeeze3A_323 = vector.extract %slice3A_322[0] : i32 from vector<1xi32>
      %dma_start3A_324 = arith.constant 0 : i32
      %dma_start3A_325 = arith.constant 0 : i32
      %dma_start3A_326 = tpu.memref_slice %arg3[%squeeze3A_323, %dma_start3A_324, %dma_start3A_325] : memref<768x224x224xf32, #tpu.memory_space<hbm>> -> memref<1x224x224xf32, #tpu.memory_space<hbm>>
      %dma_start3A_327 = arith.constant 0 : i32
      %dma_start3A_328 = arith.constant 0 : i32
      %dma_start3A_329 = tpu.memref_slice %arg3[%squeeze3A_323, %dma_start3A_327, %dma_start3A_328] : memref<768x224x224xf32, #tpu.memory_space<hbm>> -> memref<1x224x224xf32, #tpu.memory_space<hbm>>
      tpu.enqueue_dma source(%dma_start3A_329 : memref<1x224x224xf32, #tpu.memory_space<hbm>>) target(%arg8 : memref<1x224x224xf32, #tpu.memory_space<vmem>>) target_semaphore(%arg10 : memref<!tpu.dma_semaphore, #tpu.memory_space<semaphore_mem>>)
      %add3A_330 = arith.constant 17 : i32
      %add3A_331 = arith.addi %add3A_34, %add3A_330 : i32
      "tpu.region"() ({
        %run_scoped3A = tpu.sem_alloc : memref<!tpu.dma_semaphore, #tpu.memory_space<semaphore_mem>>
        %dma_start3A_420 = arith.constant 0 : i32
        %dma_start3A_421 = arith.constant 0 : i32
        %dma_start3A_422 = tpu.memref_slice %arg6[%add3A_331, %dma_start3A_420, %dma_start3A_421] : memref<768x224x224xf32, #tpu.memory_space<hbm>> -> memref<1x224x224xf32, #tpu.memory_space<hbm>>
        %dma_start3A_423 = arith.constant 0 : i32
        %dma_start3A_424 = arith.constant 0 : i32
        %dma_start3A_425 = tpu.memref_slice %arg6[%add3A_331, %dma_start3A_423, %dma_start3A_424] : memref<768x224x224xf32, #tpu.memory_space<hbm>> -> memref<1x224x224xf32, #tpu.memory_space<hbm>>
        tpu.enqueue_dma source(%arg9 : memref<1x224x224xf32, #tpu.memory_space<vmem>>) target(%dma_start3A_425 : memref<1x224x224xf32, #tpu.memory_space<hbm>>) target_semaphore(%run_scoped3A : memref<!tpu.dma_semaphore, #tpu.memory_space<semaphore_mem>>)
        %dma_wait3A_426 = arith.constant 0 : i32
        %dma_wait3A_427 = arith.constant 0 : i32
        %dma_wait3A_428 = tpu.memref_slice %arg6[%add3A_331, %dma_wait3A_426, %dma_wait3A_427] : memref<768x224x224xf32, #tpu.memory_space<hbm>> -> memref<1x224x224xf32, #tpu.memory_space<hbm>>
        %dma_wait3A_429 = arith.constant 0 : i32
        %dma_wait3A_430 = arith.constant 0 : i32
        %dma_wait3A_431 = tpu.memref_slice %arg6[%add3A_331, %dma_wait3A_429, %dma_wait3A_430] : memref<768x224x224xf32, #tpu.memory_space<hbm>> -> memref<1x224x224xf32, #tpu.memory_space<hbm>>
        tpu.wait_dma2 semaphore(%run_scoped3A : memref<!tpu.dma_semaphore, #tpu.memory_space<semaphore_mem>>) src(%arg9 : memref<1x224x224xf32, #tpu.memory_space<vmem>>) dst(%dma_wait3A_431 : memref<1x224x224xf32, #tpu.memory_space<hbm>>)
        tpu.yield
      }) : () -> ()
      %dma_wait3A_332 = arith.constant 0 : i32
      %dma_wait3A_333 = arith.constant 0 : i32
      %dma_wait3A_334 = tpu.memref_slice %arg3[%squeeze3A_323, %dma_wait3A_332, %dma_wait3A_333] : memref<768x224x224xf32, #tpu.memory_space<hbm>> -> memref<1x224x224xf32, #tpu.memory_space<hbm>>
      %dma_wait3A_335 = arith.constant 0 : i32
      %dma_wait3A_336 = arith.constant 0 : i32
      %dma_wait3A_337 = tpu.memref_slice %arg3[%squeeze3A_323, %dma_wait3A_335, %dma_wait3A_336] : memref<768x224x224xf32, #tpu.memory_space<hbm>> -> memref<1x224x224xf32, #tpu.memory_space<hbm>>
      tpu.wait_dma2 semaphore(%arg10 : memref<!tpu.dma_semaphore, #tpu.memory_space<semaphore_mem>>) src(%dma_wait3A_337 : memref<1x224x224xf32, #tpu.memory_space<hbm>>) dst(%arg8 : memref<1x224x224xf32, #tpu.memory_space<vmem>>)
      %slice3A_338 = vector.extract_strided_slice %get3A_39 {offsets = [11], sizes = [1], strides = [1]} : vector<16xi32> to vector<1xi32>
      %squeeze3A_339 = vector.extract %slice3A_338[0] : i32 from vector<1xi32>
      %dma_start3A_340 = arith.constant 0 : i32
      %dma_start3A_341 = arith.constant 0 : i32
      %dma_start3A_342 = tpu.memref_slice %arg3[%squeeze3A_339, %dma_start3A_340, %dma_start3A_341] : memref<768x224x224xf32, #tpu.memory_space<hbm>> -> memref<1x224x224xf32, #tpu.memory_space<hbm>>
      %dma_start3A_343 = arith.constant 0 : i32
      %dma_start3A_344 = arith.constant 0 : i32
      %dma_start3A_345 = tpu.memref_slice %arg3[%squeeze3A_339, %dma_start3A_343, %dma_start3A_344] : memref<768x224x224xf32, #tpu.memory_space<hbm>> -> memref<1x224x224xf32, #tpu.memory_space<hbm>>
      tpu.enqueue_dma source(%dma_start3A_345 : memref<1x224x224xf32, #tpu.memory_space<hbm>>) target(%arg9 : memref<1x224x224xf32, #tpu.memory_space<vmem>>) target_semaphore(%arg11 : memref<!tpu.dma_semaphore, #tpu.memory_space<semaphore_mem>>)
      %add3A_346 = arith.constant 18 : i32
      %add3A_347 = arith.addi %add3A_34, %add3A_346 : i32
      "tpu.region"() ({
        %run_scoped3A = tpu.sem_alloc : memref<!tpu.dma_semaphore, #tpu.memory_space<semaphore_mem>>
        %dma_start3A_420 = arith.constant 0 : i32
        %dma_start3A_421 = arith.constant 0 : i32
        %dma_start3A_422 = tpu.memref_slice %arg6[%add3A_347, %dma_start3A_420, %dma_start3A_421] : memref<768x224x224xf32, #tpu.memory_space<hbm>> -> memref<1x224x224xf32, #tpu.memory_space<hbm>>
        %dma_start3A_423 = arith.constant 0 : i32
        %dma_start3A_424 = arith.constant 0 : i32
        %dma_start3A_425 = tpu.memref_slice %arg6[%add3A_347, %dma_start3A_423, %dma_start3A_424] : memref<768x224x224xf32, #tpu.memory_space<hbm>> -> memref<1x224x224xf32, #tpu.memory_space<hbm>>
        tpu.enqueue_dma source(%arg8 : memref<1x224x224xf32, #tpu.memory_space<vmem>>) target(%dma_start3A_425 : memref<1x224x224xf32, #tpu.memory_space<hbm>>) target_semaphore(%run_scoped3A : memref<!tpu.dma_semaphore, #tpu.memory_space<semaphore_mem>>)
        %dma_wait3A_426 = arith.constant 0 : i32
        %dma_wait3A_427 = arith.constant 0 : i32
        %dma_wait3A_428 = tpu.memref_slice %arg6[%add3A_347, %dma_wait3A_426, %dma_wait3A_427] : memref<768x224x224xf32, #tpu.memory_space<hbm>> -> memref<1x224x224xf32, #tpu.memory_space<hbm>>
        %dma_wait3A_429 = arith.constant 0 : i32
        %dma_wait3A_430 = arith.constant 0 : i32
        %dma_wait3A_431 = tpu.memref_slice %arg6[%add3A_347, %dma_wait3A_429, %dma_wait3A_430] : memref<768x224x224xf32, #tpu.memory_space<hbm>> -> memref<1x224x224xf32, #tpu.memory_space<hbm>>
        tpu.wait_dma2 semaphore(%run_scoped3A : memref<!tpu.dma_semaphore, #tpu.memory_space<semaphore_mem>>) src(%arg8 : memref<1x224x224xf32, #tpu.memory_space<vmem>>) dst(%dma_wait3A_431 : memref<1x224x224xf32, #tpu.memory_space<hbm>>)
        tpu.yield
      }) : () -> ()
      %dma_wait3A_348 = arith.constant 0 : i32
      %dma_wait3A_349 = arith.constant 0 : i32
      %dma_wait3A_350 = tpu.memref_slice %arg3[%squeeze3A_339, %dma_wait3A_348, %dma_wait3A_349] : memref<768x224x224xf32, #tpu.memory_space<hbm>> -> memref<1x224x224xf32, #tpu.memory_space<hbm>>
      %dma_wait3A_351 = arith.constant 0 : i32
      %dma_wait3A_352 = arith.constant 0 : i32
      %dma_wait3A_353 = tpu.memref_slice %arg3[%squeeze3A_339, %dma_wait3A_351, %dma_wait3A_352] : memref<768x224x224xf32, #tpu.memory_space<hbm>> -> memref<1x224x224xf32, #tpu.memory_space<hbm>>
      tpu.wait_dma2 semaphore(%arg11 : memref<!tpu.dma_semaphore, #tpu.memory_space<semaphore_mem>>) src(%dma_wait3A_353 : memref<1x224x224xf32, #tpu.memory_space<hbm>>) dst(%arg9 : memref<1x224x224xf32, #tpu.memory_space<vmem>>)
      %slice3A_354 = vector.extract_strided_slice %get3A_39 {offsets = [12], sizes = [1], strides = [1]} : vector<16xi32> to vector<1xi32>
      %squeeze3A_355 = vector.extract %slice3A_354[0] : i32 from vector<1xi32>
      %dma_start3A_356 = arith.constant 0 : i32
      %dma_start3A_357 = arith.constant 0 : i32
      %dma_start3A_358 = tpu.memref_slice %arg3[%squeeze3A_355, %dma_start3A_356, %dma_start3A_357] : memref<768x224x224xf32, #tpu.memory_space<hbm>> -> memref<1x224x224xf32, #tpu.memory_space<hbm>>
      %dma_start3A_359 = arith.constant 0 : i32
      %dma_start3A_360 = arith.constant 0 : i32
      %dma_start3A_361 = tpu.memref_slice %arg3[%squeeze3A_355, %dma_start3A_359, %dma_start3A_360] : memref<768x224x224xf32, #tpu.memory_space<hbm>> -> memref<1x224x224xf32, #tpu.memory_space<hbm>>
      tpu.enqueue_dma source(%dma_start3A_361 : memref<1x224x224xf32, #tpu.memory_space<hbm>>) target(%arg8 : memref<1x224x224xf32, #tpu.memory_space<vmem>>) target_semaphore(%arg10 : memref<!tpu.dma_semaphore, #tpu.memory_space<semaphore_mem>>)
      %add3A_362 = arith.constant 19 : i32
      %add3A_363 = arith.addi %add3A_34, %add3A_362 : i32
      "tpu.region"() ({
        %run_scoped3A = tpu.sem_alloc : memref<!tpu.dma_semaphore, #tpu.memory_space<semaphore_mem>>
        %dma_start3A_420 = arith.constant 0 : i32
        %dma_start3A_421 = arith.constant 0 : i32
        %dma_start3A_422 = tpu.memref_slice %arg6[%add3A_363, %dma_start3A_420, %dma_start3A_421] : memref<768x224x224xf32, #tpu.memory_space<hbm>> -> memref<1x224x224xf32, #tpu.memory_space<hbm>>
        %dma_start3A_423 = arith.constant 0 : i32
        %dma_start3A_424 = arith.constant 0 : i32
        %dma_start3A_425 = tpu.memref_slice %arg6[%add3A_363, %dma_start3A_423, %dma_start3A_424] : memref<768x224x224xf32, #tpu.memory_space<hbm>> -> memref<1x224x224xf32, #tpu.memory_space<hbm>>
        tpu.enqueue_dma source(%arg9 : memref<1x224x224xf32, #tpu.memory_space<vmem>>) target(%dma_start3A_425 : memref<1x224x224xf32, #tpu.memory_space<hbm>>) target_semaphore(%run_scoped3A : memref<!tpu.dma_semaphore, #tpu.memory_space<semaphore_mem>>)
        %dma_wait3A_426 = arith.constant 0 : i32
        %dma_wait3A_427 = arith.constant 0 : i32
        %dma_wait3A_428 = tpu.memref_slice %arg6[%add3A_363, %dma_wait3A_426, %dma_wait3A_427] : memref<768x224x224xf32, #tpu.memory_space<hbm>> -> memref<1x224x224xf32, #tpu.memory_space<hbm>>
        %dma_wait3A_429 = arith.constant 0 : i32
        %dma_wait3A_430 = arith.constant 0 : i32
        %dma_wait3A_431 = tpu.memref_slice %arg6[%add3A_363, %dma_wait3A_429, %dma_wait3A_430] : memref<768x224x224xf32, #tpu.memory_space<hbm>> -> memref<1x224x224xf32, #tpu.memory_space<hbm>>
        tpu.wait_dma2 semaphore(%run_scoped3A : memref<!tpu.dma_semaphore, #tpu.memory_space<semaphore_mem>>) src(%arg9 : memref<1x224x224xf32, #tpu.memory_space<vmem>>) dst(%dma_wait3A_431 : memref<1x224x224xf32, #tpu.memory_space<hbm>>)
        tpu.yield
      }) : () -> ()
      %dma_wait3A_364 = arith.constant 0 : i32
      %dma_wait3A_365 = arith.constant 0 : i32
      %dma_wait3A_366 = tpu.memref_slice %arg3[%squeeze3A_355, %dma_wait3A_364, %dma_wait3A_365] : memref<768x224x224xf32, #tpu.memory_space<hbm>> -> memref<1x224x224xf32, #tpu.memory_space<hbm>>
      %dma_wait3A_367 = arith.constant 0 : i32
      %dma_wait3A_368 = arith.constant 0 : i32
      %dma_wait3A_369 = tpu.memref_slice %arg3[%squeeze3A_355, %dma_wait3A_367, %dma_wait3A_368] : memref<768x224x224xf32, #tpu.memory_space<hbm>> -> memref<1x224x224xf32, #tpu.memory_space<hbm>>
      tpu.wait_dma2 semaphore(%arg10 : memref<!tpu.dma_semaphore, #tpu.memory_space<semaphore_mem>>) src(%dma_wait3A_369 : memref<1x224x224xf32, #tpu.memory_space<hbm>>) dst(%arg8 : memref<1x224x224xf32, #tpu.memory_space<vmem>>)
      %slice3A_370 = vector.extract_strided_slice %get3A_39 {offsets = [13], sizes = [1], strides = [1]} : vector<16xi32> to vector<1xi32>
      %squeeze3A_371 = vector.extract %slice3A_370[0] : i32 from vector<1xi32>
      %dma_start3A_372 = arith.constant 0 : i32
      %dma_start3A_373 = arith.constant 0 : i32
      %dma_start3A_374 = tpu.memref_slice %arg3[%squeeze3A_371, %dma_start3A_372, %dma_start3A_373] : memref<768x224x224xf32, #tpu.memory_space<hbm>> -> memref<1x224x224xf32, #tpu.memory_space<hbm>>
      %dma_start3A_375 = arith.constant 0 : i32
      %dma_start3A_376 = arith.constant 0 : i32
      %dma_start3A_377 = tpu.memref_slice %arg3[%squeeze3A_371, %dma_start3A_375, %dma_start3A_376] : memref<768x224x224xf32, #tpu.memory_space<hbm>> -> memref<1x224x224xf32, #tpu.memory_space<hbm>>
      tpu.enqueue_dma source(%dma_start3A_377 : memref<1x224x224xf32, #tpu.memory_space<hbm>>) target(%arg9 : memref<1x224x224xf32, #tpu.memory_space<vmem>>) target_semaphore(%arg11 : memref<!tpu.dma_semaphore, #tpu.memory_space<semaphore_mem>>)
      %add3A_378 = arith.constant 20 : i32
      %add3A_379 = arith.addi %add3A_34, %add3A_378 : i32
      "tpu.region"() ({
        %run_scoped3A = tpu.sem_alloc : memref<!tpu.dma_semaphore, #tpu.memory_space<semaphore_mem>>
        %dma_start3A_420 = arith.constant 0 : i32
        %dma_start3A_421 = arith.constant 0 : i32
        %dma_start3A_422 = tpu.memref_slice %arg6[%add3A_379, %dma_start3A_420, %dma_start3A_421] : memref<768x224x224xf32, #tpu.memory_space<hbm>> -> memref<1x224x224xf32, #tpu.memory_space<hbm>>
        %dma_start3A_423 = arith.constant 0 : i32
        %dma_start3A_424 = arith.constant 0 : i32
        %dma_start3A_425 = tpu.memref_slice %arg6[%add3A_379, %dma_start3A_423, %dma_start3A_424] : memref<768x224x224xf32, #tpu.memory_space<hbm>> -> memref<1x224x224xf32, #tpu.memory_space<hbm>>
        tpu.enqueue_dma source(%arg8 : memref<1x224x224xf32, #tpu.memory_space<vmem>>) target(%dma_start3A_425 : memref<1x224x224xf32, #tpu.memory_space<hbm>>) target_semaphore(%run_scoped3A : memref<!tpu.dma_semaphore, #tpu.memory_space<semaphore_mem>>)
        %dma_wait3A_426 = arith.constant 0 : i32
        %dma_wait3A_427 = arith.constant 0 : i32
        %dma_wait3A_428 = tpu.memref_slice %arg6[%add3A_379, %dma_wait3A_426, %dma_wait3A_427] : memref<768x224x224xf32, #tpu.memory_space<hbm>> -> memref<1x224x224xf32, #tpu.memory_space<hbm>>
        %dma_wait3A_429 = arith.constant 0 : i32
        %dma_wait3A_430 = arith.constant 0 : i32
        %dma_wait3A_431 = tpu.memref_slice %arg6[%add3A_379, %dma_wait3A_429, %dma_wait3A_430] : memref<768x224x224xf32, #tpu.memory_space<hbm>> -> memref<1x224x224xf32, #tpu.memory_space<hbm>>
        tpu.wait_dma2 semaphore(%run_scoped3A : memref<!tpu.dma_semaphore, #tpu.memory_space<semaphore_mem>>) src(%arg8 : memref<1x224x224xf32, #tpu.memory_space<vmem>>) dst(%dma_wait3A_431 : memref<1x224x224xf32, #tpu.memory_space<hbm>>)
        tpu.yield
      }) : () -> ()
      %dma_wait3A_380 = arith.constant 0 : i32
      %dma_wait3A_381 = arith.constant 0 : i32
      %dma_wait3A_382 = tpu.memref_slice %arg3[%squeeze3A_371, %dma_wait3A_380, %dma_wait3A_381] : memref<768x224x224xf32, #tpu.memory_space<hbm>> -> memref<1x224x224xf32, #tpu.memory_space<hbm>>
      %dma_wait3A_383 = arith.constant 0 : i32
      %dma_wait3A_384 = arith.constant 0 : i32
      %dma_wait3A_385 = tpu.memref_slice %arg3[%squeeze3A_371, %dma_wait3A_383, %dma_wait3A_384] : memref<768x224x224xf32, #tpu.memory_space<hbm>> -> memref<1x224x224xf32, #tpu.memory_space<hbm>>
      tpu.wait_dma2 semaphore(%arg11 : memref<!tpu.dma_semaphore, #tpu.memory_space<semaphore_mem>>) src(%dma_wait3A_385 : memref<1x224x224xf32, #tpu.memory_space<hbm>>) dst(%arg9 : memref<1x224x224xf32, #tpu.memory_space<vmem>>)
      %slice3A_386 = vector.extract_strided_slice %get3A_39 {offsets = [14], sizes = [1], strides = [1]} : vector<16xi32> to vector<1xi32>
      %squeeze3A_387 = vector.extract %slice3A_386[0] : i32 from vector<1xi32>
      %dma_start3A_388 = arith.constant 0 : i32
      %dma_start3A_389 = arith.constant 0 : i32
      %dma_start3A_390 = tpu.memref_slice %arg3[%squeeze3A_387, %dma_start3A_388, %dma_start3A_389] : memref<768x224x224xf32, #tpu.memory_space<hbm>> -> memref<1x224x224xf32, #tpu.memory_space<hbm>>
      %dma_start3A_391 = arith.constant 0 : i32
      %dma_start3A_392 = arith.constant 0 : i32
      %dma_start3A_393 = tpu.memref_slice %arg3[%squeeze3A_387, %dma_start3A_391, %dma_start3A_392] : memref<768x224x224xf32, #tpu.memory_space<hbm>> -> memref<1x224x224xf32, #tpu.memory_space<hbm>>
      tpu.enqueue_dma source(%dma_start3A_393 : memref<1x224x224xf32, #tpu.memory_space<hbm>>) target(%arg8 : memref<1x224x224xf32, #tpu.memory_space<vmem>>) target_semaphore(%arg10 : memref<!tpu.dma_semaphore, #tpu.memory_space<semaphore_mem>>)
      %add3A_394 = arith.constant 21 : i32
      %add3A_395 = arith.addi %add3A_34, %add3A_394 : i32
      "tpu.region"() ({
        %run_scoped3A = tpu.sem_alloc : memref<!tpu.dma_semaphore, #tpu.memory_space<semaphore_mem>>
        %dma_start3A_420 = arith.constant 0 : i32
        %dma_start3A_421 = arith.constant 0 : i32
        %dma_start3A_422 = tpu.memref_slice %arg6[%add3A_395, %dma_start3A_420, %dma_start3A_421] : memref<768x224x224xf32, #tpu.memory_space<hbm>> -> memref<1x224x224xf32, #tpu.memory_space<hbm>>
        %dma_start3A_423 = arith.constant 0 : i32
        %dma_start3A_424 = arith.constant 0 : i32
        %dma_start3A_425 = tpu.memref_slice %arg6[%add3A_395, %dma_start3A_423, %dma_start3A_424] : memref<768x224x224xf32, #tpu.memory_space<hbm>> -> memref<1x224x224xf32, #tpu.memory_space<hbm>>
        tpu.enqueue_dma source(%arg9 : memref<1x224x224xf32, #tpu.memory_space<vmem>>) target(%dma_start3A_425 : memref<1x224x224xf32, #tpu.memory_space<hbm>>) target_semaphore(%run_scoped3A : memref<!tpu.dma_semaphore, #tpu.memory_space<semaphore_mem>>)
        %dma_wait3A_426 = arith.constant 0 : i32
        %dma_wait3A_427 = arith.constant 0 : i32
        %dma_wait3A_428 = tpu.memref_slice %arg6[%add3A_395, %dma_wait3A_426, %dma_wait3A_427] : memref<768x224x224xf32, #tpu.memory_space<hbm>> -> memref<1x224x224xf32, #tpu.memory_space<hbm>>
        %dma_wait3A_429 = arith.constant 0 : i32
        %dma_wait3A_430 = arith.constant 0 : i32
        %dma_wait3A_431 = tpu.memref_slice %arg6[%add3A_395, %dma_wait3A_429, %dma_wait3A_430] : memref<768x224x224xf32, #tpu.memory_space<hbm>> -> memref<1x224x224xf32, #tpu.memory_space<hbm>>
        tpu.wait_dma2 semaphore(%run_scoped3A : memref<!tpu.dma_semaphore, #tpu.memory_space<semaphore_mem>>) src(%arg9 : memref<1x224x224xf32, #tpu.memory_space<vmem>>) dst(%dma_wait3A_431 : memref<1x224x224xf32, #tpu.memory_space<hbm>>)
        tpu.yield
      }) : () -> ()
      %dma_wait3A_396 = arith.constant 0 : i32
      %dma_wait3A_397 = arith.constant 0 : i32
      %dma_wait3A_398 = tpu.memref_slice %arg3[%squeeze3A_387, %dma_wait3A_396, %dma_wait3A_397] : memref<768x224x224xf32, #tpu.memory_space<hbm>> -> memref<1x224x224xf32, #tpu.memory_space<hbm>>
      %dma_wait3A_399 = arith.constant 0 : i32
      %dma_wait3A_400 = arith.constant 0 : i32
      %dma_wait3A_401 = tpu.memref_slice %arg3[%squeeze3A_387, %dma_wait3A_399, %dma_wait3A_400] : memref<768x224x224xf32, #tpu.memory_space<hbm>> -> memref<1x224x224xf32, #tpu.memory_space<hbm>>
      tpu.wait_dma2 semaphore(%arg10 : memref<!tpu.dma_semaphore, #tpu.memory_space<semaphore_mem>>) src(%dma_wait3A_401 : memref<1x224x224xf32, #tpu.memory_space<hbm>>) dst(%arg8 : memref<1x224x224xf32, #tpu.memory_space<vmem>>)
      %slice3A_402 = vector.extract_strided_slice %get3A_39 {offsets = [15], sizes = [1], strides = [1]} : vector<16xi32> to vector<1xi32>
      %squeeze3A_403 = vector.extract %slice3A_402[0] : i32 from vector<1xi32>
      %dma_start3A_404 = arith.constant 0 : i32
      %dma_start3A_405 = arith.constant 0 : i32
      %dma_start3A_406 = tpu.memref_slice %arg3[%squeeze3A_403, %dma_start3A_404, %dma_start3A_405] : memref<768x224x224xf32, #tpu.memory_space<hbm>> -> memref<1x224x224xf32, #tpu.memory_space<hbm>>
      %dma_start3A_407 = arith.constant 0 : i32
      %dma_start3A_408 = arith.constant 0 : i32
      %dma_start3A_409 = tpu.memref_slice %arg3[%squeeze3A_403, %dma_start3A_407, %dma_start3A_408] : memref<768x224x224xf32, #tpu.memory_space<hbm>> -> memref<1x224x224xf32, #tpu.memory_space<hbm>>
      tpu.enqueue_dma source(%dma_start3A_409 : memref<1x224x224xf32, #tpu.memory_space<hbm>>) target(%arg9 : memref<1x224x224xf32, #tpu.memory_space<vmem>>) target_semaphore(%arg11 : memref<!tpu.dma_semaphore, #tpu.memory_space<semaphore_mem>>)
      %add3A_410 = arith.constant 22 : i32
      %add3A_411 = arith.addi %add3A_34, %add3A_410 : i32
      "tpu.region"() ({
        %run_scoped3A = tpu.sem_alloc : memref<!tpu.dma_semaphore, #tpu.memory_space<semaphore_mem>>
        %dma_start3A_420 = arith.constant 0 : i32
        %dma_start3A_421 = arith.constant 0 : i32
        %dma_start3A_422 = tpu.memref_slice %arg6[%add3A_411, %dma_start3A_420, %dma_start3A_421] : memref<768x224x224xf32, #tpu.memory_space<hbm>> -> memref<1x224x224xf32, #tpu.memory_space<hbm>>
        %dma_start3A_423 = arith.constant 0 : i32
        %dma_start3A_424 = arith.constant 0 : i32
        %dma_start3A_425 = tpu.memref_slice %arg6[%add3A_411, %dma_start3A_423, %dma_start3A_424] : memref<768x224x224xf32, #tpu.memory_space<hbm>> -> memref<1x224x224xf32, #tpu.memory_space<hbm>>
        tpu.enqueue_dma source(%arg8 : memref<1x224x224xf32, #tpu.memory_space<vmem>>) target(%dma_start3A_425 : memref<1x224x224xf32, #tpu.memory_space<hbm>>) target_semaphore(%run_scoped3A : memref<!tpu.dma_semaphore, #tpu.memory_space<semaphore_mem>>)
        %dma_wait3A_426 = arith.constant 0 : i32
        %dma_wait3A_427 = arith.constant 0 : i32
        %dma_wait3A_428 = tpu.memref_slice %arg6[%add3A_411, %dma_wait3A_426, %dma_wait3A_427] : memref<768x224x224xf32, #tpu.memory_space<hbm>> -> memref<1x224x224xf32, #tpu.memory_space<hbm>>
        %dma_wait3A_429 = arith.constant 0 : i32
        %dma_wait3A_430 = arith.constant 0 : i32
        %dma_wait3A_431 = tpu.memref_slice %arg6[%add3A_411, %dma_wait3A_429, %dma_wait3A_430] : memref<768x224x224xf32, #tpu.memory_space<hbm>> -> memref<1x224x224xf32, #tpu.memory_space<hbm>>
        tpu.wait_dma2 semaphore(%run_scoped3A : memref<!tpu.dma_semaphore, #tpu.memory_space<semaphore_mem>>) src(%arg8 : memref<1x224x224xf32, #tpu.memory_space<vmem>>) dst(%dma_wait3A_431 : memref<1x224x224xf32, #tpu.memory_space<hbm>>)
        tpu.yield
      }) : () -> ()
      %dma_wait3A_412 = arith.constant 0 : i32
      %dma_wait3A_413 = arith.constant 0 : i32
      %dma_wait3A_414 = tpu.memref_slice %arg3[%squeeze3A_403, %dma_wait3A_412, %dma_wait3A_413] : memref<768x224x224xf32, #tpu.memory_space<hbm>> -> memref<1x224x224xf32, #tpu.memory_space<hbm>>
      %dma_wait3A_415 = arith.constant 0 : i32
      %dma_wait3A_416 = arith.constant 0 : i32
      %dma_wait3A_417 = tpu.memref_slice %arg3[%squeeze3A_403, %dma_wait3A_415, %dma_wait3A_416] : memref<768x224x224xf32, #tpu.memory_space<hbm>> -> memref<1x224x224xf32, #tpu.memory_space<hbm>>
      tpu.wait_dma2 semaphore(%arg11 : memref<!tpu.dma_semaphore, #tpu.memory_space<semaphore_mem>>) src(%dma_wait3A_417 : memref<1x224x224xf32, #tpu.memory_space<hbm>>) dst(%arg9 : memref<1x224x224xf32, #tpu.memory_space<vmem>>)
      %add3A_418 = arith.constant 23 : i32
      %add3A_419 = arith.addi %add3A_34, %add3A_418 : i32
      "tpu.region"() ({
        %run_scoped3A = tpu.sem_alloc : memref<!tpu.dma_semaphore, #tpu.memory_space<semaphore_mem>>
        %dma_start3A_420 = arith.constant 0 : i32
        %dma_start3A_421 = arith.constant 0 : i32
        %dma_start3A_422 = tpu.memref_slice %arg6[%add3A_419, %dma_start3A_420, %dma_start3A_421] : memref<768x224x224xf32, #tpu.memory_space<hbm>> -> memref<1x224x224xf32, #tpu.memory_space<hbm>>
        %dma_start3A_423 = arith.constant 0 : i32
        %dma_start3A_424 = arith.constant 0 : i32
        %dma_start3A_425 = tpu.memref_slice %arg6[%add3A_419, %dma_start3A_423, %dma_start3A_424] : memref<768x224x224xf32, #tpu.memory_space<hbm>> -> memref<1x224x224xf32, #tpu.memory_space<hbm>>
        tpu.enqueue_dma source(%arg9 : memref<1x224x224xf32, #tpu.memory_space<vmem>>) target(%dma_start3A_425 : memref<1x224x224xf32, #tpu.memory_space<hbm>>) target_semaphore(%run_scoped3A : memref<!tpu.dma_semaphore, #tpu.memory_space<semaphore_mem>>)
        %dma_wait3A_426 = arith.constant 0 : i32
        %dma_wait3A_427 = arith.constant 0 : i32
        %dma_wait3A_428 = tpu.memref_slice %arg6[%add3A_419, %dma_wait3A_426, %dma_wait3A_427] : memref<768x224x224xf32, #tpu.memory_space<hbm>> -> memref<1x224x224xf32, #tpu.memory_space<hbm>>
        %dma_wait3A_429 = arith.constant 0 : i32
        %dma_wait3A_430 = arith.constant 0 : i32
        %dma_wait3A_431 = tpu.memref_slice %arg6[%add3A_419, %dma_wait3A_429, %dma_wait3A_430] : memref<768x224x224xf32, #tpu.memory_space<hbm>> -> memref<1x224x224xf32, #tpu.memory_space<hbm>>
        tpu.wait_dma2 semaphore(%run_scoped3A : memref<!tpu.dma_semaphore, #tpu.memory_space<semaphore_mem>>) src(%arg9 : memref<1x224x224xf32, #tpu.memory_space<vmem>>) dst(%dma_wait3A_431 : memref<1x224x224xf32, #tpu.memory_space<hbm>>)
        tpu.yield
      }) : () -> ()
    } else {
    }
    return
  }
}

module attributes {stable_mosaic.version = 14 : i64} {
  func.func @_topk_body(%arg0: memref<2x384xf32, #tpu.memory_space<vmem>>, %arg1: memref<2x384xf32, #tpu.memory_space<vmem>>, %arg2: memref<2x192xi32, #tpu.memory_space<vmem>>, %arg3: memref<2x192xi32, #tpu.memory_space<vmem>>) attributes {dimension_semantics = [], scalar_prefetch = 0 : i64, scratch_operands = 0 : i64, tpu.core_type = #tpu.core_type<tc>} {
    %iota3A = tpu.iota {dimensions = array<i32: 1>} : vector<2x384x384xi32>
    %iota3A_0 = tpu.iota {dimensions = array<i32: 2>} : vector<2x384x384xi32>
    %iota3A_1 = tpu.iota {dimensions = array<i32: 0>} : vector<2x192xi32>
    %mul3A = arith.constant 384 : i32
    %mul3A_2 = vector.broadcast %mul3A : i32 to vector<2x192xi32>
    %mul3A_3 = arith.muli %iota3A_1, %mul3A_2 : vector<2x192xi32>
    %get3A = arith.constant 0 : index
    %get3A_4 = arith.constant 0 : index
    %get3A_5 = vector.load %arg0[%get3A, %get3A_4] : memref<2x384xf32, #tpu.memory_space<vmem>>, vector<2x384xf32>
    %broadcast_in_dim3A = vector.shape_cast %get3A_5 : vector<2x384xf32> to vector<2x384x1xf32>
    %broadcast_in_dim3A_6 = vector.shape_cast %get3A_5 : vector<2x384xf32> to vector<2x1x384xf32>
    %gt3A = vector.broadcast %broadcast_in_dim3A_6 : vector<2x1x384xf32> to vector<2x384x384xf32>
    %gt3A_7 = vector.broadcast %broadcast_in_dim3A : vector<2x384x1xf32> to vector<2x384x384xf32>
    %gt3A_8 = arith.cmpf ogt, %gt3A, %gt3A_7 : vector<2x384x384xf32>
    %eq3A = vector.broadcast %broadcast_in_dim3A_6 : vector<2x1x384xf32> to vector<2x384x384xf32>
    %eq3A_9 = vector.broadcast %broadcast_in_dim3A : vector<2x384x1xf32> to vector<2x384x384xf32>
    %eq3A_10 = arith.cmpf oeq, %eq3A, %eq3A_9 : vector<2x384x384xf32>
    %lt3A = arith.cmpi slt, %iota3A_0, %iota3A : vector<2x384x384xi32>
    %and3A = arith.andi %eq3A_10, %lt3A : vector<2x384x384xi1>
    %or3A = arith.ori %gt3A_8, %and3A : vector<2x384x384xi1>
    %convert_element_type3A = arith.extui %or3A : vector<2x384x384xi1> to vector<2x384x384xi32>
    %reduce_sum3A = arith.constant dense<0> : vector<2x384xi32>
    %reduce_sum3A_11 = vector.multi_reduction <add>, %convert_element_type3A, %reduce_sum3A [2] : vector<2x384x384xi32> to vector<2x384xi32>
    %broadcast_in_dim3A_12 = vector.shape_cast %reduce_sum3A_11 : vector<2x384xi32> to vector<2x384x1xi32>
    %eq3A_13 = vector.broadcast %broadcast_in_dim3A_12 : vector<2x384x1xi32> to vector<2x384x384xi32>
    %eq3A_14 = arith.cmpi eq, %eq3A_13, %iota3A_0 : vector<2x384x384xi32>
    %jit3A = arith.constant 0 : i32
    %broadcast_in_dim3A_15 = vector.broadcast %jit3A : i32 to vector<2x384x384xi32>
    %select_n3A = arith.select %eq3A_14, %iota3A, %broadcast_in_dim3A_15 : vector<2x384x384xi1>, vector<2x384x384xi32>
    %reduce_sum3A_16 = arith.constant dense<0> : vector<2x384xi32>
    %reduce_sum3A_17 = vector.multi_reduction <add>, %select_n3A, %reduce_sum3A_16 [1] : vector<2x384x384xi32> to vector<2x384xi32>
    %slice3A = vector.extract_strided_slice %reduce_sum3A_17 {offsets = [0, 0], sizes = [2, 192], strides = [1, 1]} : vector<2x384xi32> to vector<2x192xi32>
    %add3A = arith.addi %slice3A, %mul3A_3 : vector<2x192xi32>
    %swap3A = arith.constant 0 : index
    %swap3A_18 = arith.constant 0 : index
    %swap3A_19 = vector.load %arg2[%swap3A, %swap3A_18] : memref<2x192xi32, #tpu.memory_space<vmem>>, vector<2x192xi32>
    tpu.vector_store %arg2[%swap3A, %swap3A_18], %add3A {strides = array<i32>} : memref<2x192xi32, #tpu.memory_space<vmem>>, vector<2x192xi32>,
    %get3A_20 = arith.constant 0 : index
    %get3A_21 = arith.constant 0 : index
    %get3A_22 = vector.load %arg1[%get3A_20, %get3A_21] : memref<2x384xf32, #tpu.memory_space<vmem>>, vector<2x384xf32>
    %broadcast_in_dim3A_23 = vector.shape_cast %get3A_22 : vector<2x384xf32> to vector<2x384x1xf32>
    %broadcast_in_dim3A_24 = vector.shape_cast %get3A_22 : vector<2x384xf32> to vector<2x1x384xf32>
    %gt3A_25 = vector.broadcast %broadcast_in_dim3A_24 : vector<2x1x384xf32> to vector<2x384x384xf32>
    %gt3A_26 = vector.broadcast %broadcast_in_dim3A_23 : vector<2x384x1xf32> to vector<2x384x384xf32>
    %gt3A_27 = arith.cmpf ogt, %gt3A_25, %gt3A_26 : vector<2x384x384xf32>
    %eq3A_28 = vector.broadcast %broadcast_in_dim3A_24 : vector<2x1x384xf32> to vector<2x384x384xf32>
    %eq3A_29 = vector.broadcast %broadcast_in_dim3A_23 : vector<2x384x1xf32> to vector<2x384x384xf32>
    %eq3A_30 = arith.cmpf oeq, %eq3A_28, %eq3A_29 : vector<2x384x384xf32>
    %lt3A_31 = arith.cmpi slt, %iota3A_0, %iota3A : vector<2x384x384xi32>
    %and3A_32 = arith.andi %eq3A_30, %lt3A_31 : vector<2x384x384xi1>
    %or3A_33 = arith.ori %gt3A_27, %and3A_32 : vector<2x384x384xi1>
    %convert_element_type3A_34 = arith.extui %or3A_33 : vector<2x384x384xi1> to vector<2x384x384xi32>
    %reduce_sum3A_35 = arith.constant dense<0> : vector<2x384xi32>
    %reduce_sum3A_36 = vector.multi_reduction <add>, %convert_element_type3A_34, %reduce_sum3A_35 [2] : vector<2x384x384xi32> to vector<2x384xi32>
    %broadcast_in_dim3A_37 = vector.shape_cast %reduce_sum3A_36 : vector<2x384xi32> to vector<2x384x1xi32>
    %eq3A_38 = vector.broadcast %broadcast_in_dim3A_37 : vector<2x384x1xi32> to vector<2x384x384xi32>
    %eq3A_39 = arith.cmpi eq, %eq3A_38, %iota3A_0 : vector<2x384x384xi32>
    %jit3A_40 = arith.constant 0 : i32
    %broadcast_in_dim3A_41 = vector.broadcast %jit3A_40 : i32 to vector<2x384x384xi32>
    %select_n3A_42 = arith.select %eq3A_39, %iota3A, %broadcast_in_dim3A_41 : vector<2x384x384xi1>, vector<2x384x384xi32>
    %reduce_sum3A_43 = arith.constant dense<0> : vector<2x384xi32>
    %reduce_sum3A_44 = vector.multi_reduction <add>, %select_n3A_42, %reduce_sum3A_43 [1] : vector<2x384x384xi32> to vector<2x384xi32>
    %slice3A_45 = vector.extract_strided_slice %reduce_sum3A_44 {offsets = [0, 0], sizes = [2, 192], strides = [1, 1]} : vector<2x384xi32> to vector<2x192xi32>
    %add3A_46 = arith.addi %slice3A_45, %mul3A_3 : vector<2x192xi32>
    %swap3A_47 = arith.constant 0 : index
    %swap3A_48 = arith.constant 0 : index
    %swap3A_49 = vector.load %arg3[%swap3A_47, %swap3A_48] : memref<2x192xi32, #tpu.memory_space<vmem>>, vector<2x192xi32>
    tpu.vector_store %arg3[%swap3A_47, %swap3A_48], %add3A_46 {strides = array<i32>} : memref<2x192xi32, #tpu.memory_space<vmem>>, vector<2x192xi32>,
    return
  }
}

</mosaic_0001>

<sc_bundles>
// kernel: kernel.4.cloned.1.call-start
scs
__scs_entry_jumppad:
0x0: {  	(pc) =	sbr.rel $0x88, $3  }
0x1: {  	(tag) =	ssettag $0x0;
	lr =	simm.s32 $0x1  }
0x2: {  	[smem:$0x3F9F] =	sst lr;
	_ =	strace $0xD0000000  }
0x3: {  	_ = 	snop  }
0x4: {  	_ = 	snop  }
0x5: {  	_ = 	snop  }
0x6: {  	_ = 	snop  }
0x7: {  	_ = 	snop  }
__scs_overlays_trampoline_lowered:
0x8: {  	[smem:$0x3FAE] =	sst s0  }
0x9: {  	[smem:$0x3FAF] =	sst s1  }
0xa: {  	[smem:$0x3FB0] =	sst s2  }
0xb: {  	[smem:$0x3FB1] =	sst s3  }
0xc: {  	[smem:$0x3FB2] =	sst s4  }
0xd: {  	[smem:$0x3FB3] =	sst s5  }
0xe: {  	[smem:$0x3FB4] =	sst s6  }
0xf: {  	[smem:$0x3FB5] =	sst s7  }
0x10: {  	[smem:$0x3FB6] =	sst s8  }
0x11: {  	[smem:$0x3FB7] =	sst s9;
	s0 =	simm.s32 @!p0 $0x0  }
0x12: {  	s1 =	sld [smem:$0x3F9D];
	s0 =	simm.s32 @p0 $0x1  }
0x13: {  	[smem:$0x3FB8] =	sst s0;
	s0 =	simm.s32 @!p1 $0x0  }
0x14: {  	s2 =	sld [smem:$0x3F9C];
	s0 =	simm.s32 @p1 $0x1  }
0x15: {  	[smem:$0x3FB9] =	sst s0;
	s0 =	simm.s32 @!p2 $0x0  }
0x16: {  	s3 =	sld [smem:$0x3FDB];
	s0 =	simm.s32 @p2 $0x1  }
0x17: {  	s4 =	simm.s32 $0x1BF5;
	[smem:$0x3FBB] =	sst s0  }
0x18: {  	s0 =	sld [smem:$0x3F9E];
	_ =	swait.ge [sflag:s4], $0x0  }
0x19: {  	s7 =	sld [smem:$0x3F9F]  }
0x1a: {  	s8 =	sadd.s32 $0xFFFFE003, lr  }
0x1b: {  	s9 =	sadd.s32 $0xFFFFFEF7, lr;
	s5 =	simm.s32 $0xFFFFFFFF;
	p2 =	slt.u32 s8, $0xFFFFF086  }
0x1c: {  	p1 =	slt.u32 s9, $0xF7A;
	s5 =	simm.s32 @!p2 $0x0  }
0x1d: {  	s5 =	simm.s32 @p1 $0x1;
	p0 =	seq.s32 s7, s2  }
0x1e: {  	s7 =	smul.u32 @!p0 $0xF7A, s2;
	p2 =	seq.s32 @!p0 s5, $0x0  }
0x1f: {  	s9 =	smul.u32 $0xF7A, s1;
	s8 =	simm.s32 @!p0 $0x1BF5;
	p2 =	por !p2, p0  }
0x20: {  	[sflag:s8] =	ssyncset.s32 @!p0 $0xFFFFF086;
	s6 =	sadd.s32 @!p0 s3, s7;
	s7 =	simm.s32 @!p0 $0x108  }
0x21: {  	s3 =	sadd.s32 s3, s9;
	s6 =	sadd.s32 @!p0 $0x88, s6;
	s7 =	simm.s32 @p2 $0x1082  }
0x22: {  	[simem:s7], [sflag:s8] =	dma.local @!p0 [hbm:s6], $0xF7A  }
0x23: {  	s9 =	sor.u32 $0xD0000000, s2;
	s6 =	simm.s32 $0x108;
	_ =	swait.ge @!p0 [sflag:s8], $0x0  }
0x24: {  	s3 =	sadd.s32 $0x88, s3;
	s6 =	simm.s32 @!p1 $0x1082;
	[sflag:s4] =	ssyncset.s32 $0xFFFFF086  }
0x25: {  	[simem:s6], [sflag:s4] =	dma.local [hbm:s3], $0xF7A  }
0x26: {  	[smem:$0x3F9F] =	sst s1;
	(tag) =	ssettag s2;
	_ =	strace s9  }
0x27: {  	s1 =	sld [smem:$0x3FAF]  }
0x28: {  	s2 =	sld [smem:$0x3FB0]  }
0x29: {  	s4 =	sld [smem:$0x3FB2]  }
0x2a: {  	p0 =	seq.s32 s5, $0x0;
	s5 =	sld [smem:$0x3FB3]  }
0x2b: {  	s6 =	sld [smem:$0x3FB4]  }
0x2c: {  	s7 =	sld [smem:$0x3FB5]  }
0x2d: {  	s3 =	simm.s32 $0x108;
	s8 =	sld [smem:$0x3FB6]  }
0x2e: {  	s3 =	simm.s32 @!p0 $0x1082;
	s9 =	sld [smem:$0x3FB7]  }
0x2f: {  	lr =	sadd.s32 s0, s3;
	s0 =	sld [smem:$0x3FAE]  }
0x30: {  	s3 =	sld [smem:$0x3FB1]  }
0x31: {  	[smem:$0x3FBA] =	sst s10  }
0x32: {  	s10 =	sld [smem:$0x3FB8];
	_ =	sdelay $0x3  }
0x33: {  	p0 =	seq.s32 s10, $0x1;
	s10 =	sld [smem:$0x3FBA];
	_ =	sdelay $0x3  }
0x34: {  	[smem:$0x3FBA] =	sst s10  }
0x35: {  	s10 =	sld [smem:$0x3FB9];
	_ =	sdelay $0x3  }
0x36: {  	p1 =	seq.s32 s10, $0x1;
	s10 =	sld [smem:$0x3FBA];
	_ =	sdelay $0x3  }
0x37: {  	[smem:$0x3FBA] =	sst s10  }
0x38: {  	s10 =	sld [smem:$0x3FBB]  }
0x39: {  	_ = 	snop;
	(pc) =	sbr.ind lr, $3  }
0x3a: {  	_ = 	snop  }
0x3b: {  	_ = 	snop  }
0x3c: {  	p2 =	seq.s32 s10, $0x1;
	s10 =	sld [smem:$0x3FBA]  }
0x3d: {  	_ =	shalt  }
0x3e: {  	_ =	shalt  }
0x3f: {  	_ =	shalt  }
0x40: {  	_ =	shalt  }
0x41: {  	_ =	shalt  }
0x42: {  	_ =	shalt  }
0x43: {  	_ =	shalt  }
0x44: {  	_ =	shalt  }
0x45: {  	_ =	shalt  }
0x46: {  	_ =	shalt  }
0x47: {  	_ =	shalt  }
0x48: {  	_ =	shalt  }
0x49: {  	_ =	shalt  }
0x4a: {  	_ =	shalt  }
0x4b: {  	_ =	shalt  }
0x4c: {  	_ =	shalt  }
0x4d: {  	_ =	shalt  }
0x4e: {  	_ =	shalt  }
0x4f: {  	_ =	shalt  }
0x50: {  	_ =	shalt  }
0x51: {  	_ =	shalt  }
0x52: {  	_ =	shalt  }
0x53: {  	_ =	shalt  }
0x54: {  	_ =	shalt  }
0x55: {  	_ =	shalt  }
0x56: {  	_ =	shalt  }
0x57: {  	_ =	shalt  }
0x58: {  	_ =	shalt  }
0x59: {  	_ =	shalt  }
0x5a: {  	_ =	shalt  }
0x5b: {  	_ =	shalt  }
0x5c: {  	_ =	shalt  }
0x5d: {  	_ =	shalt  }
0x5e: {  	_ =	shalt  }
0x5f: {  	_ =	shalt  }
0x60: {  	_ =	shalt  }
0x61: {  	_ =	shalt  }
0x62: {  	_ =	shalt  }
0x63: {  	_ =	shalt  }
0x64: {  	_ =	shalt  }
0x65: {  	_ =	shalt  }
0x66: {  	_ =	shalt  }
0x67: {  	_ =	shalt  }
0x68: {  	_ =	shalt  }
0x69: {  	_ =	shalt  }
0x6a: {  	_ =	shalt  }
0x6b: {  	_ =	shalt  }
0x6c: {  	_ =	shalt  }
0x6d: {  	_ =	shalt  }
0x6e: {  	_ =	shalt  }
0x6f: {  	_ =	shalt  }
0x70: {  	_ =	shalt  }
0x71: {  	_ =	shalt  }
0x72: {  	_ =	shalt  }
0x73: {  	_ =	shalt  }
0x74: {  	_ =	shalt  }
0x75: {  	_ =	shalt  }
0x76: {  	_ =	shalt  }
0x77: {  	_ =	shalt  }
0x78: {  	_ =	shalt  }
0x79: {  	_ =	shalt  }
0x7a: {  	_ =	shalt  }
0x7b: {  	_ =	shalt  }
0x7c: {  	_ =	shalt  }
0x7d: {  	_ =	shalt  }
0x7e: {  	_ =	shalt  }
0x7f: {  	_ =	shalt  }
0x80: {  	_ =	shalt  }
0x81: {  	_ =	shalt  }
0x82: {  	_ =	shalt  }
0x83: {  	_ =	shalt  }
0x84: {  	_ =	shalt  }
0x85: {  	_ =	shalt  }
0x86: {  	_ =	shalt  }
0x87: {  	_ =	shalt  }
.Lfunc_end0:
.L_simem_size_0:
called_computation.1_lowered:
.L_overlay_start_0:
0x88: {  	s2 =	sld [smem:$0x3FD9]  }
0x89: {  	s3 =	sld [smem:$0x3FFE];
	_ =	sdelay $0x1  }
0x8a: {  	s1 =	srdreg.scid  }
0x8b: {  	s0 =	sand.u32 $0x1, s1  }
0x8c: {  	s17 =	sshll.u32 s0, $0xA;
	s2 =	sadd.s32 s3, s2  }
0x8d: {  	s2 =	sadd.s32 s2, s17  }
0x8e: {  	[smem:$0x3FC6] =	sst s2  }
0x8f: {  	_ = 	snop  }
0x90: {  	s2 =	sld [smem:$0x3FD0];
	(tm) =	ssettm $0x1  }
0x91: {  	s18 =	sld [smem:$0x3FFB];
	_ =	sdelay $0x3  }
0x92: {  	_ =	strace s18  }
0x93: {  	s3 =	sld [smem:$0x3FFC];
	_ =	sdelay $0x3  }
0x94: {  	_ =	strace s3  }
0x95: {  	s3 =	sld [smem:$0x3FFD];
	_ =	sdelay $0x3  }
0x96: {  	_ =	strace s3  }
0x97: {  	_ =	strace $0x8FFFFFFF  }
0x98: {  	s19 =	sld [smem:$0x3FDB];
	_ =	sdelay $0x1  }
0x99: {  	s4 =	simm.s32 $_scs_section_size  }
0x9a: {  	s5 =	simm.s32 $_size__tile_overlayer_lowered;
	s6 =	simm.s32 $_tile_overlayer_lowered  }
0x9b: {  	s22 =	simm.s32 $0x1BFF;
	s21 =	sshll.u32 s6, $0x1;
	s3 =	sadd.s32 s4, s19  }
0x9c: {  	s7 =	simm.s32 $0x0;
	s20 =	sshll.u32 s5, $0x1;
	s5 =	sadd.s32 s21, s3  }
0x9d: {  	[timem:s7], [sflag:s22] =	dma.local [hbm:s5], s20  }
0x9e: {  	_ =	swait.ge [sflag:s22], s20  }
0x9f: {  	s4 =	ssub.s32 $0x0, s20;
	[sflag:s22] =	ssyncset.done $0x0  }
0xa0: {  	[sflag:s22] =	ssyncadd.s32 s4;
	_ =	sdelay $0x1  }
0xa1: {  	s23 =	simm.s32 $0x1B8B  }
0xa2: {  	_ =	swait.ge [sflag:s23], $0x1  }
0xa3: {  	[sflag:s23] =	ssyncset.done $0x0  }
0xa4: {  	s25 =	simm.s32 $0x1B8E;
	s24 =	sld [smem:$0x3FFE];
	[sflag:s23] =	ssyncadd.s32 $0xFFFFFFFF  }
0xa5: {  	s26 =	simm.s32 $execute0_lowered;
	[smem:$0x3FD2] =	sst s25  }
0xa6: {  	s5 =	sshll.u32 s26, $0x1;
	_ =	strace $0x80000046;
	[dreg:$0x1] =	wrdreg $0xFFFFFFFF  }
0xa7: {  	s28 =	simm.s32 $_size_execute0_lowered;
	s3 =	sadd.s32 s3, s5;
	[dreg:$0x0] =	wrdreg $0x0  }
0xa8: {  	s5 =	sshll.u32 s28, $0x1;
	[dreg:$0x2] =	wrdreg s3  }
0xa9: {  	[dreg:$0x3] =	wrdreg s5  }
0xaa: {  	[dreg:$0x4] =	wrdreg $0xC0  }
0xab: {  	_ =	task [dreg:s7], $0x5FFFF  }
0xac: {  	[dreg:$0x1] =	wrdreg $0xFFFFFFFF  }
0xad: {  	[dreg:$0x0] =	wrdreg $0x60  }
0xae: {  	[dreg:$0x2] =	wrdreg s24  }
0xaf: {  	[dreg:$0x3] =	wrdreg s2  }
0xb0: {  	[dreg:$0x4] =	wrdreg $0x9  }
0xb1: {  	_ =	task.clear_ibuf [dreg:s7], $0x5FFFF;
	_ =	strace $0x90000046  }
0xb2: {  	s29 =	simm.s32 $0x9;
	_ =	strace $0x80000048  }
0xb3: {  	_ =	swait.ge [sflag:s29], $0x1  }
0xb4: {  	[sflag:s29] =	ssyncadd.s32 $0xFFFFFFFF  }
0xb5: {  	_ =	strace $0x90000048  }
0xb6: {  	_ =	sfence  }
0xb7: {  	s30 =	sld [smem:$0x0];
	_ =	sdelay $0x2  }
0xb8: {  	s31 =	sshll.u32 s1, $0xD;
	s1 =	sshrl.u32 s1, $0x2  }
0xb9: {  	s3 =	sand.u32 $0x4000, s31;
	s1 =	sadd.s32 s1, s30  }
0xba: {  	s0 =	sor.u32 s3, s0;
	s1 =	sshll.u32 s1, $0x11  }
0xbb: {  	s0 =	sor.u32 s1, s0  }
0xbc: {  	s0 =	sadd.s32 $0x8F2B, s0  }
0xbd: {  	[sflag:s0] =	ssyncadd.remote.s32 $0x1  }
0xbe: {  	_ =	sfence.sel $0xFFFF  }
0xbf: {  	[dreg:$0x0] =	wrdreg $0xFFFFFFFF;
	(pc) =	sbr.abs _section_cstart, $3  }
0xc0: {  	[dreg:$0x1] =	wrdreg $0xFFFFFFFF  }
0xc1: {  	_ =	task.clear_ibuf [dreg:s7], $0x2FFFF;
	_ =	strace $0x9FFFFFFF  }
0xc2: {  	(tm) =	ssettm $0x7FFFFFFF  }
0xc3: {  	_ =	shalt  }
tec
execute0_lowered:
.L_overlay_start_1:
0x0: {  	(tag) =	ssettag $0x1  }
0x1: {  	s1 =	srdreg.scid;
	s0 =	stileid.u32  }
0x2: {  	s11 =	sand.u32 $0x1, s1;
	s23 =	sshll.u32 s0, $0x1  }
0x3: {  	s1 =	sor.u32 s11, s23  }
0x4: {  	s9 =	smul.u32 $0x18, s1;
	_ =	sdelay $0x1  }
0x5: {  	s3 =	sadd.s32 $0xFFFFFE80, s9  }
0x6: {  	s2 =	smul.u32 $0xAAAAAAAB, s3;
	_ =	sdelay $0x1  }
0x7: {  	s4 =	sshll.u32 s2, $0x1A;
	s2 =	sshrl.u32 s2, $0x6  }
0x8: {  	s2 =	sor.u32 s4, s2  }
0x9: {  	p0 =	seq.s32 s1, $0x10;
	p1 =	sgt.u32 s2, $0x1555555  }
0xa: {  	s24 =	smulhi.u32 $0xAAAAAAAB, s3;
	p0 =	por !p0, !p1  }
0xb: {  	s6 =	rddreg [dreg:$0x0];
	s2 =	simm.s32 $0x1;
	p0 =	por !p0, !p0  }
0xc: {  	s25 =	sshrl.u32 s0, $0x2;
	s1 =	sshrl.u32 s24, $0x7;
	s2 =	simm.s32 @!p0 $0x0  }
0xd: {  	s3 =	sshrl.u32 s3, $0x3;
	s1 =	ssub.s32 s1, s2;
	s2 =	smul.u32 $0xC0, s25  }
0xe: {  	s3 =	sadd.s32 s3, s6;
	s1 =	smul.u32 $0xC0, s1  }
0xf: {  	s5 =	rddreg [dreg:$0x1];
	s3 =	sadd.s32 $0xA80200, s3;
	p0 =	slt.u32 s0, $0x8  }
0x10: {  	s7 =	sadd.s32 s2, s9;
	s2 =	simm.s32 $0x0;
	s1 =	sadd.s32 s1, s9  }
0x11: {  	[smem:$0x7FF] =	sst s2;
	s9 =	sshrl.u32 s9, $0x3;
	s26 =	smul.u32 $0xE000, s1  }
0x12: {  	s7 =	smul.u32 $0xE000, s7;
	s1 =	rddreg [dreg:$0x2];
	s5 =	sadd.s32 s5, s9  }
0x13: {  	_ =	strace $0x80000047;
	s3 =	smov.u32 @p0 s5;
	s8 =	sadd.s32 $0xFF580000, s26  }
0x14: {  	[tilespmem:s2], [sflag:$0x3] =	stream.linear.gather [hbm4b:s3+s2], $0x18, $0x38;
	[tilespmem:$0x1C080] =	vst v63  }
0x15: {  	s8 =	smov.u32 @p0 s7  }
0x16: {  	s7 =	sadd.s32 $0xA80400, s6;
	s28 =	sshrl.u32 s8, $0x3;
	s10 =	sadd.s32 $0x1C000, s8  }
0x17: {  	s29 =	sadd.s32 $0x2A000, s8;
	s31 =	sadd.s32 $0x38000, s8;
	s13 =	sadd.s32 $0x46000, s8  }
0x18: {  	s16 =	sadd.s32 $0x54000, s8;
	s18 =	sadd.s32 $0x62000, s8;
	s19 =	sadd.s32 $0x70000, s8  }
0x19: {  	s23 =	sadd.s32 $0x7E000, s8;
	s25 =	sadd.s32 $0x8C000, s8;
	s26 =	sadd.s32 $0x9A000, s8  }
0x1a: {  	s4 =	sadd.s32 s7, s28;
	s10 =	sshrl.u32 s10, $0x3;
	s30 =	sshrl.u32 s29, $0x3  }
0x1b: {  	s14 =	sshrl.u32 s13, $0x3;
	s17 =	sshrl.u32 s16, $0x3;
	s21 =	sshrl.u32 s19, $0x3  }
0x1c: {  	s24 =	sshrl.u32 s23, $0x3;
	s29 =	sshrl.u32 s26, $0x3;
	s12 =	sadd.s32 $0x1C00, s4  }
0x1d: {  	s13 =	sadd.s32 $0xB6000, s8;
	s10 =	sadd.s32 s7, s10;
	[dreg:$0x3] =	wrdreg s12  }
0x1e: {  	s15 =	sadd.s32 s7, s14;
	s22 =	sadd.s32 s7, s21;
	[dreg:$0x4] =	wrdreg s10  }
0x1f: {  	s14 =	sadd.s32 $0xC4000, s8;
	s21 =	sadd.s32 $0xEE000, s8;
	[dreg:$0x7] =	wrdreg s15  }
0x20: {  	s10 =	sadd.s32 s7, s30;
	s12 =	sshrl.u32 s31, $0x3;
	[dreg:$0xa] =	wrdreg s22  }
0x21: {  	s30 =	sadd.s32 s7, s29;
	s31 =	sadd.s32 $0xA8000, s8;
	[dreg:$0x5] =	wrdreg s10  }
0x22: {  	s16 =	sshrl.u32 s14, $0x3;
	s12 =	sadd.s32 s7, s12;
	[dreg:$0xd] =	wrdreg s30  }
0x23: {  	s23 =	sshrl.u32 s21, $0x3;
	s10 =	sadd.s32 s7, s17;
	[dreg:$0x6] =	wrdreg s12  }
0x24: {  	s29 =	sadd.s32 $0x118000, s8;
	s17 =	sadd.s32 s7, s16;
	[dreg:$0x8] =	wrdreg s10  }
0x25: {  	s12 =	sshrl.u32 s18, $0x3;
	s10 =	sadd.s32 s7, s24;
	[dreg:$0x10] =	wrdreg s17  }
0x26: {  	s18 =	sadd.s32 $0xD2000, s8;
	s24 =	sadd.s32 s7, s23;
	[dreg:$0xb] =	wrdreg s10  }
0x27: {  	s20 =	sadd.s32 s7, s12;
	s12 =	sshrl.u32 s25, $0x3;
	[dreg:$0x13] =	wrdreg s24  }
0x28: {  	s19 =	sshrl.u32 s18, $0x3;
	s25 =	sadd.s32 $0xFC000, s8;
	[dreg:$0x9] =	wrdreg s20  }
0x29: {  	s28 =	sadd.s32 s7, s12;
	s12 =	sshrl.u32 s31, $0x3;
	s20 =	sadd.s32 $0xE0000, s8  }
0x2a: {  	s26 =	sshrl.u32 s25, $0x3;
	s31 =	sshrl.u32 s29, $0x3;
	[dreg:$0xc] =	wrdreg s28  }
0x2b: {  	s10 =	sadd.s32 s7, s12;
	s12 =	sshrl.u32 s13, $0x3;
	s28 =	sadd.s32 $0x10A000, s8  }
0x2c: {  	s13 =	sadd.s32 $0x126000, s8;
	[dreg:$0xe] =	wrdreg s10;
	s15 =	sadd.s32 s7, s12  }
0x2d: {  	s10 =	sadd.s32 s7, s19;
	s12 =	sshrl.u32 s20, $0x3;
	[dreg:$0xf] =	wrdreg s15  }
0x2e: {  	s14 =	sshrl.u32 s13, $0x3;
	[dreg:$0x11] =	wrdreg s10;
	s22 =	sadd.s32 s7, s12  }
0x2f: {  	s10 =	sadd.s32 s7, s26;
	s12 =	sshrl.u32 s28, $0x3;
	[dreg:$0x12] =	wrdreg s22  }
0x30: {  	s15 =	sadd.s32 $0x134000, s8;
	[dreg:$0x14] =	wrdreg s10;
	s30 =	sadd.s32 s7, s12  }
0x31: {  	s8 =	sadd.s32 $0x142000, s8;
	s12 =	sadd.s32 s7, s31;
	[dreg:$0x15] =	wrdreg s30  }
0x32: {  	s10 =	sadd.s32 s7, s14;
	[dreg:$0x16] =	wrdreg s12;
	s12 =	sshrl.u32 s15, $0x3  }
0x33: {  	s8 =	sshrl.u32 s8, $0x3;
	[dreg:$0x17] =	wrdreg s10;
	s16 =	sadd.s32 s7, s12  }
0x34: {  	s7 =	sadd.s32 s7, s8;
	[dreg:$0x18] =	wrdreg s16  }
0x35: {  	s5 =	simm.s32 $0x3;
	[dreg:$0x19] =	wrdreg s7  }
0x36: {  	_ =	swait.ge [sflag:s5], $0x18  }
0x37: {  	[sflag:s5] =	ssyncset.done $0x0  }
0x38: {  	[sflag:s5] =	ssyncadd.s32 $0xFFFFFFE8  }
0x39: {  	v0 =	vld [tilespmem:$0x0];
	_ =	sdelay $0x4  }
0x3a: {  	v0 =	vmul.u32 $0xE000, v0  }
0x3b: {  	s7 =	sadd.s32 $0x200, s6;
	s6 =	sadd.s32 $0x540200, s6  }
0x3c: {  	s6 =	smov.u32 @p0 s7;
	v0 =	vshrl.u32 v0, $0x3  }
0x3d: {  	v0 =	vadd.s32 s6, v0  }
0x3e: {  	(v2sf) =	vpush v0, $0x0;
	_ =	sdelay $0x3  }
0x3f: {  	(v2sf) =	vpush v0, $0x1;
	_ =	sdelay $0x8  }
0x40: {  	(v2sf) =	vpush v0, $0x2;
	_ =	sdelay $0x1  }
0x41: {  	s8 =	simm.s32 $0x80;
	s7 =	simm.s32 $0x1;
	s17 =	spop (v2sf)  }
0x42: {  	v1 =	vld [tilespmem:$0x8];
	[tilespmem:s8], [sflag:$0x1] =	stream.linear.gather [hbm4b:s17+s2], $0xE000, $0x38  }
0x43: {  	_ =	swait.ge [sflag:s7], $0xE000  }
0x44: {  	[sflag:s7] =	ssyncset.done $0x0  }
0x45: {  	s9 =	simm.s32 $0xE080;
	s18 =	spop (v2sf);
	[sflag:s7] =	ssyncadd.s32 $0xFFFF2000  }
0x46: {  	[tilespmem:s9], [sflag:$0x2] =	stream.linear.gather [hbm4b:s18+s2], $0xE000, $0x38;
	[tilespmem:$0x1C080] =	vst v63  }
0x47: {  	_ = 	snop  }
0x48: {  	(v2sf) =	vpush v0, $0x3;
	[hbm4b:s4+s2] =	stream.linear.scatter [tilespmem:s8], [sflag:$0x3], $0xE000, $0x38;
	[tilespmem:$0x1C080] =	vst v63  }
0x49: {  	_ =	swait.ge [sflag:s5], $0xE000  }
0x4a: {  	[sflag:s5] =	ssyncset.done $0x0  }
0x4b: {  	s10 =	simm.s32 $0x2;
	[sflag:s5] =	ssyncadd.s32 $0xFFFF2000  }
0x4c: {  	_ =	swait.ge [sflag:s10], $0xE000  }
0x4d: {  	[sflag:s10] =	ssyncset.done $0x0  }
0x4e: {  	s20 =	spop (v2sf);
	[sflag:s10] =	ssyncadd.s32 $0xFFFF2000  }
0x4f: {  	[tilespmem:s8], [sflag:$0x1] =	stream.linear.gather [hbm4b:s20+s2], $0xE000, $0x38;
	[tilespmem:$0x1C080] =	vst v63  }
0x50: {  	s19 =	rddreg [dreg:$0x3]  }
0x51: {  	(v2sf) =	vpush v0, $0x4;
	[hbm4b:s19+s2] =	stream.linear.scatter [tilespmem:s9], [sflag:$0x3], $0xE000, $0x38;
	[tilespmem:$0x1C080] =	vst v63  }
0x52: {  	_ =	swait.ge [sflag:s5], $0xE000  }
0x53: {  	[sflag:s5] =	ssyncset.done $0x0  }
0x54: {  	[sflag:s5] =	ssyncadd.s32 $0xFFFF2000  }
0x55: {  	_ =	swait.ge [sflag:s7], $0xE000  }
0x56: {  	[sflag:s7] =	ssyncset.done $0x0  }
0x57: {  	s22 =	spop (v2sf);
	[sflag:s7] =	ssyncadd.s32 $0xFFFF2000  }
0x58: {  	[tilespmem:s9], [sflag:$0x2] =	stream.linear.gather [hbm4b:s22+s2], $0xE000, $0x38;
	[tilespmem:$0x1C080] =	vst v63  }
0x59: {  	s21 =	rddreg [dreg:$0x4]  }
0x5a: {  	(v2sf) =	vpush v0, $0x5;
	[hbm4b:s21+s2] =	stream.linear.scatter [tilespmem:s8], [sflag:$0x3], $0xE000, $0x38;
	[tilespmem:$0x1C080] =	vst v63  }
0x5b: {  	_ =	swait.ge [sflag:s5], $0xE000  }
0x5c: {  	[sflag:s5] =	ssyncset.done $0x0  }
0x5d: {  	[sflag:s5] =	ssyncadd.s32 $0xFFFF2000  }
0x5e: {  	_ =	swait.ge [sflag:s10], $0xE000  }
0x5f: {  	[sflag:s10] =	ssyncset.done $0x0  }
0x60: {  	s24 =	spop (v2sf);
	[sflag:s10] =	ssyncadd.s32 $0xFFFF2000  }
0x61: {  	[tilespmem:s8], [sflag:$0x1] =	stream.linear.gather [hbm4b:s24+s2], $0xE000, $0x38;
	[tilespmem:$0x1C080] =	vst v63  }
0x62: {  	s23 =	rddreg [dreg:$0x5]  }
0x63: {  	(v2sf) =	vpush v0, $0x6;
	[hbm4b:s23+s2] =	stream.linear.scatter [tilespmem:s9], [sflag:$0x3], $0xE000, $0x38;
	[tilespmem:$0x1C080] =	vst v63  }
0x64: {  	_ =	swait.ge [sflag:s5], $0xE000  }
0x65: {  	[sflag:s5] =	ssyncset.done $0x0  }
0x66: {  	[sflag:s5] =	ssyncadd.s32 $0xFFFF2000  }
0x67: {  	_ =	swait.ge [sflag:s7], $0xE000  }
0x68: {  	[sflag:s7] =	ssyncset.done $0x0  }
0x69: {  	s26 =	spop (v2sf);
	[sflag:s7] =	ssyncadd.s32 $0xFFFF2000  }
0x6a: {  	[tilespmem:s9], [sflag:$0x2] =	stream.linear.gather [hbm4b:s26+s2], $0xE000, $0x38;
	[tilespmem:$0x1C080] =	vst v63  }
0x6b: {  	s25 =	rddreg [dreg:$0x6]  }
0x6c: {  	(v2sf) =	vpush v0, $0x7;
	[hbm4b:s25+s2] =	stream.linear.scatter [tilespmem:s8], [sflag:$0x3], $0xE000, $0x38;
	[tilespmem:$0x1C080] =	vst v63  }
0x6d: {  	_ =	swait.ge [sflag:s5], $0xE000  }
0x6e: {  	[sflag:s5] =	ssyncset.done $0x0  }
0x6f: {  	[sflag:s5] =	ssyncadd.s32 $0xFFFF2000  }
0x70: {  	_ =	swait.ge [sflag:s10], $0xE000  }
0x71: {  	[sflag:s10] =	ssyncset.done $0x0  }
0x72: {  	s29 =	spop (v2sf);
	[sflag:s10] =	ssyncadd.s32 $0xFFFF2000  }
0x73: {  	[tilespmem:s8], [sflag:$0x1] =	stream.linear.gather [hbm4b:s29+s2], $0xE000, $0x38;
	[tilespmem:$0x1C080] =	vst v63  }
0x74: {  	s28 =	rddreg [dreg:$0x7]  }
0x75: {  	(v2sf) =	vpush v0, $0x8;
	[hbm4b:s28+s2] =	stream.linear.scatter [tilespmem:s9], [sflag:$0x3], $0xE000, $0x38;
	[tilespmem:$0x1C080] =	vst v63  }
0x76: {  	_ =	swait.ge [sflag:s5], $0xE000  }
0x77: {  	[sflag:s5] =	ssyncset.done $0x0  }
0x78: {  	[sflag:s5] =	ssyncadd.s32 $0xFFFF2000  }
0x79: {  	_ =	swait.ge [sflag:s7], $0xE000  }
0x7a: {  	[sflag:s7] =	ssyncset.done $0x0  }
0x7b: {  	s31 =	spop (v2sf);
	[sflag:s7] =	ssyncadd.s32 $0xFFFF2000  }
0x7c: {  	[tilespmem:s9], [sflag:$0x2] =	stream.linear.gather [hbm4b:s31+s2], $0xE000, $0x38;
	[tilespmem:$0x1C080] =	vst v63  }
0x7d: {  	s30 =	rddreg [dreg:$0x8]  }
0x7e: {  	(v2sf) =	vpush v0, $0x9;
	[hbm4b:s30+s2] =	stream.linear.scatter [tilespmem:s8], [sflag:$0x3], $0xE000, $0x38;
	[tilespmem:$0x1C080] =	vst v63  }
0x7f: {  	_ =	swait.ge [sflag:s5], $0xE000  }
0x80: {  	[sflag:s5] =	ssyncset.done $0x0  }
0x81: {  	[sflag:s5] =	ssyncadd.s32 $0xFFFF2000  }
0x82: {  	_ =	swait.ge [sflag:s10], $0xE000  }
0x83: {  	[sflag:s10] =	ssyncset.done $0x0  }
0x84: {  	s15 =	spop (v2sf);
	[sflag:s10] =	ssyncadd.s32 $0xFFFF2000  }
0x85: {  	[tilespmem:s8], [sflag:$0x1] =	stream.linear.gather [hbm4b:s15+s2], $0xE000, $0x38;
	[tilespmem:$0x1C080] =	vst v63  }
0x86: {  	s14 =	rddreg [dreg:$0x9]  }
0x87: {  	(v2sf) =	vpush v0, $0xA;
	[hbm4b:s14+s2] =	stream.linear.scatter [tilespmem:s9], [sflag:$0x3], $0xE000, $0x38;
	[tilespmem:$0x1C080] =	vst v63  }
0x88: {  	_ =	swait.ge [sflag:s5], $0xE000  }
0x89: {  	[sflag:s5] =	ssyncset.done $0x0  }
0x8a: {  	[sflag:s5] =	ssyncadd.s32 $0xFFFF2000  }
0x8b: {  	_ =	swait.ge [sflag:s7], $0xE000  }
0x8c: {  	[sflag:s7] =	ssyncset.done $0x0  }
0x8d: {  	s17 =	spop (v2sf);
	[sflag:s7] =	ssyncadd.s32 $0xFFFF2000  }
0x8e: {  	[tilespmem:s9], [sflag:$0x2] =	stream.linear.gather [hbm4b:s17+s2], $0xE000, $0x38;
	[tilespmem:$0x1C080] =	vst v63  }
0x8f: {  	s16 =	rddreg [dreg:$0xa]  }
0x90: {  	(v2sf) =	vpush v0, $0xB;
	[hbm4b:s16+s2] =	stream.linear.scatter [tilespmem:s8], [sflag:$0x3], $0xE000, $0x38;
	[tilespmem:$0x1C080] =	vst v63  }
0x91: {  	_ =	swait.ge [sflag:s5], $0xE000  }
0x92: {  	[sflag:s5] =	ssyncset.done $0x0  }
0x93: {  	[sflag:s5] =	ssyncadd.s32 $0xFFFF2000  }
0x94: {  	_ =	swait.ge [sflag:s10], $0xE000  }
0x95: {  	[sflag:s10] =	ssyncset.done $0x0  }
0x96: {  	s19 =	spop (v2sf);
	[sflag:s10] =	ssyncadd.s32 $0xFFFF2000  }
0x97: {  	[tilespmem:s8], [sflag:$0x1] =	stream.linear.gather [hbm4b:s19+s2], $0xE000, $0x38;
	[tilespmem:$0x1C080] =	vst v63  }
0x98: {  	s18 =	rddreg [dreg:$0xb]  }
0x99: {  	(v2sf) =	vpush v0, $0xC;
	[hbm4b:s18+s2] =	stream.linear.scatter [tilespmem:s9], [sflag:$0x3], $0xE000, $0x38;
	[tilespmem:$0x1C080] =	vst v63  }
0x9a: {  	_ =	swait.ge [sflag:s5], $0xE000  }
0x9b: {  	[sflag:s5] =	ssyncset.done $0x0  }
0x9c: {  	[sflag:s5] =	ssyncadd.s32 $0xFFFF2000  }
0x9d: {  	_ =	swait.ge [sflag:s7], $0xE000  }
0x9e: {  	[sflag:s7] =	ssyncset.done $0x0  }
0x9f: {  	s21 =	spop (v2sf);
	[sflag:s7] =	ssyncadd.s32 $0xFFFF2000  }
0xa0: {  	[tilespmem:s9], [sflag:$0x2] =	stream.linear.gather [hbm4b:s21+s2], $0xE000, $0x38;
	[tilespmem:$0x1C080] =	vst v63  }
0xa1: {  	s20 =	rddreg [dreg:$0xc]  }
0xa2: {  	(v2sf) =	vpush v0, $0xD;
	[hbm4b:s20+s2] =	stream.linear.scatter [tilespmem:s8], [sflag:$0x3], $0xE000, $0x38;
	[tilespmem:$0x1C080] =	vst v63  }
0xa3: {  	_ =	swait.ge [sflag:s5], $0xE000  }
0xa4: {  	[sflag:s5] =	ssyncset.done $0x0  }
0xa5: {  	[sflag:s5] =	ssyncadd.s32 $0xFFFF2000  }
0xa6: {  	_ =	swait.ge [sflag:s10], $0xE000  }
0xa7: {  	[sflag:s10] =	ssyncset.done $0x0  }
0xa8: {  	s23 =	spop (v2sf);
	[sflag:s10] =	ssyncadd.s32 $0xFFFF2000  }
0xa9: {  	[tilespmem:s8], [sflag:$0x1] =	stream.linear.gather [hbm4b:s23+s2], $0xE000, $0x38;
	[tilespmem:$0x1C080] =	vst v63  }
0xaa: {  	s22 =	rddreg [dreg:$0xd]  }
0xab: {  	(v2sf) =	vpush v0, $0xE;
	[hbm4b:s22+s2] =	stream.linear.scatter [tilespmem:s9], [sflag:$0x3], $0xE000, $0x38;
	[tilespmem:$0x1C080] =	vst v63  }
0xac: {  	_ =	swait.ge [sflag:s5], $0xE000  }
0xad: {  	[sflag:s5] =	ssyncset.done $0x0  }
0xae: {  	[sflag:s5] =	ssyncadd.s32 $0xFFFF2000  }
0xaf: {  	_ =	swait.ge [sflag:s7], $0xE000  }
0xb0: {  	[sflag:s7] =	ssyncset.done $0x0  }
0xb1: {  	s25 =	spop (v2sf);
	[sflag:s7] =	ssyncadd.s32 $0xFFFF2000  }
0xb2: {  	[tilespmem:s9], [sflag:$0x2] =	stream.linear.gather [hbm4b:s25+s2], $0xE000, $0x38;
	[tilespmem:$0x1C080] =	vst v63  }
0xb3: {  	s24 =	rddreg [dreg:$0xe]  }
0xb4: {  	(v2sf) =	vpush v0, $0xF;
	[hbm4b:s24+s2] =	stream.linear.scatter [tilespmem:s8], [sflag:$0x3], $0xE000, $0x38;
	[tilespmem:$0x1C080] =	vst v63  }
0xb5: {  	_ =	swait.ge [sflag:s5], $0xE000  }
0xb6: {  	[sflag:s5] =	ssyncset.done $0x0  }
0xb7: {  	[sflag:s5] =	ssyncadd.s32 $0xFFFF2000  }
0xb8: {  	_ =	swait.ge [sflag:s10], $0xE000  }
0xb9: {  	v63 =	vmul.u32 $0xE000, v1;
	[sflag:s10] =	ssyncset.done $0x0  }
0xba: {  	s28 =	spop (v2sf);
	[sflag:s10] =	ssyncadd.s32 $0xFFFF2000  }
0xbb: {  	v0 =	vshrl.u32 v63, $0x3;
	[tilespmem:s8], [sflag:$0x1] =	stream.linear.gather [hbm4b:s28+s2], $0xE000, $0x38;
	[tilespmem:$0x1C080] =	vst v63  }
0xbc: {  	v0 =	vadd.s32 s6, v0;
	s26 =	rddreg [dreg:$0xf]  }
0xbd: {  	(v2sf) =	vpush v0, $0x8;
	[hbm4b:s26+s2] =	stream.linear.scatter [tilespmem:s9], [sflag:$0x3], $0xE000, $0x38;
	[tilespmem:$0x1C080] =	vst v63  }
0xbe: {  	_ =	swait.ge [sflag:s5], $0xE000  }
0xbf: {  	[sflag:s5] =	ssyncset.done $0x0  }
0xc0: {  	[sflag:s5] =	ssyncadd.s32 $0xFFFF2000  }
0xc1: {  	_ =	swait.ge [sflag:s7], $0xE000  }
0xc2: {  	[sflag:s7] =	ssyncset.done $0x0  }
0xc3: {  	s30 =	spop (v2sf);
	[sflag:s7] =	ssyncadd.s32 $0xFFFF2000  }
0xc4: {  	[tilespmem:s9], [sflag:$0x2] =	stream.linear.gather [hbm4b:s30+s2], $0xE000, $0x38;
	[tilespmem:$0x1C080] =	vst v63  }
0xc5: {  	s29 =	rddreg [dreg:$0x10]  }
0xc6: {  	(v2sf) =	vpush v0, $0x9;
	[hbm4b:s29+s2] =	stream.linear.scatter [tilespmem:s8], [sflag:$0x3], $0xE000, $0x38;
	[tilespmem:$0x1C080] =	vst v63  }
0xc7: {  	_ =	swait.ge [sflag:s5], $0xE000  }
0xc8: {  	[sflag:s5] =	ssyncset.done $0x0  }
0xc9: {  	[sflag:s5] =	ssyncadd.s32 $0xFFFF2000  }
0xca: {  	_ =	swait.ge [sflag:s10], $0xE000  }
0xcb: {  	[sflag:s10] =	ssyncset.done $0x0  }
0xcc: {  	s14 =	spop (v2sf);
	[sflag:s10] =	ssyncadd.s32 $0xFFFF2000  }
0xcd: {  	[tilespmem:s8], [sflag:$0x1] =	stream.linear.gather [hbm4b:s14+s2], $0xE000, $0x38;
	[tilespmem:$0x1C080] =	vst v63  }
0xce: {  	s31 =	rddreg [dreg:$0x11]  }
0xcf: {  	(v2sf) =	vpush v0, $0xA;
	[hbm4b:s31+s2] =	stream.linear.scatter [tilespmem:s9], [sflag:$0x3], $0xE000, $0x38;
	[tilespmem:$0x1C080] =	vst v63  }
0xd0: {  	_ =	swait.ge [sflag:s5], $0xE000  }
0xd1: {  	[sflag:s5] =	ssyncset.done $0x0  }
0xd2: {  	[sflag:s5] =	ssyncadd.s32 $0xFFFF2000  }
0xd3: {  	_ =	swait.ge [sflag:s7], $0xE000  }
0xd4: {  	[sflag:s7] =	ssyncset.done $0x0  }
0xd5: {  	s16 =	spop (v2sf);
	[sflag:s7] =	ssyncadd.s32 $0xFFFF2000  }
0xd6: {  	[tilespmem:s9], [sflag:$0x2] =	stream.linear.gather [hbm4b:s16+s2], $0xE000, $0x38;
	[tilespmem:$0x1C080] =	vst v63  }
0xd7: {  	s15 =	rddreg [dreg:$0x12]  }
0xd8: {  	(v2sf) =	vpush v0, $0xB;
	[hbm4b:s15+s2] =	stream.linear.scatter [tilespmem:s8], [sflag:$0x3], $0xE000, $0x38;
	[tilespmem:$0x1C080] =	vst v63  }
0xd9: {  	_ =	swait.ge [sflag:s5], $0xE000  }
0xda: {  	[sflag:s5] =	ssyncset.done $0x0  }
0xdb: {  	[sflag:s5] =	ssyncadd.s32 $0xFFFF2000  }
0xdc: {  	_ =	swait.ge [sflag:s10], $0xE000  }
0xdd: {  	[sflag:s10] =	ssyncset.done $0x0  }
0xde: {  	s18 =	spop (v2sf);
	[sflag:s10] =	ssyncadd.s32 $0xFFFF2000  }
0xdf: {  	[tilespmem:s8], [sflag:$0x1] =	stream.linear.gather [hbm4b:s18+s2], $0xE000, $0x38;
	[tilespmem:$0x1C080] =	vst v63  }
0xe0: {  	s17 =	rddreg [dreg:$0x13]  }
0xe1: {  	(v2sf) =	vpush v0, $0xC;
	[hbm4b:s17+s2] =	stream.linear.scatter [tilespmem:s9], [sflag:$0x3], $0xE000, $0x38;
	[tilespmem:$0x1C080] =	vst v63  }
0xe2: {  	_ =	swait.ge [sflag:s5], $0xE000  }
0xe3: {  	[sflag:s5] =	ssyncset.done $0x0  }
0xe4: {  	[sflag:s5] =	ssyncadd.s32 $0xFFFF2000  }
0xe5: {  	_ =	swait.ge [sflag:s7], $0xE000  }
0xe6: {  	[sflag:s7] =	ssyncset.done $0x0  }
0xe7: {  	s20 =	spop (v2sf);
	[sflag:s7] =	ssyncadd.s32 $0xFFFF2000  }
0xe8: {  	[tilespmem:s9], [sflag:$0x2] =	stream.linear.gather [hbm4b:s20+s2], $0xE000, $0x38;
	[tilespmem:$0x1C080] =	vst v63  }
0xe9: {  	s19 =	rddreg [dreg:$0x14]  }
0xea: {  	(v2sf) =	vpush v0, $0xD;
	[hbm4b:s19+s2] =	stream.linear.scatter [tilespmem:s8], [sflag:$0x3], $0xE000, $0x38;
	[tilespmem:$0x1C080] =	vst v63  }
0xeb: {  	_ =	swait.ge [sflag:s5], $0xE000  }
0xec: {  	[sflag:s5] =	ssyncset.done $0x0  }
0xed: {  	[sflag:s5] =	ssyncadd.s32 $0xFFFF2000  }
0xee: {  	_ =	swait.ge [sflag:s10], $0xE000  }
0xef: {  	[sflag:s10] =	ssyncset.done $0x0  }
0xf0: {  	s22 =	spop (v2sf);
	[sflag:s10] =	ssyncadd.s32 $0xFFFF2000  }
0xf1: {  	[tilespmem:s8], [sflag:$0x1] =	stream.linear.gather [hbm4b:s22+s2], $0xE000, $0x38;
	[tilespmem:$0x1C080] =	vst v63  }
0xf2: {  	s21 =	rddreg [dreg:$0x15]  }
0xf3: {  	(v2sf) =	vpush v0, $0xE;
	[hbm4b:s21+s2] =	stream.linear.scatter [tilespmem:s9], [sflag:$0x3], $0xE000, $0x38;
	[tilespmem:$0x1C080] =	vst v63  }
0xf4: {  	_ =	swait.ge [sflag:s5], $0xE000  }
0xf5: {  	[sflag:s5] =	ssyncset.done $0x0  }
0xf6: {  	[sflag:s5] =	ssyncadd.s32 $0xFFFF2000  }
0xf7: {  	_ =	swait.ge [sflag:s7], $0xE000  }
0xf8: {  	[sflag:s7] =	ssyncset.done $0x0  }
0xf9: {  	s24 =	spop (v2sf);
	[sflag:s7] =	ssyncadd.s32 $0xFFFF2000  }
0xfa: {  	[tilespmem:s9], [sflag:$0x2] =	stream.linear.gather [hbm4b:s24+s2], $0xE000, $0x38;
	[tilespmem:$0x1C080] =	vst v63  }
0xfb: {  	s23 =	rddreg [dreg:$0x16]  }
0xfc: {  	(v2sf) =	vpush v0, $0xF;
	[hbm4b:s23+s2] =	stream.linear.scatter [tilespmem:s8], [sflag:$0x3], $0xE000, $0x38;
	[tilespmem:$0x1C080] =	vst v63  }
0xfd: {  	_ =	swait.ge [sflag:s5], $0xE000  }
0xfe: {  	[sflag:s5] =	ssyncset.done $0x0  }
0xff: {  	[sflag:s5] =	ssyncadd.s32 $0xFFFF2000  }
0x100: {  	_ =	swait.ge [sflag:s10], $0xE000  }
0x101: {  	[sflag:s10] =	ssyncset.done $0x0  }
0x102: {  	s26 =	spop (v2sf);
	[sflag:s10] =	ssyncadd.s32 $0xFFFF2000  }
0x103: {  	[tilespmem:s8], [sflag:$0x1] =	stream.linear.gather [hbm4b:s26+s2], $0xE000, $0x38;
	[tilespmem:$0x1C080] =	vst v63  }
0x104: {  	s25 =	rddreg [dreg:$0x17]  }
0x105: {  	[hbm4b:s25+s2] =	stream.linear.scatter [tilespmem:s9], [sflag:$0x3], $0xE000, $0x38;
	[tilespmem:$0x1C080] =	vst v63  }
0x106: {  	_ =	swait.ge [sflag:s5], $0xE000  }
0x107: {  	[sflag:s5] =	ssyncset.done $0x0  }
0x108: {  	[sflag:s5] =	ssyncadd.s32 $0xFFFF2000  }
0x109: {  	_ =	swait.ge [sflag:s7], $0xE000  }
0x10a: {  	[sflag:s7] =	ssyncset.done $0x0  }
0x10b: {  	s29 =	spop (v2sf);
	[sflag:s7] =	ssyncadd.s32 $0xFFFF2000  }
0x10c: {  	[tilespmem:s9], [sflag:$0x2] =	stream.linear.gather [hbm4b:s29+s2], $0xE000, $0x38;
	[tilespmem:$0x1C080] =	vst v63  }
0x10d: {  	s11 =	ssub.s32 $0x2, s11;
	s28 =	rddreg [dreg:$0x18]  }
0x10e: {  	[hbm4b:s28+s2] =	stream.linear.scatter [tilespmem:s8], [sflag:$0x3], $0xE000, $0x38;
	[tilespmem:$0x1C080] =	vst v63  }
0x10f: {  	s30 =	sshrl.u32 s11, $0x1;
	_ =	swait.ge [sflag:s5], $0xE000  }
0x110: {  	s11 =	ssub.s32 s11, s30;
	[sflag:s5] =	ssyncset.done $0x0  }
0x111: {  	s11 =	smax.u32 s11, $0x1;
	[sflag:s5] =	ssyncadd.s32 $0xFFFF2000  }
0x112: {  	p0 =	sne.s32 s11, $0x1;
	_ =	swait.ge [sflag:s10], $0xE000  }
.Ltmp0:
0x113: {  	[sflag:s10] =	ssyncset.done $0x0;
	(pc) =	sbr.rel @!p0 .LBB2_2-.Ltmp0, $4  }
0x114: {  	s31 =	rddreg [dreg:$0x19];
	[sflag:s10] =	ssyncadd.s32 $0xFFFF2000  }
0x115: {  	[hbm4b:s31+s2] =	stream.linear.scatter [tilespmem:s9], [sflag:$0x3], $0xE000, $0x38;
	[tilespmem:$0x1C080] =	vst v63  }
0x116: {  	_ =	swait.ge [sflag:s5], $0xE000  }
0x117: {  	s11 =	sadd.s32 $0xFFFFFFFF, s11;
	[sflag:s5] =	ssyncset.done $0x0  }
.LBB2_1:
0x118: {  	[sflag:s5] =	ssyncadd.s32 $0xFFFF2000  }
0x119: {  	[tilespmem:s2], [sflag:$0x3] =	stream.linear.gather [hbm4b:s3+s2], $0x18, $0x38;
	[tilespmem:$0x1C080] =	vst v63  }
0x11a: {  	_ =	swait.ge [sflag:s5], $0x18  }
0x11b: {  	[sflag:s5] =	ssyncset.done $0x0  }
0x11c: {  	[sflag:s5] =	ssyncadd.s32 $0xFFFFFFE8  }
0x11d: {  	v0 =	vld [tilespmem:$0x0];
	_ =	sdelay $0x4  }
0x11e: {  	v0 =	vmul.u32 $0xE000, v0;
	_ =	sdelay $0x1  }
0x11f: {  	v0 =	vshrl.u32 v0, $0x3  }
0x120: {  	v62 =	vadd.s32 s6, v0  }
0x121: {  	(v2sf) =	vpush v62, $0x0;
	_ =	sdelay $0x3  }
0x122: {  	(v2sf) =	vpush v62, $0x1;
	_ =	sdelay $0x8  }
0x123: {  	(v2sf) =	vpush v62, $0x2;
	_ =	sdelay $0x1  }
0x124: {  	s12 =	spop (v2sf)  }
0x125: {  	v1 =	vld [tilespmem:$0x8];
	[tilespmem:s8], [sflag:$0x1] =	stream.linear.gather [hbm4b:s12+s2], $0xE000, $0x38  }
0x126: {  	_ =	swait.ge [sflag:s7], $0xE000  }
0x127: {  	[sflag:s7] =	ssyncset.done $0x0  }
0x128: {  	s20 =	spop (v2sf);
	[sflag:s7] =	ssyncadd.s32 $0xFFFF2000  }
0x129: {  	[tilespmem:s9], [sflag:$0x2] =	stream.linear.gather [hbm4b:s20+s2], $0xE000, $0x38;
	[tilespmem:$0x1C080] =	vst v63  }
0x12a: {  	_ = 	snop  }
0x12b: {  	(v2sf) =	vpush v62, $0x3;
	[hbm4b:s4+s2] =	stream.linear.scatter [tilespmem:s8], [sflag:$0x3], $0xE000, $0x38;
	[tilespmem:$0x1C080] =	vst v63  }
0x12c: {  	_ =	swait.ge [sflag:s5], $0xE000  }
0x12d: {  	[sflag:s5] =	ssyncset.done $0x0  }
0x12e: {  	[sflag:s5] =	ssyncadd.s32 $0xFFFF2000  }
0x12f: {  	_ =	swait.ge [sflag:s10], $0xE000  }
0x130: {  	[sflag:s10] =	ssyncset.done $0x0  }
0x131: {  	s13 =	spop (v2sf);
	[sflag:s10] =	ssyncadd.s32 $0xFFFF2000  }
0x132: {  	[tilespmem:s8], [sflag:$0x1] =	stream.linear.gather [hbm4b:s13+s2], $0xE000, $0x38;
	[tilespmem:$0x1C080] =	vst v63  }
0x133: {  	s21 =	rddreg [dreg:$0x3]  }
0x134: {  	(v2sf) =	vpush v62, $0x4;
	[hbm4b:s21+s2] =	stream.linear.scatter [tilespmem:s9], [sflag:$0x3], $0xE000, $0x38;
	[tilespmem:$0x1C080] =	vst v63  }
0x135: {  	_ =	swait.ge [sflag:s5], $0xE000  }
0x136: {  	[sflag:s5] =	ssyncset.done $0x0  }
0x137: {  	[sflag:s5] =	ssyncadd.s32 $0xFFFF2000  }
0x138: {  	_ =	swait.ge [sflag:s7], $0xE000  }
0x139: {  	[sflag:s7] =	ssyncset.done $0x0  }
0x13a: {  	s23 =	spop (v2sf);
	[sflag:s7] =	ssyncadd.s32 $0xFFFF2000  }
0x13b: {  	[tilespmem:s9], [sflag:$0x2] =	stream.linear.gather [hbm4b:s23+s2], $0xE000, $0x38;
	[tilespmem:$0x1C080] =	vst v63  }
0x13c: {  	s22 =	rddreg [dreg:$0x4]  }
0x13d: {  	(v2sf) =	vpush v62, $0x5;
	[hbm4b:s22+s2] =	stream.linear.scatter [tilespmem:s8], [sflag:$0x3], $0xE000, $0x38;
	[tilespmem:$0x1C080] =	vst v63  }
0x13e: {  	_ =	swait.ge [sflag:s5], $0xE000  }
0x13f: {  	[sflag:s5] =	ssyncset.done $0x0  }
0x140: {  	[sflag:s5] =	ssyncadd.s32 $0xFFFF2000  }
0x141: {  	_ =	swait.ge [sflag:s10], $0xE000  }
0x142: {  	[sflag:s10] =	ssyncset.done $0x0  }
0x143: {  	s25 =	spop (v2sf);
	[sflag:s10] =	ssyncadd.s32 $0xFFFF2000  }
0x144: {  	[tilespmem:s8], [sflag:$0x1] =	stream.linear.gather [hbm4b:s25+s2], $0xE000, $0x38;
	[tilespmem:$0x1C080] =	vst v63  }
0x145: {  	s24 =	rddreg [dreg:$0x5]  }
0x146: {  	(v2sf) =	vpush v62, $0x6;
	[hbm4b:s24+s2] =	stream.linear.scatter [tilespmem:s9], [sflag:$0x3], $0xE000, $0x38;
	[tilespmem:$0x1C080] =	vst v63  }
0x147: {  	_ =	swait.ge [sflag:s5], $0xE000  }
0x148: {  	[sflag:s5] =	ssyncset.done $0x0  }
0x149: {  	[sflag:s5] =	ssyncadd.s32 $0xFFFF2000  }
0x14a: {  	_ =	swait.ge [sflag:s7], $0xE000  }
0x14b: {  	[sflag:s7] =	ssyncset.done $0x0  }
0x14c: {  	s28 =	spop (v2sf);
	[sflag:s7] =	ssyncadd.s32 $0xFFFF2000  }
0x14d: {  	[tilespmem:s9], [sflag:$0x2] =	stream.linear.gather [hbm4b:s28+s2], $0xE000, $0x38;
	[tilespmem:$0x1C080] =	vst v63  }
0x14e: {  	s26 =	rddreg [dreg:$0x6]  }
0x14f: {  	(v2sf) =	vpush v62, $0x7;
	[hbm4b:s26+s2] =	stream.linear.scatter [tilespmem:s8], [sflag:$0x3], $0xE000, $0x38;
	[tilespmem:$0x1C080] =	vst v63  }
0x150: {  	_ =	swait.ge [sflag:s5], $0xE000  }
0x151: {  	[sflag:s5] =	ssyncset.done $0x0  }
0x152: {  	[sflag:s5] =	ssyncadd.s32 $0xFFFF2000  }
0x153: {  	_ =	swait.ge [sflag:s10], $0xE000  }
0x154: {  	[sflag:s10] =	ssyncset.done $0x0  }
0x155: {  	s30 =	spop (v2sf);
	[sflag:s10] =	ssyncadd.s32 $0xFFFF2000  }
0x156: {  	[tilespmem:s8], [sflag:$0x1] =	stream.linear.gather [hbm4b:s30+s2], $0xE000, $0x38;
	[tilespmem:$0x1C080] =	vst v63  }
0x157: {  	s29 =	rddreg [dreg:$0x7]  }
0x158: {  	(v2sf) =	vpush v62, $0x8;
	[hbm4b:s29+s2] =	stream.linear.scatter [tilespmem:s9], [sflag:$0x3], $0xE000, $0x38;
	[tilespmem:$0x1C080] =	vst v63  }
0x159: {  	_ =	swait.ge [sflag:s5], $0xE000  }
0x15a: {  	[sflag:s5] =	ssyncset.done $0x0  }
0x15b: {  	[sflag:s5] =	ssyncadd.s32 $0xFFFF2000  }
0x15c: {  	_ =	swait.ge [sflag:s7], $0xE000  }
0x15d: {  	[sflag:s7] =	ssyncset.done $0x0  }
0x15e: {  	s14 =	spop (v2sf);
	[sflag:s7] =	ssyncadd.s32 $0xFFFF2000  }
0x15f: {  	[tilespmem:s9], [sflag:$0x2] =	stream.linear.gather [hbm4b:s14+s2], $0xE000, $0x38;
	[tilespmem:$0x1C080] =	vst v63  }
0x160: {  	s31 =	rddreg [dreg:$0x8]  }
0x161: {  	(v2sf) =	vpush v62, $0x9;
	[hbm4b:s31+s2] =	stream.linear.scatter [tilespmem:s8], [sflag:$0x3], $0xE000, $0x38;
	[tilespmem:$0x1C080] =	vst v63  }
0x162: {  	_ =	swait.ge [sflag:s5], $0xE000  }
0x163: {  	[sflag:s5] =	ssyncset.done $0x0  }
0x164: {  	[sflag:s5] =	ssyncadd.s32 $0xFFFF2000  }
0x165: {  	_ =	swait.ge [sflag:s10], $0xE000  }
0x166: {  	[sflag:s10] =	ssyncset.done $0x0  }
0x167: {  	s16 =	spop (v2sf);
	[sflag:s10] =	ssyncadd.s32 $0xFFFF2000  }
0x168: {  	[tilespmem:s8], [sflag:$0x1] =	stream.linear.gather [hbm4b:s16+s2], $0xE000, $0x38;
	[tilespmem:$0x1C080] =	vst v63  }
0x169: {  	s15 =	rddreg [dreg:$0x9]  }
0x16a: {  	(v2sf) =	vpush v62, $0xA;
	[hbm4b:s15+s2] =	stream.linear.scatter [tilespmem:s9], [sflag:$0x3], $0xE000, $0x38;
	[tilespmem:$0x1C080] =	vst v63  }
0x16b: {  	_ =	swait.ge [sflag:s5], $0xE000  }
0x16c: {  	[sflag:s5] =	ssyncset.done $0x0  }
0x16d: {  	[sflag:s5] =	ssyncadd.s32 $0xFFFF2000  }
0x16e: {  	_ =	swait.ge [sflag:s7], $0xE000  }
0x16f: {  	[sflag:s7] =	ssyncset.done $0x0  }
0x170: {  	s18 =	spop (v2sf);
	[sflag:s7] =	ssyncadd.s32 $0xFFFF2000  }
0x171: {  	[tilespmem:s9], [sflag:$0x2] =	stream.linear.gather [hbm4b:s18+s2], $0xE000, $0x38;
	[tilespmem:$0x1C080] =	vst v63  }
0x172: {  	s17 =	rddreg [dreg:$0xa]  }
0x173: {  	(v2sf) =	vpush v62, $0xB;
	[hbm4b:s17+s2] =	stream.linear.scatter [tilespmem:s8], [sflag:$0x3], $0xE000, $0x38;
	[tilespmem:$0x1C080] =	vst v63  }
0x174: {  	_ =	swait.ge [sflag:s5], $0xE000  }
0x175: {  	[sflag:s5] =	ssyncset.done $0x0  }
0x176: {  	[sflag:s5] =	ssyncadd.s32 $0xFFFF2000  }
0x177: {  	_ =	swait.ge [sflag:s10], $0xE000  }
0x178: {  	[sflag:s10] =	ssyncset.done $0x0  }
0x179: {  	s20 =	spop (v2sf);
	[sflag:s10] =	ssyncadd.s32 $0xFFFF2000  }
0x17a: {  	[tilespmem:s8], [sflag:$0x1] =	stream.linear.gather [hbm4b:s20+s2], $0xE000, $0x38;
	[tilespmem:$0x1C080] =	vst v63  }
0x17b: {  	s19 =	rddreg [dreg:$0xb]  }
0x17c: {  	(v2sf) =	vpush v62, $0xC;
	[hbm4b:s19+s2] =	stream.linear.scatter [tilespmem:s9], [sflag:$0x3], $0xE000, $0x38;
	[tilespmem:$0x1C080] =	vst v63  }
0x17d: {  	_ =	swait.ge [sflag:s5], $0xE000  }
0x17e: {  	[sflag:s5] =	ssyncset.done $0x0  }
0x17f: {  	[sflag:s5] =	ssyncadd.s32 $0xFFFF2000  }
0x180: {  	_ =	swait.ge [sflag:s7], $0xE000  }
0x181: {  	[sflag:s7] =	ssyncset.done $0x0  }
0x182: {  	s22 =	spop (v2sf);
	[sflag:s7] =	ssyncadd.s32 $0xFFFF2000  }
0x183: {  	[tilespmem:s9], [sflag:$0x2] =	stream.linear.gather [hbm4b:s22+s2], $0xE000, $0x38;
	[tilespmem:$0x1C080] =	vst v63  }
0x184: {  	s21 =	rddreg [dreg:$0xc]  }
0x185: {  	(v2sf) =	vpush v62, $0xD;
	[hbm4b:s21+s2] =	stream.linear.scatter [tilespmem:s8], [sflag:$0x3], $0xE000, $0x38;
	[tilespmem:$0x1C080] =	vst v63  }
0x186: {  	_ =	swait.ge [sflag:s5], $0xE000  }
0x187: {  	[sflag:s5] =	ssyncset.done $0x0  }
0x188: {  	[sflag:s5] =	ssyncadd.s32 $0xFFFF2000  }
0x189: {  	_ =	swait.ge [sflag:s10], $0xE000  }
0x18a: {  	[sflag:s10] =	ssyncset.done $0x0  }
0x18b: {  	s24 =	spop (v2sf);
	[sflag:s10] =	ssyncadd.s32 $0xFFFF2000  }
0x18c: {  	[tilespmem:s8], [sflag:$0x1] =	stream.linear.gather [hbm4b:s24+s2], $0xE000, $0x38;
	[tilespmem:$0x1C080] =	vst v63  }
0x18d: {  	s23 =	rddreg [dreg:$0xd]  }
0x18e: {  	(v2sf) =	vpush v62, $0xE;
	[hbm4b:s23+s2] =	stream.linear.scatter [tilespmem:s9], [sflag:$0x3], $0xE000, $0x38;
	[tilespmem:$0x1C080] =	vst v63  }
0x18f: {  	_ =	swait.ge [sflag:s5], $0xE000  }
0x190: {  	[sflag:s5] =	ssyncset.done $0x0  }
0x191: {  	[sflag:s5] =	ssyncadd.s32 $0xFFFF2000  }
0x192: {  	_ =	swait.ge [sflag:s7], $0xE000  }
0x193: {  	[sflag:s7] =	ssyncset.done $0x0  }
0x194: {  	s26 =	spop (v2sf);
	[sflag:s7] =	ssyncadd.s32 $0xFFFF2000  }
0x195: {  	[tilespmem:s9], [sflag:$0x2] =	stream.linear.gather [hbm4b:s26+s2], $0xE000, $0x38;
	[tilespmem:$0x1C080] =	vst v63  }
0x196: {  	s25 =	rddreg [dreg:$0xe]  }
0x197: {  	(v2sf) =	vpush v62, $0xF;
	[hbm4b:s25+s2] =	stream.linear.scatter [tilespmem:s8], [sflag:$0x3], $0xE000, $0x38;
	[tilespmem:$0x1C080] =	vst v63  }
0x198: {  	_ =	swait.ge [sflag:s5], $0xE000  }
0x199: {  	[sflag:s5] =	ssyncset.done $0x0  }
0x19a: {  	[sflag:s5] =	ssyncadd.s32 $0xFFFF2000  }
0x19b: {  	_ =	swait.ge [sflag:s10], $0xE000  }
0x19c: {  	v2 =	vmul.u32 $0xE000, v1;
	[sflag:s10] =	ssyncset.done $0x0  }
0x19d: {  	s29 =	spop (v2sf);
	[sflag:s10] =	ssyncadd.s32 $0xFFFF2000  }
0x19e: {  	v63 =	vshrl.u32 v2, $0x3;
	[tilespmem:s8], [sflag:$0x1] =	stream.linear.gather [hbm4b:s29+s2], $0xE000, $0x38;
	[tilespmem:$0x1C080] =	vst v63  }
0x19f: {  	v0 =	vadd.s32 s6, v63;
	s28 =	rddreg [dreg:$0xf]  }
0x1a0: {  	(v2sf) =	vpush v0, $0x8;
	[hbm4b:s28+s2] =	stream.linear.scatter [tilespmem:s9], [sflag:$0x3], $0xE000, $0x38;
	[tilespmem:$0x1C080] =	vst v63  }
0x1a1: {  	_ =	swait.ge [sflag:s5], $0xE000  }
0x1a2: {  	[sflag:s5] =	ssyncset.done $0x0  }
0x1a3: {  	[sflag:s5] =	ssyncadd.s32 $0xFFFF2000  }
0x1a4: {  	_ =	swait.ge [sflag:s7], $0xE000  }
0x1a5: {  	[sflag:s7] =	ssyncset.done $0x0  }
0x1a6: {  	s31 =	spop (v2sf);
	[sflag:s7] =	ssyncadd.s32 $0xFFFF2000  }
0x1a7: {  	[tilespmem:s9], [sflag:$0x2] =	stream.linear.gather [hbm4b:s31+s2], $0xE000, $0x38;
	[tilespmem:$0x1C080] =	vst v63  }
0x1a8: {  	s30 =	rddreg [dreg:$0x10]  }
0x1a9: {  	(v2sf) =	vpush v0, $0x9;
	[hbm4b:s30+s2] =	stream.linear.scatter [tilespmem:s8], [sflag:$0x3], $0xE000, $0x38;
	[tilespmem:$0x1C080] =	vst v63  }
0x1aa: {  	_ =	swait.ge [sflag:s5], $0xE000  }
0x1ab: {  	[sflag:s5] =	ssyncset.done $0x0  }
0x1ac: {  	[sflag:s5] =	ssyncadd.s32 $0xFFFF2000  }
0x1ad: {  	_ =	swait.ge [sflag:s10], $0xE000  }
0x1ae: {  	[sflag:s10] =	ssyncset.done $0x0  }
0x1af: {  	s15 =	spop (v2sf);
	[sflag:s10] =	ssyncadd.s32 $0xFFFF2000  }
0x1b0: {  	[tilespmem:s8], [sflag:$0x1] =	stream.linear.gather [hbm4b:s15+s2], $0xE000, $0x38;
	[tilespmem:$0x1C080] =	vst v63  }
0x1b1: {  	s14 =	rddreg [dreg:$0x11]  }
0x1b2: {  	(v2sf) =	vpush v0, $0xA;
	[hbm4b:s14+s2] =	stream.linear.scatter [tilespmem:s9], [sflag:$0x3], $0xE000, $0x38;
	[tilespmem:$0x1C080] =	vst v63  }
0x1b3: {  	_ =	swait.ge [sflag:s5], $0xE000  }
0x1b4: {  	[sflag:s5] =	ssyncset.done $0x0  }
0x1b5: {  	[sflag:s5] =	ssyncadd.s32 $0xFFFF2000  }
0x1b6: {  	_ =	swait.ge [sflag:s7], $0xE000  }
0x1b7: {  	[sflag:s7] =	ssyncset.done $0x0  }
0x1b8: {  	s17 =	spop (v2sf);
	[sflag:s7] =	ssyncadd.s32 $0xFFFF2000  }
0x1b9: {  	[tilespmem:s9], [sflag:$0x2] =	stream.linear.gather [hbm4b:s17+s2], $0xE000, $0x38;
	[tilespmem:$0x1C080] =	vst v63  }
0x1ba: {  	s16 =	rddreg [dreg:$0x12]  }
0x1bb: {  	(v2sf) =	vpush v0, $0xB;
	[hbm4b:s16+s2] =	stream.linear.scatter [tilespmem:s8], [sflag:$0x3], $0xE000, $0x38;
	[tilespmem:$0x1C080] =	vst v63  }
0x1bc: {  	_ =	swait.ge [sflag:s5], $0xE000  }
0x1bd: {  	[sflag:s5] =	ssyncset.done $0x0  }
0x1be: {  	[sflag:s5] =	ssyncadd.s32 $0xFFFF2000  }
0x1bf: {  	_ =	swait.ge [sflag:s10], $0xE000  }
0x1c0: {  	[sflag:s10] =	ssyncset.done $0x0  }
0x1c1: {  	s19 =	spop (v2sf);
	[sflag:s10] =	ssyncadd.s32 $0xFFFF2000  }
0x1c2: {  	[tilespmem:s8], [sflag:$0x1] =	stream.linear.gather [hbm4b:s19+s2], $0xE000, $0x38;
	[tilespmem:$0x1C080] =	vst v63  }
0x1c3: {  	s18 =	rddreg [dreg:$0x13]  }
0x1c4: {  	(v2sf) =	vpush v0, $0xC;
	[hbm4b:s18+s2] =	stream.linear.scatter [tilespmem:s9], [sflag:$0x3], $0xE000, $0x38;
	[tilespmem:$0x1C080] =	vst v63  }
0x1c5: {  	_ =	swait.ge [sflag:s5], $0xE000  }
0x1c6: {  	[sflag:s5] =	ssyncset.done $0x0  }
0x1c7: {  	[sflag:s5] =	ssyncadd.s32 $0xFFFF2000  }
0x1c8: {  	_ =	swait.ge [sflag:s7], $0xE000  }
0x1c9: {  	[sflag:s7] =	ssyncset.done $0x0  }
0x1ca: {  	s21 =	spop (v2sf);
	[sflag:s7] =	ssyncadd.s32 $0xFFFF2000  }
0x1cb: {  	[tilespmem:s9], [sflag:$0x2] =	stream.linear.gather [hbm4b:s21+s2], $0xE000, $0x38;
	[tilespmem:$0x1C080] =	vst v63  }
0x1cc: {  	s20 =	rddreg [dreg:$0x14]  }
0x1cd: {  	(v2sf) =	vpush v0, $0xD;
	[hbm4b:s20+s2] =	stream.linear.scatter [tilespmem:s8], [sflag:$0x3], $0xE000, $0x38;
	[tilespmem:$0x1C080] =	vst v63  }
0x1ce: {  	_ =	swait.ge [sflag:s5], $0xE000  }
0x1cf: {  	[sflag:s5] =	ssyncset.done $0x0  }
0x1d0: {  	[sflag:s5] =	ssyncadd.s32 $0xFFFF2000  }
0x1d1: {  	_ =	swait.ge [sflag:s10], $0xE000  }
0x1d2: {  	[sflag:s10] =	ssyncset.done $0x0  }
0x1d3: {  	s23 =	spop (v2sf);
	[sflag:s10] =	ssyncadd.s32 $0xFFFF2000  }
0x1d4: {  	[tilespmem:s8], [sflag:$0x1] =	stream.linear.gather [hbm4b:s23+s2], $0xE000, $0x38;
	[tilespmem:$0x1C080] =	vst v63  }
0x1d5: {  	s22 =	rddreg [dreg:$0x15]  }
0x1d6: {  	(v2sf) =	vpush v0, $0xE;
	[hbm4b:s22+s2] =	stream.linear.scatter [tilespmem:s9], [sflag:$0x3], $0xE000, $0x38;
	[tilespmem:$0x1C080] =	vst v63  }
0x1d7: {  	_ =	swait.ge [sflag:s5], $0xE000  }
0x1d8: {  	[sflag:s5] =	ssyncset.done $0x0  }
0x1d9: {  	[sflag:s5] =	ssyncadd.s32 $0xFFFF2000  }
0x1da: {  	_ =	swait.ge [sflag:s7], $0xE000  }
0x1db: {  	[sflag:s7] =	ssyncset.done $0x0  }
0x1dc: {  	s25 =	spop (v2sf);
	[sflag:s7] =	ssyncadd.s32 $0xFFFF2000  }
0x1dd: {  	[tilespmem:s9], [sflag:$0x2] =	stream.linear.gather [hbm4b:s25+s2], $0xE000, $0x38;
	[tilespmem:$0x1C080] =	vst v63  }
0x1de: {  	s24 =	rddreg [dreg:$0x16]  }
0x1df: {  	(v2sf) =	vpush v0, $0xF;
	[hbm4b:s24+s2] =	stream.linear.scatter [tilespmem:s8], [sflag:$0x3], $0xE000, $0x38;
	[tilespmem:$0x1C080] =	vst v63  }
0x1e0: {  	_ =	swait.ge [sflag:s5], $0xE000  }
0x1e1: {  	[sflag:s5] =	ssyncset.done $0x0  }
0x1e2: {  	[sflag:s5] =	ssyncadd.s32 $0xFFFF2000  }
0x1e3: {  	_ =	swait.ge [sflag:s10], $0xE000  }
0x1e4: {  	[sflag:s10] =	ssyncset.done $0x0  }
0x1e5: {  	s28 =	spop (v2sf);
	[sflag:s10] =	ssyncadd.s32 $0xFFFF2000  }
0x1e6: {  	[tilespmem:s8], [sflag:$0x1] =	stream.linear.gather [hbm4b:s28+s2], $0xE000, $0x38;
	[tilespmem:$0x1C080] =	vst v63  }
0x1e7: {  	s26 =	rddreg [dreg:$0x17]  }
0x1e8: {  	[hbm4b:s26+s2] =	stream.linear.scatter [tilespmem:s9], [sflag:$0x3], $0xE000, $0x38;
	[tilespmem:$0x1C080] =	vst v63  }
0x1e9: {  	_ =	swait.ge [sflag:s5], $0xE000  }
0x1ea: {  	[sflag:s5] =	ssyncset.done $0x0  }
0x1eb: {  	[sflag:s5] =	ssyncadd.s32 $0xFFFF2000  }
0x1ec: {  	_ =	swait.ge [sflag:s7], $0xE000  }
0x1ed: {  	[sflag:s7] =	ssyncset.done $0x0  }
0x1ee: {  	s30 =	spop (v2sf);
	[sflag:s7] =	ssyncadd.s32 $0xFFFF2000  }
0x1ef: {  	[tilespmem:s9], [sflag:$0x2] =	stream.linear.gather [hbm4b:s30+s2], $0xE000, $0x38;
	[tilespmem:$0x1C080] =	vst v63  }
0x1f0: {  	s29 =	rddreg [dreg:$0x18]  }
0x1f1: {  	[hbm4b:s29+s2] =	stream.linear.scatter [tilespmem:s8], [sflag:$0x3], $0xE000, $0x38;
	[tilespmem:$0x1C080] =	vst v63  }
0x1f2: {  	_ =	swait.ge [sflag:s5], $0xE000  }
0x1f3: {  	[sflag:s5] =	ssyncset.done $0x0  }
0x1f4: {  	[sflag:s5] =	ssyncadd.s32 $0xFFFF2000  }
0x1f5: {  	p0 =	sne.s32 s11, $0x1;
	_ =	swait.ge [sflag:s10], $0xE000  }
.Ltmp1:
0x1f6: {  	[sflag:s10] =	ssyncset.done $0x0;
	(pc) =	sbr.rel @p0 .LBB2_1-.Ltmp1, $4  }
0x1f7: {  	s31 =	rddreg [dreg:$0x19];
	[sflag:s10] =	ssyncadd.s32 $0xFFFF2000  }
0x1f8: {  	[hbm4b:s31+s2] =	stream.linear.scatter [tilespmem:s9], [sflag:$0x3], $0xE000, $0x38;
	[tilespmem:$0x1C080] =	vst v63  }
0x1f9: {  	_ =	swait.ge [sflag:s5], $0xE000  }
0x1fa: {  	s11 =	sadd.s32 $0xFFFFFFFF, s11;
	[sflag:s5] =	ssyncset.done $0x0  }
.LBB2_2:
0x1fb: {  	[sflag:s5] =	ssyncadd.s32 $0xFFFF2000  }
0x1fc: {  	_ =	sfence.sel $0x180000  }
0x1fd: {  	[bflag:$0x0] =	sbarrier.arrive $0xFFFF  }
0x1fe: {  	p0 =	sne.s32 s0, $0x0;
	_ =	strace $0x90000047  }
0x1ff: {  	s0 =	sadd.s32 @!p0 $0x100000, s1;
	[bflag:$0x2] =	sbarrier.arrive $0xFFFF  }
0x200: {  	[sflag:s0] =	ssyncadd.tile.s32 @!p0 $0x1;
	_ =	shalt  }
.Lfunc_end2:
_tile_overlayer_lowered:
.L_overlay_start_2:
0x201: {  	(tag) =	ssettag $0x2  }
0x202: {  	s0 =	rddreg [dreg:$0x0];
	s2 =	stileid.u32  }
0x203: {  	s1 =	rddreg [dreg:$0x1];
	p0 =	sne.s32 s2, $0x0  }
0x204: {  	s3 =	rddreg [dreg:$0x2];
	[bflag:$0x3] =	sbarrier.arrive $0xFFFF;
	s2 =	simm.s32 @!p0 $0x1C03  }
0x205: {  	[timem:s3], [sflag:s2] =	dma.local @!p0 [hbm:s0], s1  }
0x206: {  	s0 =	simm.s32 @!p0 $0x3  }
0x207: {  	_ =	swait.ge @!p0 [sflag:s0], s1  }
0x208: {  	s1 =	ssub.s32 @!p0 $0x0, s1;
	[sflag:s0] =	ssyncset.done @!p0 $0x0  }
0x209: {  	[sflag:s0] =	ssyncadd.s32 @!p0 s1  }
0x20a: {  	[bflag:$0x3] =	sbarrier.arrive $0xFFFF  }
0x20b: {  	_ =	shalt  }

// kernel: sparse-core-data-format-call.cloned.1.call-start
scs
called_computation_lowered:
.L_overlay_start_0:
0x0: {  	s2 =	sld [smem:$0x3FD9]  }
0x1: {  	s3 =	sld [smem:$0x3FFE];
	_ =	sdelay $0x1  }
0x2: {  	s1 =	srdreg.scid  }
0x3: {  	s0 =	sand.u32 $0x1, s1  }
0x4: {  	s18 =	sshll.u32 s0, $0xA;
	s2 =	sadd.s32 s3, s2  }
0x5: {  	s2 =	sadd.s32 s2, s18  }
0x6: {  	[smem:$0x3FC6] =	sst s2  }
0x7: {  	_ = 	snop  }
0x8: {  	s2 =	sld [smem:$0x3FD0];
	(tm) =	ssettm $0x1  }
0x9: {  	s19 =	sld [smem:$0x3FFB];
	_ =	sdelay $0x3  }
0xa: {  	_ =	strace s19  }
0xb: {  	s3 =	sld [smem:$0x3FFC];
	_ =	sdelay $0x3  }
0xc: {  	_ =	strace s3  }
0xd: {  	s3 =	sld [smem:$0x3FFD];
	_ =	sdelay $0x3  }
0xe: {  	_ =	strace s3  }
0xf: {  	_ =	strace $0x8FFFFFFF  }
0x10: {  	s20 =	sld [smem:$0x3FDB];
	_ =	sdelay $0x1  }
0x11: {  	s4 =	simm.s32 $_scs_section_size  }
0x12: {  	s5 =	simm.s32 $_size__tile_overlayer_lowered;
	s6 =	simm.s32 $_tile_overlayer_lowered  }
0x13: {  	s23 =	simm.s32 $0x1BFF;
	s22 =	sshll.u32 s6, $0x1;
	s3 =	sadd.s32 s4, s20  }
0x14: {  	s7 =	simm.s32 $0x0;
	s21 =	sshll.u32 s5, $0x1;
	s5 =	sadd.s32 s22, s3  }
0x15: {  	[timem:s7], [sflag:s23] =	dma.local [hbm:s5], s21  }
0x16: {  	_ =	swait.ge [sflag:s23], s21  }
0x17: {  	s4 =	ssub.s32 $0x0, s21;
	[sflag:s23] =	ssyncset.done $0x0  }
0x18: {  	[sflag:s23] =	ssyncadd.s32 s4;
	_ =	sdelay $0x1  }
0x19: {  	s24 =	simm.s32 $0x1B8B  }
0x1a: {  	_ =	swait.ge [sflag:s24], $0x1  }
0x1b: {  	[sflag:s24] =	ssyncset.done $0x0  }
0x1c: {  	s26 =	simm.s32 $0x1B8E;
	s25 =	sld [smem:$0x3FFE];
	[sflag:s24] =	ssyncadd.s32 $0xFFFFFFFF  }
0x1d: {  	s27 =	simm.s32 $execute0_lowered;
	[smem:$0x3FD2] =	sst s26  }
0x1e: {  	s5 =	sshll.u32 s27, $0x1;
	_ =	strace $0x80000049;
	[dreg:$0x1] =	wrdreg $0xFFFFFFFF  }
0x1f: {  	s28 =	simm.s32 $_size_execute0_lowered;
	s3 =	sadd.s32 s3, s5;
	[dreg:$0x0] =	wrdreg $0x0  }
0x20: {  	s5 =	sshll.u32 s28, $0x1;
	[dreg:$0x2] =	wrdreg s3  }
0x21: {  	[dreg:$0x3] =	wrdreg s5  }
0x22: {  	[dreg:$0x4] =	wrdreg $0xC0  }
0x23: {  	_ =	task [dreg:s7], $0x5FFFF  }
0x24: {  	[dreg:$0x1] =	wrdreg $0xFFFFFFFF  }
0x25: {  	[dreg:$0x0] =	wrdreg $0x60  }
0x26: {  	[dreg:$0x2] =	wrdreg s25  }
0x27: {  	[dreg:$0x3] =	wrdreg s2  }
0x28: {  	[dreg:$0x4] =	wrdreg $0x9  }
0x29: {  	_ =	task.clear_ibuf [dreg:s7], $0x5FFFF;
	_ =	strace $0x90000049  }
0x2a: {  	s29 =	simm.s32 $0x9;
	_ =	strace $0x8000004B  }
0x2b: {  	_ =	swait.ge [sflag:s29], $0x1  }
0x2c: {  	[sflag:s29] =	ssyncadd.s32 $0xFFFFFFFF  }
0x2d: {  	_ =	strace $0x9000004B  }
0x2e: {  	_ =	sfence  }
0x2f: {  	s30 =	sld [smem:$0x0];
	_ =	sdelay $0x2  }
0x30: {  	s31 =	sshll.u32 s1, $0xD;
	s1 =	sshrl.u32 s1, $0x2  }
0x31: {  	s3 =	sand.u32 $0x4000, s31;
	s1 =	sadd.s32 s1, s30  }
0x32: {  	s0 =	sor.u32 s3, s0;
	s1 =	sshll.u32 s1, $0x11  }
0x33: {  	s0 =	sor.u32 s1, s0  }
0x34: {  	s0 =	sadd.s32 $0x8F2B, s0  }
0x35: {  	[sflag:s0] =	ssyncadd.remote.s32 $0x1  }
0x36: {  	_ =	sfence.sel $0xFFFF  }
0x37: {  	[dreg:$0x0] =	wrdreg $0xFFFFFFFF;
	(pc) =	sbr.abs _section_cstart, $3  }
0x38: {  	[dreg:$0x1] =	wrdreg $0xFFFFFFFF  }
0x39: {  	_ =	task.clear_ibuf [dreg:s7], $0x2FFFF;
	_ =	strace $0x9FFFFFFF  }
0x3a: {  	(tm) =	ssettm $0x7FFFFFFF  }
0x3b: {  	_ =	shalt  }
tec
execute0_lowered:
.L_overlay_start_1:
0x0: {  	(tag) =	ssettag $0x1  }
0x1: {  	s4 =	rddreg [dreg:$0x0];
	s0 =	stileid.u32;
	_ =	strace $0x8000004A  }
0x2: {  	s5 =	srdreg.scid;
	s8 =	simm.s32 $0x2;
	s19 =	simm.s32 $0x0  }
0x3: {  	p0 =	por $0x0, $0x0;
	s9 =	simm.s32 $0xC00;
	s21 =	simm.s32 $0x0  }
0x4: {  	s20 =	simm.s32 $0x0;
	s22 =	simm.s32 $0x0;
	s10 =	simm.s32 $0x0  }
0x5: {  	s11 =	simm.s32 $0x0;
	s12 =	simm.s32 $0x0;
	s2 =	simm.s32 $0x0  }
0x6: {  	s14 =	simm.s32 $0x0;
	s16 =	simm.s32 $0x0;
	s3 =	sand.u32 $0x1, s0  }
0x7: {  	s18 =	simm.s32 $0x0;
	s5 =	sshll.u32 s5, $0x4;
	s6 =	ssub.s32 $0x2, s3  }
.Ltmp0:
0x8: {  	s7 =	sshrl.u32 s6, $0x1;
	s6 =	sand.u32 $0x1, s6;
	(pc) =	sbr.rel .LBB1_1-.Ltmp0, $4  }
0x9: {  	s4 =	sadd.s32 $0xA80400, s4;
	s5 =	sand.u32 $0x10, s5;
	s6 =	sadd.s32 s6, s7  }
0xa: {  	s31 =	sor.u32 s0, s5;
	s5 =	simm.s32 $0x1;
	s6 =	smul.u32 $0x54, s6  }
0xb: {  	s17 =	smov.u32 s3;
	s7 =	sshrl.u32 s31, $0x1;
	[sflag:s5] =	ssyncpa.u1 $0x0  }
0xc: {  	[sflag:s8] =	ssyncpa.u1 $0x0;
	s15 =	smov.u32 s7;
	s8 =	sor.u32 $0x1, s6  }
.LBB1_4:
0xd: {  	s28 =	sshrl.u32 s10, $0x3;
	s29 =	sshll.u32 s12, $0x3;
	[tilespmem:s26+$0x2040 ss:$0x81] =	vst.msk $0xffff, v4  }
0xe: {  	s30 =	sshll.u32 s10, $0x7;
	p1 =	sgt.s32 s2, $0x1;
	p2 =	sgt.s32 s11, $0xDF;
	[tilespmem:s26+$0x2850 ss:$0x81] =	vst.msk $0xffff, v3  }
0xf: {  	s31 =	sshra.s32 s11, $0x1F;
	s0 =	sshra.s32 s2, $0x1F;
	s1 =	sshra.s32 s12, $0x1F;
	[tilespmem:s26+$0x3060 ss:$0x81] =	vst.msk $0xffff, v2  }
0x10: {  	s27 =	sshra.s32 s27, $0x2;
	[tilespmem:s26+$0x0 ss:$0x81] =	vst.msk $0xffff, v1;
	s26 =	smov.u32 s10;
	s28 =	smul.u32 $0xC00, s28  }
0x11: {  	s29 =	sand.u32 $0xFFFFFC00, s29;
	s13 =	sand.u32 $0x380, s30;
	s30 =	sand.u32 $0x7F, s12  }
0x12: {  	s31 =	sand.u32 s31, s11;
	s0 =	sand.u32 s0, s2;
	s1 =	sand.u32 s1, s12  }
0x13: {  	s25 =	sadd.s32 s27, s25;
	s28 =	sadd.s32 s29, s28;
	s29 =	smov.u32 s11  }
0x14: {  	s28 =	sor.u32 s13, s28;
	s29 =	simm.s32 @!p2 $0xDF;
	p2 =	sgt.s32 s12, $0x100  }
0x15: {  	s13 =	smov.u32 s2;
	s29 =	ssub.s32 s29, s31;
	s31 =	smov.u32 s12  }
0x16: {  	s0 =	sxor.u32 $0xFFFFFFFF, s0;
	s13 =	simm.s32 @!p1 $0x1;
	s31 =	simm.s32 @!p2 $0x100  }
0x17: {  	s0 =	sadd.s32 s0, s13;
	s13 =	sadd.s32 $0xFFFFFF21, s29;
	s29 =	ssub.s32 $0xE0, s29  }
0x18: {  	s1 =	ssub.s32 s31, s1;
	p2 =	sgt.s32 s13, $0x0;
	s13 =	sor.u32 s30, s28  }
0x19: {  	p3 =	sgt.s32 s0, $0x0;
	s0 =	ssub.s32 $0x1, s0;
	s28 =	smulhi.u32 $0xAAAAAAAB, s28  }
0x1a: {  	s31 =	sadd.s32 $0xFFFFFF00, s1;
	s30 =	smulhi.u32 $0xAAAAAAAB, s13;
	s0 =	simm.s32 @p3 $0x0  }
0x1b: {  	v5 =	vld [tilespmem:s24+$0xFFFFFFD0];
	s29 =	simm.s32 @p2 $0x0;
	s1 =	ssub.s32 $0x180, s1;
	s28 =	sshrl.u32 s28, $0x8  }
0x1c: {  	v58 =	vld [tilespmem:s24+$0xFFFFFFE0];
	p1 =	sgt.s32 s31, $0x7F;
	s30 =	sshrl.u32 s30, $0x8;
	s27 =	smulhi.u32 $0x124924A, s28  }
0x1d: {  	v59 =	vld [tilespmem:s24+$0xFFFFFFF0];
	s1 =	simm.s32 @p1 $0x0;
	p1 =	sgt.s32 s10, $0x60;
	s30 =	smul.u32 $0x180, s30  }
0x1e: {  	v60 =	vld [tilespmem:s24+$0x0];
	s31 =	sshra.s32 s10, $0x1F;
	s0 =	smul.u32 s0, s1;
	s26 =	simm.s32 @!p1 $0x60  }
0x1f: {  	v61 =	vld [tilespmem:s24+$0x10];
	[tilespmem:s25+$0x3870 ss:$0x81] =	vst.msk $0xffff, v0;
	s1 =	sand.u32 s31, s10;
	s31 =	rddreg [dreg:$0x1];
	s27 =	smul.u32 $0xE0, s27  }
0x20: {  	v62 =	vld [tilespmem:s24+$0x20];
	[tilespmem:s25+$0x810 ss:$0x81] =	vst.msk $0xffff, v5;
	s1 =	ssub.s32 s26, s1;
	s13 =	ssub.s32 s13, s30;
	s0 =	smul.u32 s29, s0  }
0x21: {  	v63 =	vld [tilespmem:s24+$0xFFFFFFC0];
	[tilespmem:s25+$0x1020 ss:$0x81] =	vst.msk $0xffff, v58;
	s26 =	sadd.s32 $0xFFFFFFA0, s1;
	s29 =	smul.u32 $0x24C000, s2;
	s1 =	ssub.s32 $0xE0, s1  }
0x22: {  	[tilespmem:s25+$0x1830 ss:$0x81] =	vst.msk $0xffff, v59;
	s30 =	smul.u32 $0x2A00, s11;
	s28 =	ssub.s32 s28, s27;
	p1 =	sgt.s32 s26, $0x7F  }
0x23: {  	[tilespmem:s25+$0x2040 ss:$0x81] =	vst.msk $0xffff, v60;
	s1 =	simm.s32 @p1 $0x0;
	s24 =	smul.u32 $0x30, s28;
	s27 =	sadd.s32 s31, s29  }
0x24: {  	[tilespmem:s25+$0x2850 ss:$0x81] =	vst.msk $0xffff, v61;
	s29 =	sand.u32 $0x7, s13;
	s0 =	smul.u32 s1, s0;
	s28 =	sadd.s32 s30, s27  }
0x25: {  	[tilespmem:s25+$0x3060 ss:$0x81] =	vst.msk $0xffff, v62;
	s13 =	sshrl.u32 s13, $0x3;
	s30 =	sshll.u32 s29, $0x12;
	s1 =	sadd.s32 s24, s28  }
0x26: {  	[tilespmem:s25+$0x0 ss:$0x81] =	vst.msk $0xffff, v63;
	s31 =	sor.u32 $0x400, s30;
	s0 =	sand.u32 $0x3FFFFFFF, s0;
	s1 =	sadd.s32 s13, s1  }
0x27: {  	[hbm4b:s1+s31] =	stream.strided.scatter [tilespmem:s23], [sflag:$0x2], s0, s9, s31, $0x20;
	[tilespmem:$0x10100] =	vst v63  }
.LBB1_5:
0x28: {  	p1 =	slt.u32 s18, $0x2;
	s1 =	smov.u32 s22  }
0x29: {  	s23 =	smov.u32 s15;
	s24 =	smov.u32 s16;
	s25 =	smov.u32 s17  }
0x2a: {  	p0 =	por !p0, !p0;
	p2 =	sgt.s32 @!p1 s22, $0x1;
	s0 =	sshra.s32 @!p1 s22, $0x1F  }
0x2b: {  	s13 =	sshra.s32 @!p1 s21, $0x1F;
	p2 =	por !p2, p1;
	s0 =	sand.u32 @!p1 s0, s22  }
0x2c: {  	s1 =	simm.s32 @p2 $0x1;
	s0 =	sxor.u32 @!p1 $0xFFFFFFFF, s0;
	p2 =	sgt.s32 @!p1 s21, $0xDF  }
0x2d: {  	s0 =	sadd.s32 @!p1 s0, s1;
	p2 =	por !p2, p1;
	s1 =	smov.u32 s21  }
0x2e: {  	s13 =	sand.u32 @!p1 s13, s21;
	p3 =	sgt.s32 @!p1 s0, $0x0;
	s1 =	simm.s32 @p2 $0xDF  }
0x2f: {  	s0 =	ssub.s32 @!p1 $0x1, s0;
	p2 =	por !p3, p1;
	s1 =	ssub.s32 @!p1 s1, s13  }
0x30: {  	s21 =	sshra.s32 @!p1 s20, $0x1F;
	s0 =	simm.s32 @!p2 $0x0;
	s13 =	sadd.s32 @!p1 $0xFFFFFF21, s1  }
0x31: {  	p2 =	sgt.s32 @!p1 s20, $0x100;
	s1 =	ssub.s32 @!p1 $0xE0, s1;
	p3 =	sgt.s32 @!p1 s13, $0x0  }
0x32: {  	p2 =	por !p2, p1;
	s13 =	smov.u32 s20;
	s20 =	sand.u32 @!p1 s21, s20  }
0x33: {  	s21 =	sshra.s32 @!p1 s19, $0x1F;
	s13 =	simm.s32 @p2 $0x100;
	p2 =	sgt.s32 @!p1 s19, $0x60  }
0x34: {  	p3 =	por !p3, p1;
	s13 =	ssub.s32 @!p1 s13, s20;
	p2 =	por !p2, p1  }
0x35: {  	s20 =	smov.u32 s19;
	s19 =	sand.u32 @!p1 s21, s19;
	s21 =	sadd.s32 @!p1 $0xFFFFFF00, s13  }
0x36: {  	s1 =	simm.s32 @!p3 $0x0;
	s20 =	simm.s32 @p2 $0x60;
	p2 =	sgt.s32 @!p1 s21, $0x7F  }
0x37: {  	s13 =	ssub.s32 @!p1 $0x180, s13;
	s19 =	ssub.s32 @!p1 s20, s19;
	p2 =	por !p2, p1  }
0x38: {  	s20 =	sadd.s32 @!p1 $0xFFFFFFA0, s19;
	s19 =	ssub.s32 @!p1 $0xE0, s19;
	s13 =	simm.s32 @!p2 $0x0  }
0x39: {  	p2 =	sgt.s32 @!p1 s20, $0x7F;
	s0 =	smul.u32 @!p1 s0, s13;
	s13 =	sadd.s32 $0x80, s14  }
0x3a: {  	s20 =	sadd.s32 $0x10, s15;
	p2 =	por !p2, p1;
	p3 =	sgt.s32 s13, $0xDF  }
0x3b: {  	s22 =	smov.u32 s2;
	s19 =	simm.s32 @!p2 $0x0;
	s23 =	smov.u32 @p3 s20  }
0x3c: {  	s0 =	smul.u32 @!p1 s1, s0;
	s1 =	sadd.s32 $0x80, s16;
	p2 =	sgt.s32 s23, $0xDF  }
0x3d: {  	s2 =	smov.u32 s17;
	s21 =	smov.u32 s11;
	s24 =	smov.u32 @p2 s1  }
0x3e: {  	s13 =	simm.s32 @p3 $0x0;
	s1 =	sadd.s32 $0x2, s17;
	p3 =	sgt.s32 s24, $0x17F  }
0x3f: {  	s11 =	smov.u32 s15;
	s20 =	smov.u32 s12;
	s25 =	smov.u32 @p3 s1  }
0x40: {  	s12 =	smov.u32 s16;
	s23 =	smov.u32 @p2 s7;
	p2 =	sgt.s32 s25, $0x1  }
0x41: {  	s0 =	smul.u32 @!p1 s19, s0;
	s25 =	smov.u32 @p2 s3;
	p2 =	sne.s32 s18, s8  }
.Ltmp1:
0x42: {  	s19 =	smov.u32 s10;
	s10 =	smov.u32 s14;
	(pc) =	sbr.rel @!p2 .LBB1_6-.Ltmp1, $4  }
0x43: {  	s14 =	smov.u32 s13;
	s0 =	sand.u32 @!p1 $0x3FFFFFFF, s0;
	s1 =	simm.s32 @!p1 $0x2  }
0x44: {  	s15 =	smov.u32 s23;
	s24 =	simm.s32 @p3 $0x0;
	_ =	swait.ge @!p1 [sflag:s1], s0  }
0x45: {  	s0 =	ssub.s32 @!p1 $0x0, s0;
	s16 =	smov.u32 s24;
	[sflag:s1] =	ssyncset.done @!p1 $0x0  }
0x46: {  	s18 =	sadd.s32 $0x1, s18;
	[sflag:s1] =	ssyncadd.s32 @!p1 s0;
	s17 =	smov.u32 s25  }
.LBB1_1:
0x47: {  	p1 =	sge.u32 s18, s6  }
0x48: {  	s23 =	sshll.u32 @!p1 s15, $0x8;
	s24 =	sshll.u32 @!p1 s14, $0x3  }
0x49: {  	s25 =	sshll.u32 @!p1 s15, $0x7;
	s23 =	sand.u32 @!p1 $0xFFFFF800, s23;
	s24 =	sand.u32 @!p1 $0xFFFFFC00, s24  }
0x4a: {  	s23 =	sadd.s32 @!p1 s23, s24;
	s24 =	sand.u32 @!p1 $0x300, s25  }
0x4b: {  	s23 =	sor.u32 @!p1 s24, s23  }
0x4c: {  	s23 =	sshrl.u32 @!p1 s23, $0x8  }
0x4d: {  	s24 =	smulhi.u32 @!p1 $0x124924A, s23  }
0x4e: {  	s31 =	sadd.s32 $0xFFFFFFFF, s18;
	s26 =	sxor.u32 @!p1 $0xFFFFFFFF, s18;
	s28 =	smul.u32 @!p1 $0x2A0000, s17  }
0x4f: {  	s27 =	sand.u32 @!p1 $0x78, s14;
	s25 =	sand.u32 @!p1 $0x80, s25;
	s24 =	smul.u32 @!p1 $0xE0, s24  }
0x50: {  	s26 =	sshll.u32 @!p1 s26, $0xE;
	s25 =	sor.u32 @!p1 s27, s25;
	s27 =	smul.u32 @!p1 $0x1C00, s16  }
0x51: {  	s23 =	ssub.s32 @!p1 s23, s24;
	s24 =	sand.u32 @!p1 $0x4000, s26;
	s26 =	sadd.s32 @!p1 s4, s28  }
0x52: {  	s25 =	sshrl.u32 @!p1 s25, $0x3;
	s26 =	sadd.s32 @!p1 s27, s26;
	s27 =	sand.u32 @!p1 $0x7, s14  }
0x53: {  	s23 =	sshll.u32 @!p1 s23, $0x5;
	s25 =	sadd.s32 @!p1 s25, s26;
	s26 =	sshll.u32 @!p1 s27, $0x12  }
0x54: {  	s23 =	sadd.s32 @!p1 s23, s25;
	s25 =	sor.u32 @!p1 $0x80, s26;
	s26 =	simm.s32 @!p1 $0xE000  }
0x55: {  	[tilespmem:s24], [sflag:$0x1] =	stream.strided.gather @!p1 [hbm4b:s23+s25], $0x4000, s26, s25, $0x38;
	[tilespmem:$0x10100] =	vst v63  }
0x56: {  	p1 =	sge.u32 s31, s6  }
.Ltmp2:
0x57: {  	_ = 	snop;
	(pc) =	sbr.rel @p1 .LBB1_5-.Ltmp2, $1  }
0x58: {  	_ =	sdelay $0x3  }
0x59: {  	s23 =	simm.s32 $0x1  }
0x5a: {  	_ =	swait.ge [sflag:s5], $0x4000;
	s23 =	simm.s32 @!p0 $0x0  }
0x5b: {  	[sflag:s5] =	ssyncset.done $0x0;
	s24 =	sshll.u32 s23, $0xE  }
0x5c: {  	[sflag:s5] =	ssyncadd.s32 $0xFFFFC000;
	s24 =	sor.u32 $0x40, s24  }
0x5d: {  	s23 =	smul.u32 $0x10200, s23;
	v0 =	vld [tilespmem:s24+$0x30]  }
0x5e: {  	v1 =	vld [tilespmem:s24+$0xFFFFFFD0]  }
0x5f: {  	s23 =	sshrl.u32 s23, $0x2;
	v5 =	vld [tilespmem:s24+$0xFFFFFFE0]  }
0x60: {  	v6 =	vld [tilespmem:s24+$0xFFFFFFF0];
	s25 =	sor.u32 $0x8000, s23  }
0x61: {  	s31 =	sand.u32 $0x1, s18;
	v4 =	vld [tilespmem:s24+$0x0];
	s26 =	sadd.s32 $0x0, s25  }
0x62: {  	v3 =	vld [tilespmem:s24+$0x10];
	s23 =	smul.u32 $0x10200, s31;
	[tilespmem:s26+$0x3870 ss:$0x81] =	vst.msk $0xffff, v0  }
0x63: {  	v2 =	vld [tilespmem:s24+$0x20];
	[tilespmem:s26+$0x810 ss:$0x81] =	vst.msk $0xffff, v1  }
0x64: {  	s23 =	sshrl.u32 s23, $0x2;
	v1 =	vld [tilespmem:s24+$0xFFFFFFC0];
	[tilespmem:s26+$0x1020 ss:$0x81] =	vst.msk $0xffff, v5;
	s24 =	sadd.s32 $0x80, s24  }
0x65: {  	s27 =	simm.s32 $0x4;
	s28 =	simm.s32 $0x8;
	s23 =	sor.u32 $0x8000, s23;
	[tilespmem:s26+$0x1830 ss:$0x81] =	vst.msk $0xffff, v6;
	v0 =	vld [tilespmem:s24+$0x30]  }
.LBB1_3:
0x66: {  	p1 =	sne.s32 s28, $0x1FC;
	v5 =	vld [tilespmem:s24+$0xFFFFFFD0];
	[tilespmem:s26+$0x2040 ss:$0x81] =	vst.msk $0xffff, v4  }
0x67: {  	v6 =	vld [tilespmem:s24+$0xFFFFFFE0];
	[tilespmem:s26+$0x2850 ss:$0x81] =	vst.msk $0xffff, v3  }
0x68: {  	s29 =	sshra.s32 s27, $0x2;
	s27 =	smov.u32 s28;
	v7 =	vld [tilespmem:s24+$0xFFFFFFF0];
	[tilespmem:s26+$0x3060 ss:$0x81] =	vst.msk $0xffff, v2  }
.Ltmp3:
0x69: {  	v4 =	vld [tilespmem:s24+$0x0];
	[tilespmem:s26+$0x0 ss:$0x81] =	vst.msk $0xffff, v1;
	s26 =	sadd.s32 s29, s25;
	(pc) =	sbr.rel @p1 .LBB1_3-.Ltmp3, $4  }
0x6a: {  	v3 =	vld [tilespmem:s24+$0x10];
	[tilespmem:s26+$0x3870 ss:$0x81] =	vst.msk $0xffff, v0  }
0x6b: {  	[tilespmem:s26+$0x810 ss:$0x81] =	vst.msk $0xffff, v5;
	v2 =	vld [tilespmem:s24+$0x20]  }
0x6c: {  	v1 =	vld [tilespmem:s24+$0xFFFFFFC0];
	[tilespmem:s26+$0x1020 ss:$0x81] =	vst.msk $0xffff, v6;
	s24 =	sadd.s32 $0x80, s24  }
0x6d: {  	s28 =	sadd.s32 $0x4, s28;
	v0 =	vld [tilespmem:s24+$0x30];
	[tilespmem:s26+$0x1830 ss:$0x81] =	vst.msk $0xffff, v7  }
.Ltmp4:
0x6e: {  	_ = 	snop;
	(pc) =	sbr.rel .LBB1_4-.Ltmp4, $1  }
0x6f: {  	_ =	sdelay $0x3  }
.LBB1_6:
0x70: {  	_ =	sfence.sel $0x180000  }
0x71: {  	s0 =	simm.s32 $0x1;
	[bflag:$0x0] =	sbarrier.arrive $0xFFFF  }
0x72: {  	s30 =	simm.s32 $0x2;
	[sflag:s0] =	ssyncpa.u1 $0x1  }
0x73: {  	[sflag:s30] =	ssyncpa.u1 $0x1  }
0x74: {  	_ =	strace $0x9000004A  }
0x75: {  	s31 =	stileid.u32;
	[bflag:$0x2] =	sbarrier.arrive $0xFFFF  }
0x76: {  	p0 =	sne.s32 s31, $0x0;
	s0 =	rddreg [dreg:$0x2]  }
0x77: {  	s0 =	sadd.s32 @!p0 $0x100000, s0  }
0x78: {  	[sflag:s0] =	ssyncadd.tile.s32 @!p0 $0x1;
	_ =	shalt  }
.Lfunc_end1:
_tile_overlayer_lowered:
.L_overlay_start_2:
0x79: {  	(tag) =	ssettag $0x2  }
0x7a: {  	s0 =	rddreg [dreg:$0x0];
	s2 =	stileid.u32  }
0x7b: {  	s1 =	rddreg [dreg:$0x1];
	p0 =	sne.s32 s2, $0x0  }
0x7c: {  	s3 =	rddreg [dreg:$0x2];
	[bflag:$0x3] =	sbarrier.arrive $0xFFFF;
	s2 =	simm.s32 @!p0 $0x1C01  }
0x7d: {  	[timem:s3], [sflag:s2] =	dma.local @!p0 [hbm:s0], s1  }
0x7e: {  	s0 =	simm.s32 @!p0 $0x1  }
0x7f: {  	_ =	swait.ge @!p0 [sflag:s0], s1  }
0x80: {  	s1 =	ssub.s32 @!p0 $0x0, s1;
	[sflag:s0] =	ssyncset.done @!p0 $0x0  }
0x81: {  	[sflag:s0] =	ssyncadd.s32 @!p0 s1  }
0x82: {  	[bflag:$0x3] =	sbarrier.arrive $0xFFFF  }
0x83: {  	_ =	shalt  }

</sc_bundles>
